<compile_context>
chip_gen: v7x
topology: tpu7x:2x2x1
jax: 0.10.2.dev20260603
libtpu: 0.0.44.dev20260713+nightly
codegen_flags: <defaults>
</compile_context>

<pallas_src>
import functools

import jax
import jax.numpy as jnp
from jax import lax
from jax.experimental import pallas as pl
from jax.experimental.pallas import tpu as pltpu
from jax.experimental.pallas import tpu_sc as plsc

_N = 10000
_D = 128
_H = 256
_BN_EPS = 1e-5

_W = 128
_NC = 2
_NS = 16
_NWORK = _NC * _NS
_ACC_ROWS = 10096
_ZROWS = _ACC_ROWS // _NS


def _sc_aggregate(x, edges, zeros, nwin):
    niter = -(-nwin // _NWORK)
    niter = -(-niter // 12) * 12
    mesh = plsc.VectorSubcoreMesh(core_axis_name="c", subcore_axis_name="s")

    @functools.partial(
        pl.kernel,
        out_type=jax.ShapeDtypeStruct((_NC, _N, _D), jnp.float32),
        mesh=mesh,
        scratch_types=(
            [pltpu.VMEM((2, _W), jnp.int32)] * 4
            + [pltpu.VMEM((_W, _D), jnp.float32)] * 3
            + [pltpu.SemaphoreType.DMA] * 10
            + [pltpu.VMEM_SHARED((_ACC_ROWS, _D), jnp.float32)]
        ),
    )
    def agg_kernel(x_hbm, e_hbm, z_hbm, out_hbm,
                   ib0, ib1, ib2, ib3, rows0, rows1, rows2,
                   is0, is1, is2, is3, gs0, gs1, gs2, ss0, ss1, ss2, acc):
        cid = lax.axis_index("c")
        sid = lax.axis_index("s")
        wid = cid * _NS + sid
        ibuf = (ib0, ib1, ib2, ib3)
        isem = (is0, is1, is2, is3)
        rows = (rows0, rows1, rows2)
        gsem = (gs0, gs1, gs2)
        ssem = (ss0, ss1, ss2)

        def win(i):
            return (wid + i * _NWORK) * _W

        def idx_start(i, slot):
            pltpu.async_copy(e_hbm.at[:, pl.ds(win(i), _W)], ibuf[slot],
                             isem[slot])

        def idx_wait(i, slot):
            pltpu.make_async_copy(e_hbm.at[:, pl.ds(win(i), _W)], ibuf[slot],
                                  isem[slot]).wait()

        def gather_start(slot):
            pltpu.async_copy(x_hbm.at[ibuf[slot % 4].at[0]], rows[slot % 3],
                             gsem[slot % 3])

        def gather_wait(slot):
            pltpu.make_async_copy(x_hbm.at[ibuf[slot % 4].at[0]],
                                  rows[slot % 3], gsem[slot % 3]).wait()

        def scatter_wait(slot):
            pltpu.make_async_copy(rows[slot % 3],
                                  acc.at[ibuf[slot % 4].at[1]],
                                  ssem[slot % 3]).wait()

        pltpu.sync_copy(z_hbm, acc.at[pl.ds(sid * _ZROWS, _ZROWS)])
        idx_start(0, 0)
        idx_start(1, 1)
        idx_wait(0, 0)
        gather_start(0)
        plsc.subcore_barrier()

        nvalid = (nwin - wid + _NWORK - 1) // _NWORK

        @pl.loop(0, niter, step=12)
        def _(base):
            for k in range(12):
                i = base + k
                @pl.when(i + 1 < nvalid)
                def _():
                    @pl.when(i >= 2)
                    def _():
                        scatter_wait(k + 1)

                    idx_wait(i + 1, (k + 1) % 4)

                @pl.when(i + 2 < nvalid)
                def _():
                    idx_start(i + 2, (k + 2) % 4)

                @pl.when(i + 1 < nvalid)
                def _():
                    gather_start(k + 1)

                @pl.when(i < nvalid)
                def _():
                    gather_wait(k)
                    pltpu.async_copy(rows[k % 3], acc.at[ibuf[k % 4].at[1]],
                                     ssem[k % 3], add=True)

        scatter_wait(0)
        scatter_wait(1)
        scatter_wait(2)

        plsc.subcore_barrier()
        rpw = 624
        pltpu.sync_copy(acc.at[pl.ds(sid * rpw, rpw)],
                        out_hbm.at[cid].at[pl.ds(sid * rpw, rpw)])

        @pl.when(sid == _NS - 1)
        def _():
            tail = _NS * rpw
            pltpu.sync_copy(acc.at[pl.ds(tail, _N - tail)],
                            out_hbm.at[cid].at[pl.ds(tail, _N - tail)])

    return agg_kernel(x, edges, zeros)


def _bn_coeffs(tb, t2b, g, be):
    ones = jnp.ones((1, tb.shape[0]), jnp.bfloat16)
    s1 = jnp.dot(ones, tb, preferred_element_type=jnp.float32)
    s2 = jnp.dot(ones, t2b, preferred_element_type=jnp.float32)
    inv_n = 1.0 / tb.shape[0]
    mu = s1 * inv_n
    var = s2 * inv_n - mu * mu
    a = g * lax.rsqrt(var + _BN_EPS)
    return a, be - mu * a


_CB = 2000
_NCHUNK = _N // _CB


def _mlp_body(eps_ref, x_ref, agg_ref, w1_ref, b1_ref, g1_ref, be1_ref,
              w2_ref, b2_ref, g2_ref, be2_ref, o_ref,
              xb0, xb1, ab0, ab1, t_s, sx0, sx1, sa0, sa1):
    xb = (xb0, xb1)
    ab = (ab0, ab1)
    sx = (sx0, sx1)
    sa = (sa0, sa1)

    def chunk_start(c):
        rows = pl.ds(c * _CB, _CB)
        pltpu.make_async_copy(x_ref.at[rows], xb[c % 2], sx[c % 2]).start()
        pltpu.make_async_copy(agg_ref.at[:, rows], ab[c % 2], sa[c % 2]).start()

    def chunk_wait(c):
        rows = pl.ds(c * _CB, _CB)
        pltpu.make_async_copy(x_ref.at[rows], xb[c % 2], sx[c % 2]).wait()
        pltpu.make_async_copy(agg_ref.at[:, rows], ab[c % 2], sa[c % 2]).wait()

    chunk_start(0)
    w1b = w1_ref[...].astype(jnp.bfloat16)
    s1 = jnp.zeros((1, _H), jnp.float32)
    s2 = jnp.zeros((1, _H), jnp.float32)
    for c in range(_NCHUNK):
        if c + 1 < _NCHUNK:
            chunk_start(c + 1)
        chunk_wait(c)
        h = ((1.0 + eps_ref[0]) * xb[c % 2][...]
             + ab[c % 2][0] + ab[c % 2][1])
        t = jnp.dot(h.astype(jnp.bfloat16), w1b,
                    preferred_element_type=jnp.float32)
        t_s[pl.ds(c * _CB, _CB), :] = t
        tb = t.astype(jnp.bfloat16)
        ones = jnp.ones((1, _CB), jnp.bfloat16)
        s1 = s1 + jnp.dot(ones, tb, preferred_element_type=jnp.float32)
        s2 = s2 + jnp.dot(ones, tb * tb, preferred_element_type=jnp.float32)

    inv_n = 1.0 / _N
    mu = s1 * inv_n
    var = s2 * inv_n - mu * mu
    a1 = g1_ref[...] * lax.rsqrt(var + _BN_EPS)
    c1 = be1_ref[...] - mu * a1

    t = jnp.maximum(t_s[...] * a1 + c1, 0.0)
    u = jnp.dot(t.astype(jnp.bfloat16), w2_ref[...].astype(jnp.bfloat16),
                preferred_element_type=jnp.float32)
    ub = u.astype(jnp.bfloat16)
    a2, c2 = _bn_coeffs(ub, ub * ub, g2_ref[...], be2_ref[...])
    o_ref[...] = jnp.maximum(u * a2 + c2, 0.0)


def _mlp(eps, x, aggpair, W1, b1, g1, be1, W2, b2, g2, be2):
    return pl.pallas_call(
        _mlp_body,
        out_shape=jax.ShapeDtypeStruct((_N, _D), jnp.float32),
        in_specs=[pl.BlockSpec(memory_space=pltpu.SMEM),
                  pl.BlockSpec(memory_space=pl.ANY),
                  pl.BlockSpec(memory_space=pl.ANY)]
                 + [pl.BlockSpec(memory_space=pltpu.VMEM)] * 8,
        out_specs=pl.BlockSpec(memory_space=pltpu.VMEM),
        scratch_shapes=[
            pltpu.VMEM((_CB, _D), jnp.float32),
            pltpu.VMEM((_CB, _D), jnp.float32),
            pltpu.VMEM((_NC, _CB, _D), jnp.float32),
            pltpu.VMEM((_NC, _CB, _D), jnp.float32),
            pltpu.VMEM((_N, _H), jnp.float32),
            pltpu.SemaphoreType.DMA,
            pltpu.SemaphoreType.DMA,
            pltpu.SemaphoreType.DMA,
            pltpu.SemaphoreType.DMA,
        ],
    )(eps, x, aggpair, W1, b1, g1, be1, W2, b2, g2, be2)


def kernel(x, edge_index, eps, W1, b1, g1, be1, W2, b2, g2, be2):
    E = edge_index.shape[1]
    rem = E % _W
    edges = edge_index
    if rem:
        pad = _W - rem
        ar = jnp.arange(pad, dtype=jnp.int32)
        edges = jnp.concatenate(
            [edge_index,
             jnp.stack([ar % _N, _N + ar % (_ACC_ROWS - _N)])], axis=1)
    nwin = (E + _W - 1) // _W
    zeros = jnp.zeros((_ZROWS, _D), jnp.float32)
    aggpair = _sc_aggregate(x, edges, zeros, nwin)
    return _mlp(jnp.reshape(eps, (1,)), x, aggpair,
                W1, jnp.reshape(b1, (1, _H)), jnp.reshape(g1, (1, _H)),
                jnp.reshape(be1, (1, _H)),
                W2, jnp.reshape(b2, (1, _D)), jnp.reshape(g2, (1, _D)),
                jnp.reshape(be2, (1, _D)))

# --- scband reference (transcript-rebuilt; emitter-appended) ---
"""Pipeline reference for scband-ginlayer-49048526520633 (READ-ONLY COPY).

The authoritative reference and input builder live on the scoring server;
editing this copy changes nothing except your own understanding.
"""

import jax, jax.numpy as jnp
import numpy as np

N = 10000
E = 320000
D = 128
H = 256  # 2 * out_dim
BN_EPS = 1e-5


def batch_norm(h, gamma, beta):
    mu = jnp.mean(h, axis=0)
    var = jnp.var(h, axis=0)
    return (h - mu) / jnp.sqrt(var + BN_EPS) * gamma + beta


def setup_inputs(seed: int = 0) -> dict:
    key = jax.random.key(seed)
    ks = jax.random.split(key, 12)
    x = jax.random.normal(ks[0], (N, D), dtype=jnp.float32)
    edge_index = jax.random.randint(ks[1], (2, E), 0, N, dtype=jnp.int32)
    eps = jnp.zeros((), dtype=jnp.float32)  # GIN train_eps, init 0
    W1 = jax.random.normal(ks[2], (D, H), dtype=jnp.float32) * 0.05
    b1 = jnp.zeros((H,), dtype=jnp.float32)
    g1 = jnp.ones((H,), dtype=jnp.float32)
    be1 = jnp.zeros((H,), dtype=jnp.float32)
    W2 = jax.random.normal(ks[3], (H, D), dtype=jnp.float32) * 0.05
    b2 = jnp.zeros((D,), dtype=jnp.float32)
    g2 = jnp.ones((D,), dtype=jnp.float32)
    be2 = jnp.zeros((D,), dtype=jnp.float32)
    return {"x": x, "edge_index": edge_index, "eps": eps,
            "W1": W1, "b1": b1, "g1": g1, "be1": be1,
            "W2": W2, "b2": b2, "g2": g2, "be2": be2}


def reference(x, edge_index, eps, W1, b1, g1, be1, W2, b2, g2, be2):
    src = edge_index[0]
    dst = edge_index[1]
    # GINConv aggregation: sum of neighbor messages (gather from src, scatter-add to dst)
    msgs = jnp.take(x, src, axis=0)
    agg = jax.ops.segment_sum(msgs, dst, num_segments=N)
    h = (1.0 + eps) * x + agg
    # MLP: Linear -> BatchNorm1d -> ReLU -> Linear
    h = h @ W1 + b1
    h = batch_norm(h, g1, be1)
    h = jax.nn.relu(h)
    h = h @ W2 + b2
    # outer BatchNorm1d + ReLU
    h = batch_norm(h, g2, be2)
    return jax.nn.relu(h)

if __name__ == "__main__":
    import jax
    _d = setup_inputs()
    print(jax.jit(kernel)(*tuple(_d.values())))

</pallas_src>

<mosaic_0001>
#map = affine_map<(d0, d1) -> (0, 0)>
#map1 = affine_map<(d0, d1) -> (0, 0, 0)>
module attributes {stable_mosaic.version = 14 : i64} {
  func.func @agg_kernel(%arg0: i32, %arg1: i32, %arg2: memref<10000x128xf32, #tpu.memory_space<hbm>>, %arg3: memref<2x320000xi32, #tpu.memory_space<hbm>>, %arg4: memref<631x128xf32, #tpu.memory_space<hbm>>, %arg5: memref<2x10000x128xf32, #tpu.memory_space<hbm>>, %arg6: memref<2x128xi32, #tpu.memory_space<vmem>>, %arg7: memref<2x128xi32, #tpu.memory_space<vmem>>, %arg8: memref<2x128xi32, #tpu.memory_space<vmem>>, %arg9: memref<2x128xi32, #tpu.memory_space<vmem>>, %arg10: memref<128x128xf32, #tpu.memory_space<vmem>>, %arg11: memref<128x128xf32, #tpu.memory_space<vmem>>, %arg12: memref<128x128xf32, #tpu.memory_space<vmem>>, %arg13: memref<!tpu.dma_semaphore, #tpu.memory_space<semaphore_mem>>, %arg14: memref<!tpu.dma_semaphore, #tpu.memory_space<semaphore_mem>>, %arg15: memref<!tpu.dma_semaphore, #tpu.memory_space<semaphore_mem>>, %arg16: memref<!tpu.dma_semaphore, #tpu.memory_space<semaphore_mem>>, %arg17: memref<!tpu.dma_semaphore, #tpu.memory_space<semaphore_mem>>, %arg18: memref<!tpu.dma_semaphore, #tpu.memory_space<semaphore_mem>>, %arg19: memref<!tpu.dma_semaphore, #tpu.memory_space<semaphore_mem>>, %arg20: memref<!tpu.dma_semaphore, #tpu.memory_space<semaphore_mem>>, %arg21: memref<!tpu.dma_semaphore, #tpu.memory_space<semaphore_mem>>, %arg22: memref<!tpu.dma_semaphore, #tpu.memory_space<semaphore_mem>>, %arg23: memref<10096x128xf32, #tpu.memory_space<vmem_shared>>) attributes {dimension_semantics = [#tpu.dimension_semantics<core_parallel>, #tpu.dimension_semantics<subcore_parallel>], iteration_bounds = array<i64: 2, 16>, scalar_prefetch = 0 : i64, scratch_operands = 18 : i64, tpu.core_type = #tpu.core_type<sc_vector_subcore>, window_params = [{transform_indices = #map}, {transform_indices = #map}, {transform_indices = #map}, {transform_indices = #map1}]} {
    %mul3A = arith.constant 16 : i32
    %mul3A_0 = arith.muli %arg0, %mul3A : i32
    %add3A = arith.addi %mul3A_0, %arg1 : i32
    %mul3A_1 = arith.constant 631 : i32
    %mul3A_2 = arith.muli %arg1, %mul3A_1 : i32
    "tpu.region"() ({
      %run_scoped3A = tpu.sem_alloc : memref<!tpu.dma_semaphore, #tpu.memory_space<semaphore_mem>>
      %dma_start3A_86 = arith.constant 0 : i32
      %dma_start3A_87 = tpu.memref_slice %arg23[%mul3A_2, %dma_start3A_86] : memref<10096x128xf32, #tpu.memory_space<vmem_shared>> -> memref<631x128xf32, #tpu.memory_space<vmem_shared>>
      tpu.enqueue_dma source(%arg4 : memref<631x128xf32, #tpu.memory_space<hbm>>) target(%dma_start3A_87 : memref<631x128xf32, #tpu.memory_space<vmem_shared>>) target_semaphore(%run_scoped3A : memref<!tpu.dma_semaphore, #tpu.memory_space<semaphore_mem>>)
      %dma_wait3A_88 = arith.constant 0 : i32
      %dma_wait3A_89 = tpu.memref_slice %arg23[%mul3A_2, %dma_wait3A_88] : memref<10096x128xf32, #tpu.memory_space<vmem_shared>> -> memref<631x128xf32, #tpu.memory_space<vmem_shared>>
      tpu.wait_dma2 semaphore(%run_scoped3A : memref<!tpu.dma_semaphore, #tpu.memory_space<semaphore_mem>>) src(%arg4 : memref<631x128xf32, #tpu.memory_space<hbm>>) dst(%dma_wait3A_89 : memref<631x128xf32, #tpu.memory_space<vmem_shared>>)
      tpu.yield
    }) : () -> ()
    %add3A_3 = arith.constant 0 : i32
    %add3A_4 = arith.addi %add3A, %add3A_3 : i32
    %mul3A_5 = arith.constant 128 : i32
    %mul3A_6 = arith.muli %add3A_4, %mul3A_5 : i32
    %dma_start3A = arith.constant 0 : i32
    %dma_start3A_7 = tpu.memref_slice %arg3[%dma_start3A, %mul3A_6] : memref<2x320000xi32, #tpu.memory_space<hbm>> -> memref<2x128xi32, #tpu.memory_space<hbm>>
    %dma_start3A_8 = arith.constant 0 : i32
    %dma_start3A_9 = tpu.memref_slice %arg3[%dma_start3A_8, %mul3A_6] : memref<2x320000xi32, #tpu.memory_space<hbm>> -> memref<2x128xi32, #tpu.memory_space<hbm>>
    tpu.enqueue_dma source(%dma_start3A_9 : memref<2x128xi32, #tpu.memory_space<hbm>>) target(%arg6 : memref<2x128xi32, #tpu.memory_space<vmem>>) target_semaphore(%arg13 : memref<!tpu.dma_semaphore, #tpu.memory_space<semaphore_mem>>)
    %add3A_10 = arith.constant 32 : i32
    %add3A_11 = arith.addi %add3A, %add3A_10 : i32
    %mul3A_12 = arith.constant 128 : i32
    %mul3A_13 = arith.muli %add3A_11, %mul3A_12 : i32
    %dma_start3A_14 = arith.constant 0 : i32
    %dma_start3A_15 = tpu.memref_slice %arg3[%dma_start3A_14, %mul3A_13] : memref<2x320000xi32, #tpu.memory_space<hbm>> -> memref<2x128xi32, #tpu.memory_space<hbm>>
    %dma_start3A_16 = arith.constant 0 : i32
    %dma_start3A_17 = tpu.memref_slice %arg3[%dma_start3A_16, %mul3A_13] : memref<2x320000xi32, #tpu.memory_space<hbm>> -> memref<2x128xi32, #tpu.memory_space<hbm>>
    tpu.enqueue_dma source(%dma_start3A_17 : memref<2x128xi32, #tpu.memory_space<hbm>>) target(%arg7 : memref<2x128xi32, #tpu.memory_space<vmem>>) target_semaphore(%arg14 : memref<!tpu.dma_semaphore, #tpu.memory_space<semaphore_mem>>)
    %add3A_18 = arith.constant 0 : i32
    %add3A_19 = arith.addi %add3A, %add3A_18 : i32
    %mul3A_20 = arith.constant 128 : i32
    %mul3A_21 = arith.muli %add3A_19, %mul3A_20 : i32
    %dma_wait3A = arith.constant 0 : i32
    %dma_wait3A_22 = tpu.memref_slice %arg3[%dma_wait3A, %mul3A_21] : memref<2x320000xi32, #tpu.memory_space<hbm>> -> memref<2x128xi32, #tpu.memory_space<hbm>>
    %dma_wait3A_23 = arith.constant 0 : i32
    %dma_wait3A_24 = tpu.memref_slice %arg3[%dma_wait3A_23, %mul3A_21] : memref<2x320000xi32, #tpu.memory_space<hbm>> -> memref<2x128xi32, #tpu.memory_space<hbm>>
    tpu.wait_dma2 semaphore(%arg13 : memref<!tpu.dma_semaphore, #tpu.memory_space<semaphore_mem>>) src(%dma_wait3A_24 : memref<2x128xi32, #tpu.memory_space<hbm>>) dst(%arg6 : memref<2x128xi32, #tpu.memory_space<vmem>>)
    %dma_start3A_25 = arith.constant 0 : i32
    %dma_start3A_26 = arith.constant 0 : i32
    %dma_start3A_27 = tpu.memref_slice %arg6[%dma_start3A_25, %dma_start3A_26] : memref<2x128xi32, #tpu.memory_space<vmem>> -> memref<1x128xi32, #tpu.memory_space<vmem>>
    %dma_start3A_28 = tpu.memref_squeeze %dma_start3A_27 : memref<1x128xi32, #tpu.memory_space<vmem>> -> memref<128xi32, #tpu.memory_space<vmem>>
    %dma_start3A_29 = arith.constant 0 : i32
    %dma_start3A_30 = arith.constant 0 : i32
    %dma_start3A_31 = tpu.memref_slice %arg2[%dma_start3A_29, %dma_start3A_30] : memref<10000x128xf32, #tpu.memory_space<hbm>> -> memref<10000x128xf32, #tpu.memory_space<hbm>>
    tpu.enqueue_indirect_dma source(%dma_start3A_31 : memref<10000x128xf32, #tpu.memory_space<hbm>>) target(%arg10 : memref<128x128xf32, #tpu.memory_space<vmem>>) offsets(%dma_start3A_28 : memref<128xi32, #tpu.memory_space<vmem>>) semaphore(%arg17 : memref<!tpu.dma_semaphore, #tpu.memory_space<semaphore_mem>>)
    %barrier3A = arith.constant 0 : index
    tpu.barrier barrier_id(%barrier3A)
    %sub3A = arith.constant 2500 : i32
    %sub3A_32 = arith.subi %sub3A, %add3A : i32
    %add3A_33 = arith.constant 32 : i32
    %add3A_34 = arith.addi %sub3A_32, %add3A_33 : i32
    %sub3A_35 = arith.constant 1 : i32
    %sub3A_36 = arith.subi %add3A_34, %sub3A_35 : i32
    %jit3A = arith.constant 32 : i32
    %div3A = arith.divsi %sub3A_36, %jit3A : i32
    %sign3A = arith.constant 0 : i32
    %sign3A_37 = arith.cmpi sgt, %sub3A_36, %sign3A : i32
    %sign3A_38 = arith.extui %sign3A_37 : i1 to i32
    %sign3A_39 = arith.constant 0 : i32
    %sign3A_40 = arith.cmpi slt, %sub3A_36, %sign3A_39 : i32
    %sign3A_41 = arith.extui %sign3A_40 : i1 to i32
    %sign3A_42 = arith.subi %sign3A_38, %sign3A_41 : i32
    %sign3A_43 = arith.constant 0 : i32
    %sign3A_44 = arith.cmpi sgt, %jit3A, %sign3A_43 : i32
    %sign3A_45 = arith.extui %sign3A_44 : i1 to i32
    %sign3A_46 = arith.constant 0 : i32
    %sign3A_47 = arith.cmpi slt, %jit3A, %sign3A_46 : i32
    %sign3A_48 = arith.extui %sign3A_47 : i1 to i32
    %sign3A_49 = arith.subi %sign3A_45, %sign3A_48 : i32
    %ne3A = arith.cmpi ne, %sign3A_42, %sign3A_49 : i32
    %rem3A = arith.remsi %sub3A_36, %jit3A : i32
    %ne3A_50 = arith.constant 0 : i32
    %ne3A_51 = arith.cmpi ne, %rem3A, %ne3A_50 : i32
    %and3A = arith.andi %ne3A, %ne3A_51 : i1
    %sub3A_52 = arith.constant 1 : i32
    %sub3A_53 = arith.subi %div3A, %sub3A_52 : i32
    %select_n3A = arith.select %and3A, %sub3A_53, %div3A : i32
    %scan3A = arith.constant 0 : i32
    %scan3A_54 = arith.constant 7 : i32
    %scan3A_55 = arith.addi %scan3A, %scan3A_54 : i32
    %scan3A_56 = arith.constant 1 : i32
    scf.for %scan3A_86 = %scan3A to %scan3A_55 step %scan3A_56  : i32 {
      %mul3A_87 = arith.constant 12 : i32
      %mul3A_88 = arith.muli %scan3A_86, %mul3A_87 : i32
      %add3A_89 = arith.constant 0 : i32
      %add3A_90 = arith.addi %add3A_89, %mul3A_88 : i32
      %add3A_91 = arith.constant 0 : i32
      %add3A_92 = arith.addi %add3A_90, %add3A_91 : i32
      %add3A_93 = arith.constant 1 : i32
      %add3A_94 = arith.addi %add3A_92, %add3A_93 : i32
      %lt3A = arith.cmpi slt, %add3A_94, %select_n3A : i32
      %convert_element_type3A_95 = arith.extui %lt3A : i1 to i32
      %cond3A_96 = arith.constant 0 : i32
      %cond3A_97 = arith.cmpi ne, %convert_element_type3A_95, %cond3A_96 : i32
      scf.if %cond3A_97 {
        %ge3A = arith.constant 2 : i32
        %ge3A_378 = arith.cmpi sge, %add3A_92, %ge3A : i32
        %convert_element_type3A_379 = arith.extui %ge3A_378 : i1 to i32
        %cond3A_380 = arith.constant 0 : i32
        %cond3A_381 = arith.cmpi ne, %convert_element_type3A_379, %cond3A_380 : i32
        scf.if %cond3A_381 {
          %dma_wait3A_393 = arith.constant 1 : i32
          %dma_wait3A_394 = arith.constant 0 : i32
          %dma_wait3A_395 = tpu.memref_slice %arg7[%dma_wait3A_393, %dma_wait3A_394] : memref<2x128xi32, #tpu.memory_space<vmem>> -> memref<1x128xi32, #tpu.memory_space<vmem>>
          %dma_wait3A_396 = tpu.memref_squeeze %dma_wait3A_395 : memref<1x128xi32, #tpu.memory_space<vmem>> -> memref<128xi32, #tpu.memory_space<vmem>>
          %dma_wait3A_397 = arith.constant 0 : i32
          %dma_wait3A_398 = arith.constant 0 : i32
          %dma_wait3A_399 = tpu.memref_slice %arg23[%dma_wait3A_397, %dma_wait3A_398] : memref<10096x128xf32, #tpu.memory_space<vmem_shared>> -> memref<10096x128xf32, #tpu.memory_space<vmem_shared>>
          tpu.wait_indirect_dma semaphore(%arg21 : memref<!tpu.dma_semaphore, #tpu.memory_space<semaphore_mem>>) src(%arg11 : memref<128x128xf32, #tpu.memory_space<vmem>>) dst(%dma_wait3A_399 : memref<10096x128xf32, #tpu.memory_space<vmem_shared>>)
        } else {
        }
        %add3A_382 = arith.constant 1 : i32
        %add3A_383 = arith.addi %add3A_92, %add3A_382 : i32
        %mul3A_384 = arith.constant 32 : i32
        %mul3A_385 = arith.muli %add3A_383, %mul3A_384 : i32
        %add3A_386 = arith.addi %add3A, %mul3A_385 : i32
        %mul3A_387 = arith.constant 128 : i32
        %mul3A_388 = arith.muli %add3A_386, %mul3A_387 : i32
        %dma_wait3A_389 = arith.constant 0 : i32
        %dma_wait3A_390 = tpu.memref_slice %arg3[%dma_wait3A_389, %mul3A_388] : memref<2x320000xi32, #tpu.memory_space<hbm>> -> memref<2x128xi32, #tpu.memory_space<hbm>>
        %dma_wait3A_391 = arith.constant 0 : i32
        %dma_wait3A_392 = tpu.memref_slice %arg3[%dma_wait3A_391, %mul3A_388] : memref<2x320000xi32, #tpu.memory_space<hbm>> -> memref<2x128xi32, #tpu.memory_space<hbm>>
        tpu.wait_dma2 semaphore(%arg14 : memref<!tpu.dma_semaphore, #tpu.memory_space<semaphore_mem>>) src(%dma_wait3A_392 : memref<2x128xi32, #tpu.memory_space<hbm>>) dst(%arg7 : memref<2x128xi32, #tpu.memory_space<vmem>>)
      } else {
      }
      %add3A_98 = arith.constant 2 : i32
      %add3A_99 = arith.addi %add3A_92, %add3A_98 : i32
      %lt3A_100 = arith.cmpi slt, %add3A_99, %select_n3A : i32
      %convert_element_type3A_101 = arith.extui %lt3A_100 : i1 to i32
      %cond3A_102 = arith.constant 0 : i32
      %cond3A_103 = arith.cmpi ne, %convert_element_type3A_101, %cond3A_102 : i32
      scf.if %cond3A_103 {
        %add3A_378 = arith.constant 2 : i32
        %add3A_379 = arith.addi %add3A_92, %add3A_378 : i32
        %mul3A_380 = arith.constant 32 : i32
        %mul3A_381 = arith.muli %add3A_379, %mul3A_380 : i32
        %add3A_382 = arith.addi %add3A, %mul3A_381 : i32
        %mul3A_383 = arith.constant 128 : i32
        %mul3A_384 = arith.muli %add3A_382, %mul3A_383 : i32
        %dma_start3A_385 = arith.constant 0 : i32
        %dma_start3A_386 = tpu.memref_slice %arg3[%dma_start3A_385, %mul3A_384] : memref<2x320000xi32, #tpu.memory_space<hbm>> -> memref<2x128xi32, #tpu.memory_space<hbm>>
        %dma_start3A_387 = arith.constant 0 : i32
        %dma_start3A_388 = tpu.memref_slice %arg3[%dma_start3A_387, %mul3A_384] : memref<2x320000xi32, #tpu.memory_space<hbm>> -> memref<2x128xi32, #tpu.memory_space<hbm>>
        tpu.enqueue_dma source(%dma_start3A_388 : memref<2x128xi32, #tpu.memory_space<hbm>>) target(%arg8 : memref<2x128xi32, #tpu.memory_space<vmem>>) target_semaphore(%arg15 : memref<!tpu.dma_semaphore, #tpu.memory_space<semaphore_mem>>)
      } else {
      }
      %add3A_104 = arith.constant 1 : i32
      %add3A_105 = arith.addi %add3A_92, %add3A_104 : i32
      %lt3A_106 = arith.cmpi slt, %add3A_105, %select_n3A : i32
      %convert_element_type3A_107 = arith.extui %lt3A_106 : i1 to i32
      %cond3A_108 = arith.constant 0 : i32
      %cond3A_109 = arith.cmpi ne, %convert_element_type3A_107, %cond3A_108 : i32
      scf.if %cond3A_109 {
        %dma_start3A_378 = arith.constant 0 : i32
        %dma_start3A_379 = arith.constant 0 : i32
        %dma_start3A_380 = tpu.memref_slice %arg7[%dma_start3A_378, %dma_start3A_379] : memref<2x128xi32, #tpu.memory_space<vmem>> -> memref<1x128xi32, #tpu.memory_space<vmem>>
        %dma_start3A_381 = tpu.memref_squeeze %dma_start3A_380 : memref<1x128xi32, #tpu.memory_space<vmem>> -> memref<128xi32, #tpu.memory_space<vmem>>
        %dma_start3A_382 = arith.constant 0 : i32
        %dma_start3A_383 = arith.constant 0 : i32
        %dma_start3A_384 = tpu.memref_slice %arg2[%dma_start3A_382, %dma_start3A_383] : memref<10000x128xf32, #tpu.memory_space<hbm>> -> memref<10000x128xf32, #tpu.memory_space<hbm>>
        tpu.enqueue_indirect_dma source(%dma_start3A_384 : memref<10000x128xf32, #tpu.memory_space<hbm>>) target(%arg11 : memref<128x128xf32, #tpu.memory_space<vmem>>) offsets(%dma_start3A_381 : memref<128xi32, #tpu.memory_space<vmem>>) semaphore(%arg18 : memref<!tpu.dma_semaphore, #tpu.memory_space<semaphore_mem>>)
      } else {
      }
      %lt3A_110 = arith.cmpi slt, %add3A_92, %select_n3A : i32
      %convert_element_type3A_111 = arith.extui %lt3A_110 : i1 to i32
      %cond3A_112 = arith.constant 0 : i32
      %cond3A_113 = arith.cmpi ne, %convert_element_type3A_111, %cond3A_112 : i32
      scf.if %cond3A_113 {
        %dma_wait3A_378 = arith.constant 0 : i32
        %dma_wait3A_379 = arith.constant 0 : i32
        %dma_wait3A_380 = tpu.memref_slice %arg6[%dma_wait3A_378, %dma_wait3A_379] : memref<2x128xi32, #tpu.memory_space<vmem>> -> memref<1x128xi32, #tpu.memory_space<vmem>>
        %dma_wait3A_381 = tpu.memref_squeeze %dma_wait3A_380 : memref<1x128xi32, #tpu.memory_space<vmem>> -> memref<128xi32, #tpu.memory_space<vmem>>
        %dma_wait3A_382 = arith.constant 0 : i32
        %dma_wait3A_383 = arith.constant 0 : i32
        %dma_wait3A_384 = tpu.memref_slice %arg2[%dma_wait3A_382, %dma_wait3A_383] : memref<10000x128xf32, #tpu.memory_space<hbm>> -> memref<10000x128xf32, #tpu.memory_space<hbm>>
        tpu.wait_indirect_dma semaphore(%arg17 : memref<!tpu.dma_semaphore, #tpu.memory_space<semaphore_mem>>) src(%dma_wait3A_384 : memref<10000x128xf32, #tpu.memory_space<hbm>>) dst(%arg10 : memref<128x128xf32, #tpu.memory_space<vmem>>)
        %dma_start3A_385 = arith.constant 1 : i32
        %dma_start3A_386 = arith.constant 0 : i32
        %dma_start3A_387 = tpu.memref_slice %arg6[%dma_start3A_385, %dma_start3A_386] : memref<2x128xi32, #tpu.memory_space<vmem>> -> memref<1x128xi32, #tpu.memory_space<vmem>>
        %dma_start3A_388 = tpu.memref_squeeze %dma_start3A_387 : memref<1x128xi32, #tpu.memory_space<vmem>> -> memref<128xi32, #tpu.memory_space<vmem>>
        %dma_start3A_389 = arith.constant 0 : i32
        %dma_start3A_390 = arith.constant 0 : i32
        %dma_start3A_391 = tpu.memref_slice %arg23[%dma_start3A_389, %dma_start3A_390] : memref<10096x128xf32, #tpu.memory_space<vmem_shared>> -> memref<10096x128xf32, #tpu.memory_space<vmem_shared>>
        tpu.enqueue_indirect_dma source(%arg10 : memref<128x128xf32, #tpu.memory_space<vmem>>) target(%dma_start3A_391 : memref<10096x128xf32, #tpu.memory_space<vmem_shared>>) offsets(%dma_start3A_388 : memref<128xi32, #tpu.memory_space<vmem>>) semaphore(%arg20 : memref<!tpu.dma_semaphore, #tpu.memory_space<semaphore_mem>>) {add = true}
      } else {
      }
      %add3A_114 = arith.constant 1 : i32
      %add3A_115 = arith.addi %add3A_90, %add3A_114 : i32
      %add3A_116 = arith.constant 1 : i32
      %add3A_117 = arith.addi %add3A_115, %add3A_116 : i32
      %lt3A_118 = arith.cmpi slt, %add3A_117, %select_n3A : i32
      %convert_element_type3A_119 = arith.extui %lt3A_118 : i1 to i32
      %cond3A_120 = arith.constant 0 : i32
      %cond3A_121 = arith.cmpi ne, %convert_element_type3A_119, %cond3A_120 : i32
      scf.if %cond3A_121 {
        %ge3A = arith.constant 2 : i32
        %ge3A_378 = arith.cmpi sge, %add3A_115, %ge3A : i32
        %convert_element_type3A_379 = arith.extui %ge3A_378 : i1 to i32
        %cond3A_380 = arith.constant 0 : i32
        %cond3A_381 = arith.cmpi ne, %convert_element_type3A_379, %cond3A_380 : i32
        scf.if %cond3A_381 {
          %dma_wait3A_393 = arith.constant 1 : i32
          %dma_wait3A_394 = arith.constant 0 : i32
          %dma_wait3A_395 = tpu.memref_slice %arg8[%dma_wait3A_393, %dma_wait3A_394] : memref<2x128xi32, #tpu.memory_space<vmem>> -> memref<1x128xi32, #tpu.memory_space<vmem>>
          %dma_wait3A_396 = tpu.memref_squeeze %dma_wait3A_395 : memref<1x128xi32, #tpu.memory_space<vmem>> -> memref<128xi32, #tpu.memory_space<vmem>>
          %dma_wait3A_397 = arith.constant 0 : i32
          %dma_wait3A_398 = arith.constant 0 : i32
          %dma_wait3A_399 = tpu.memref_slice %arg23[%dma_wait3A_397, %dma_wait3A_398] : memref<10096x128xf32, #tpu.memory_space<vmem_shared>> -> memref<10096x128xf32, #tpu.memory_space<vmem_shared>>
          tpu.wait_indirect_dma semaphore(%arg22 : memref<!tpu.dma_semaphore, #tpu.memory_space<semaphore_mem>>) src(%arg12 : memref<128x128xf32, #tpu.memory_space<vmem>>) dst(%dma_wait3A_399 : memref<10096x128xf32, #tpu.memory_space<vmem_shared>>)
        } else {
        }
        %add3A_382 = arith.constant 1 : i32
        %add3A_383 = arith.addi %add3A_115, %add3A_382 : i32
        %mul3A_384 = arith.constant 32 : i32
        %mul3A_385 = arith.muli %add3A_383, %mul3A_384 : i32
        %add3A_386 = arith.addi %add3A, %mul3A_385 : i32
        %mul3A_387 = arith.constant 128 : i32
        %mul3A_388 = arith.muli %add3A_386, %mul3A_387 : i32
        %dma_wait3A_389 = arith.constant 0 : i32
        %dma_wait3A_390 = tpu.memref_slice %arg3[%dma_wait3A_389, %mul3A_388] : memref<2x320000xi32, #tpu.memory_space<hbm>> -> memref<2x128xi32, #tpu.memory_space<hbm>>
        %dma_wait3A_391 = arith.constant 0 : i32
        %dma_wait3A_392 = tpu.memref_slice %arg3[%dma_wait3A_391, %mul3A_388] : memref<2x320000xi32, #tpu.memory_space<hbm>> -> memref<2x128xi32, #tpu.memory_space<hbm>>
        tpu.wait_dma2 semaphore(%arg15 : memref<!tpu.dma_semaphore, #tpu.memory_space<semaphore_mem>>) src(%dma_wait3A_392 : memref<2x128xi32, #tpu.memory_space<hbm>>) dst(%arg8 : memref<2x128xi32, #tpu.memory_space<vmem>>)
      } else {
      }
      %add3A_122 = arith.constant 2 : i32
      %add3A_123 = arith.addi %add3A_115, %add3A_122 : i32
      %lt3A_124 = arith.cmpi slt, %add3A_123, %select_n3A : i32
      %convert_element_type3A_125 = arith.extui %lt3A_124 : i1 to i32
      %cond3A_126 = arith.constant 0 : i32
      %cond3A_127 = arith.cmpi ne, %convert_element_type3A_125, %cond3A_126 : i32
      scf.if %cond3A_127 {
        %add3A_378 = arith.constant 2 : i32
        %add3A_379 = arith.addi %add3A_115, %add3A_378 : i32
        %mul3A_380 = arith.constant 32 : i32
        %mul3A_381 = arith.muli %add3A_379, %mul3A_380 : i32
        %add3A_382 = arith.addi %add3A, %mul3A_381 : i32
        %mul3A_383 = arith.constant 128 : i32
        %mul3A_384 = arith.muli %add3A_382, %mul3A_383 : i32
        %dma_start3A_385 = arith.constant 0 : i32
        %dma_start3A_386 = tpu.memref_slice %arg3[%dma_start3A_385, %mul3A_384] : memref<2x320000xi32, #tpu.memory_space<hbm>> -> memref<2x128xi32, #tpu.memory_space<hbm>>
        %dma_start3A_387 = arith.constant 0 : i32
        %dma_start3A_388 = tpu.memref_slice %arg3[%dma_start3A_387, %mul3A_384] : memref<2x320000xi32, #tpu.memory_space<hbm>> -> memref<2x128xi32, #tpu.memory_space<hbm>>
        tpu.enqueue_dma source(%dma_start3A_388 : memref<2x128xi32, #tpu.memory_space<hbm>>) target(%arg9 : memref<2x128xi32, #tpu.memory_space<vmem>>) target_semaphore(%arg16 : memref<!tpu.dma_semaphore, #tpu.memory_space<semaphore_mem>>)
      } else {
      }
      %add3A_128 = arith.constant 1 : i32
      %add3A_129 = arith.addi %add3A_115, %add3A_128 : i32
      %lt3A_130 = arith.cmpi slt, %add3A_129, %select_n3A : i32
      %convert_element_type3A_131 = arith.extui %lt3A_130 : i1 to i32
      %cond3A_132 = arith.constant 0 : i32
      %cond3A_133 = arith.cmpi ne, %convert_element_type3A_131, %cond3A_132 : i32
      scf.if %cond3A_133 {
        %dma_start3A_378 = arith.constant 0 : i32
        %dma_start3A_379 = arith.constant 0 : i32
        %dma_start3A_380 = tpu.memref_slice %arg8[%dma_start3A_378, %dma_start3A_379] : memref<2x128xi32, #tpu.memory_space<vmem>> -> memref<1x128xi32, #tpu.memory_space<vmem>>
        %dma_start3A_381 = tpu.memref_squeeze %dma_start3A_380 : memref<1x128xi32, #tpu.memory_space<vmem>> -> memref<128xi32, #tpu.memory_space<vmem>>
        %dma_start3A_382 = arith.constant 0 : i32
        %dma_start3A_383 = arith.constant 0 : i32
        %dma_start3A_384 = tpu.memref_slice %arg2[%dma_start3A_382, %dma_start3A_383] : memref<10000x128xf32, #tpu.memory_space<hbm>> -> memref<10000x128xf32, #tpu.memory_space<hbm>>
        tpu.enqueue_indirect_dma source(%dma_start3A_384 : memref<10000x128xf32, #tpu.memory_space<hbm>>) target(%arg12 : memref<128x128xf32, #tpu.memory_space<vmem>>) offsets(%dma_start3A_381 : memref<128xi32, #tpu.memory_space<vmem>>) semaphore(%arg19 : memref<!tpu.dma_semaphore, #tpu.memory_space<semaphore_mem>>)
      } else {
      }
      %lt3A_134 = arith.cmpi slt, %add3A_115, %select_n3A : i32
      %convert_element_type3A_135 = arith.extui %lt3A_134 : i1 to i32
      %cond3A_136 = arith.constant 0 : i32
      %cond3A_137 = arith.cmpi ne, %convert_element_type3A_135, %cond3A_136 : i32
      scf.if %cond3A_137 {
        %dma_wait3A_378 = arith.constant 0 : i32
        %dma_wait3A_379 = arith.constant 0 : i32
        %dma_wait3A_380 = tpu.memref_slice %arg7[%dma_wait3A_378, %dma_wait3A_379] : memref<2x128xi32, #tpu.memory_space<vmem>> -> memref<1x128xi32, #tpu.memory_space<vmem>>
        %dma_wait3A_381 = tpu.memref_squeeze %dma_wait3A_380 : memref<1x128xi32, #tpu.memory_space<vmem>> -> memref<128xi32, #tpu.memory_space<vmem>>
        %dma_wait3A_382 = arith.constant 0 : i32
        %dma_wait3A_383 = arith.constant 0 : i32
        %dma_wait3A_384 = tpu.memref_slice %arg2[%dma_wait3A_382, %dma_wait3A_383] : memref<10000x128xf32, #tpu.memory_space<hbm>> -> memref<10000x128xf32, #tpu.memory_space<hbm>>
        tpu.wait_indirect_dma semaphore(%arg18 : memref<!tpu.dma_semaphore, #tpu.memory_space<semaphore_mem>>) src(%dma_wait3A_384 : memref<10000x128xf32, #tpu.memory_space<hbm>>) dst(%arg11 : memref<128x128xf32, #tpu.memory_space<vmem>>)
        %dma_start3A_385 = arith.constant 1 : i32
        %dma_start3A_386 = arith.constant 0 : i32
        %dma_start3A_387 = tpu.memref_slice %arg7[%dma_start3A_385, %dma_start3A_386] : memref<2x128xi32, #tpu.memory_space<vmem>> -> memref<1x128xi32, #tpu.memory_space<vmem>>
        %dma_start3A_388 = tpu.memref_squeeze %dma_start3A_387 : memref<1x128xi32, #tpu.memory_space<vmem>> -> memref<128xi32, #tpu.memory_space<vmem>>
        %dma_start3A_389 = arith.constant 0 : i32
        %dma_start3A_390 = arith.constant 0 : i32
        %dma_start3A_391 = tpu.memref_slice %arg23[%dma_start3A_389, %dma_start3A_390] : memref<10096x128xf32, #tpu.memory_space<vmem_shared>> -> memref<10096x128xf32, #tpu.memory_space<vmem_shared>>
        tpu.enqueue_indirect_dma source(%arg11 : memref<128x128xf32, #tpu.memory_space<vmem>>) target(%dma_start3A_391 : memref<10096x128xf32, #tpu.memory_space<vmem_shared>>) offsets(%dma_start3A_388 : memref<128xi32, #tpu.memory_space<vmem>>) semaphore(%arg21 : memref<!tpu.dma_semaphore, #tpu.memory_space<semaphore_mem>>) {add = true}
      } else {
      }
      %add3A_138 = arith.constant 2 : i32
      %add3A_139 = arith.addi %add3A_90, %add3A_138 : i32
      %add3A_140 = arith.constant 1 : i32
      %add3A_141 = arith.addi %add3A_139, %add3A_140 : i32
      %lt3A_142 = arith.cmpi slt, %add3A_141, %select_n3A : i32
      %convert_element_type3A_143 = arith.extui %lt3A_142 : i1 to i32
      %cond3A_144 = arith.constant 0 : i32
      %cond3A_145 = arith.cmpi ne, %convert_element_type3A_143, %cond3A_144 : i32
      scf.if %cond3A_145 {
        %ge3A = arith.constant 2 : i32
        %ge3A_378 = arith.cmpi sge, %add3A_139, %ge3A : i32
        %convert_element_type3A_379 = arith.extui %ge3A_378 : i1 to i32
        %cond3A_380 = arith.constant 0 : i32
        %cond3A_381 = arith.cmpi ne, %convert_element_type3A_379, %cond3A_380 : i32
        scf.if %cond3A_381 {
          %dma_wait3A_393 = arith.constant 1 : i32
          %dma_wait3A_394 = arith.constant 0 : i32
          %dma_wait3A_395 = tpu.memref_slice %arg9[%dma_wait3A_393, %dma_wait3A_394] : memref<2x128xi32, #tpu.memory_space<vmem>> -> memref<1x128xi32, #tpu.memory_space<vmem>>
          %dma_wait3A_396 = tpu.memref_squeeze %dma_wait3A_395 : memref<1x128xi32, #tpu.memory_space<vmem>> -> memref<128xi32, #tpu.memory_space<vmem>>
          %dma_wait3A_397 = arith.constant 0 : i32
          %dma_wait3A_398 = arith.constant 0 : i32
          %dma_wait3A_399 = tpu.memref_slice %arg23[%dma_wait3A_397, %dma_wait3A_398] : memref<10096x128xf32, #tpu.memory_space<vmem_shared>> -> memref<10096x128xf32, #tpu.memory_space<vmem_shared>>
          tpu.wait_indirect_dma semaphore(%arg20 : memref<!tpu.dma_semaphore, #tpu.memory_space<semaphore_mem>>) src(%arg10 : memref<128x128xf32, #tpu.memory_space<vmem>>) dst(%dma_wait3A_399 : memref<10096x128xf32, #tpu.memory_space<vmem_shared>>)
        } else {
        }
        %add3A_382 = arith.constant 1 : i32
        %add3A_383 = arith.addi %add3A_139, %add3A_382 : i32
        %mul3A_384 = arith.constant 32 : i32
        %mul3A_385 = arith.muli %add3A_383, %mul3A_384 : i32
        %add3A_386 = arith.addi %add3A, %mul3A_385 : i32
        %mul3A_387 = arith.constant 128 : i32
        %mul3A_388 = arith.muli %add3A_386, %mul3A_387 : i32
        %dma_wait3A_389 = arith.constant 0 : i32
        %dma_wait3A_390 = tpu.memref_slice %arg3[%dma_wait3A_389, %mul3A_388] : memref<2x320000xi32, #tpu.memory_space<hbm>> -> memref<2x128xi32, #tpu.memory_space<hbm>>
        %dma_wait3A_391 = arith.constant 0 : i32
        %dma_wait3A_392 = tpu.memref_slice %arg3[%dma_wait3A_391, %mul3A_388] : memref<2x320000xi32, #tpu.memory_space<hbm>> -> memref<2x128xi32, #tpu.memory_space<hbm>>
        tpu.wait_dma2 semaphore(%arg16 : memref<!tpu.dma_semaphore, #tpu.memory_space<semaphore_mem>>) src(%dma_wait3A_392 : memref<2x128xi32, #tpu.memory_space<hbm>>) dst(%arg9 : memref<2x128xi32, #tpu.memory_space<vmem>>)
      } else {
      }
      %add3A_146 = arith.constant 2 : i32
      %add3A_147 = arith.addi %add3A_139, %add3A_146 : i32
      %lt3A_148 = arith.cmpi slt, %add3A_147, %select_n3A : i32
      %convert_element_type3A_149 = arith.extui %lt3A_148 : i1 to i32
      %cond3A_150 = arith.constant 0 : i32
      %cond3A_151 = arith.cmpi ne, %convert_element_type3A_149, %cond3A_150 : i32
      scf.if %cond3A_151 {
        %add3A_378 = arith.constant 2 : i32
        %add3A_379 = arith.addi %add3A_139, %add3A_378 : i32
        %mul3A_380 = arith.constant 32 : i32
        %mul3A_381 = arith.muli %add3A_379, %mul3A_380 : i32
        %add3A_382 = arith.addi %add3A, %mul3A_381 : i32
        %mul3A_383 = arith.constant 128 : i32
        %mul3A_384 = arith.muli %add3A_382, %mul3A_383 : i32
        %dma_start3A_385 = arith.constant 0 : i32
        %dma_start3A_386 = tpu.memref_slice %arg3[%dma_start3A_385, %mul3A_384] : memref<2x320000xi32, #tpu.memory_space<hbm>> -> memref<2x128xi32, #tpu.memory_space<hbm>>
        %dma_start3A_387 = arith.constant 0 : i32
        %dma_start3A_388 = tpu.memref_slice %arg3[%dma_start3A_387, %mul3A_384] : memref<2x320000xi32, #tpu.memory_space<hbm>> -> memref<2x128xi32, #tpu.memory_space<hbm>>
        tpu.enqueue_dma source(%dma_start3A_388 : memref<2x128xi32, #tpu.memory_space<hbm>>) target(%arg6 : memref<2x128xi32, #tpu.memory_space<vmem>>) target_semaphore(%arg13 : memref<!tpu.dma_semaphore, #tpu.memory_space<semaphore_mem>>)
      } else {
      }
      %add3A_152 = arith.constant 1 : i32
      %add3A_153 = arith.addi %add3A_139, %add3A_152 : i32
      %lt3A_154 = arith.cmpi slt, %add3A_153, %select_n3A : i32
      %convert_element_type3A_155 = arith.extui %lt3A_154 : i1 to i32
      %cond3A_156 = arith.constant 0 : i32
      %cond3A_157 = arith.cmpi ne, %convert_element_type3A_155, %cond3A_156 : i32
      scf.if %cond3A_157 {
        %dma_start3A_378 = arith.constant 0 : i32
        %dma_start3A_379 = arith.constant 0 : i32
        %dma_start3A_380 = tpu.memref_slice %arg9[%dma_start3A_378, %dma_start3A_379] : memref<2x128xi32, #tpu.memory_space<vmem>> -> memref<1x128xi32, #tpu.memory_space<vmem>>
        %dma_start3A_381 = tpu.memref_squeeze %dma_start3A_380 : memref<1x128xi32, #tpu.memory_space<vmem>> -> memref<128xi32, #tpu.memory_space<vmem>>
        %dma_start3A_382 = arith.constant 0 : i32
        %dma_start3A_383 = arith.constant 0 : i32
        %dma_start3A_384 = tpu.memref_slice %arg2[%dma_start3A_382, %dma_start3A_383] : memref<10000x128xf32, #tpu.memory_space<hbm>> -> memref<10000x128xf32, #tpu.memory_space<hbm>>
        tpu.enqueue_indirect_dma source(%dma_start3A_384 : memref<10000x128xf32, #tpu.memory_space<hbm>>) target(%arg10 : memref<128x128xf32, #tpu.memory_space<vmem>>) offsets(%dma_start3A_381 : memref<128xi32, #tpu.memory_space<vmem>>) semaphore(%arg17 : memref<!tpu.dma_semaphore, #tpu.memory_space<semaphore_mem>>)
      } else {
      }
      %lt3A_158 = arith.cmpi slt, %add3A_139, %select_n3A : i32
      %convert_element_type3A_159 = arith.extui %lt3A_158 : i1 to i32
      %cond3A_160 = arith.constant 0 : i32
      %cond3A_161 = arith.cmpi ne, %convert_element_type3A_159, %cond3A_160 : i32
      scf.if %cond3A_161 {
        %dma_wait3A_378 = arith.constant 0 : i32
        %dma_wait3A_379 = arith.constant 0 : i32
        %dma_wait3A_380 = tpu.memref_slice %arg8[%dma_wait3A_378, %dma_wait3A_379] : memref<2x128xi32, #tpu.memory_space<vmem>> -> memref<1x128xi32, #tpu.memory_space<vmem>>
        %dma_wait3A_381 = tpu.memref_squeeze %dma_wait3A_380 : memref<1x128xi32, #tpu.memory_space<vmem>> -> memref<128xi32, #tpu.memory_space<vmem>>
        %dma_wait3A_382 = arith.constant 0 : i32
        %dma_wait3A_383 = arith.constant 0 : i32
        %dma_wait3A_384 = tpu.memref_slice %arg2[%dma_wait3A_382, %dma_wait3A_383] : memref<10000x128xf32, #tpu.memory_space<hbm>> -> memref<10000x128xf32, #tpu.memory_space<hbm>>
        tpu.wait_indirect_dma semaphore(%arg19 : memref<!tpu.dma_semaphore, #tpu.memory_space<semaphore_mem>>) src(%dma_wait3A_384 : memref<10000x128xf32, #tpu.memory_space<hbm>>) dst(%arg12 : memref<128x128xf32, #tpu.memory_space<vmem>>)
        %dma_start3A_385 = arith.constant 1 : i32
        %dma_start3A_386 = arith.constant 0 : i32
        %dma_start3A_387 = tpu.memref_slice %arg8[%dma_start3A_385, %dma_start3A_386] : memref<2x128xi32, #tpu.memory_space<vmem>> -> memref<1x128xi32, #tpu.memory_space<vmem>>
        %dma_start3A_388 = tpu.memref_squeeze %dma_start3A_387 : memref<1x128xi32, #tpu.memory_space<vmem>> -> memref<128xi32, #tpu.memory_space<vmem>>
        %dma_start3A_389 = arith.constant 0 : i32
        %dma_start3A_390 = arith.constant 0 : i32
        %dma_start3A_391 = tpu.memref_slice %arg23[%dma_start3A_389, %dma_start3A_390] : memref<10096x128xf32, #tpu.memory_space<vmem_shared>> -> memref<10096x128xf32, #tpu.memory_space<vmem_shared>>
        tpu.enqueue_indirect_dma source(%arg12 : memref<128x128xf32, #tpu.memory_space<vmem>>) target(%dma_start3A_391 : memref<10096x128xf32, #tpu.memory_space<vmem_shared>>) offsets(%dma_start3A_388 : memref<128xi32, #tpu.memory_space<vmem>>) semaphore(%arg22 : memref<!tpu.dma_semaphore, #tpu.memory_space<semaphore_mem>>) {add = true}
      } else {
      }
      %add3A_162 = arith.constant 3 : i32
      %add3A_163 = arith.addi %add3A_90, %add3A_162 : i32
      %add3A_164 = arith.constant 1 : i32
      %add3A_165 = arith.addi %add3A_163, %add3A_164 : i32
      %lt3A_166 = arith.cmpi slt, %add3A_165, %select_n3A : i32
      %convert_element_type3A_167 = arith.extui %lt3A_166 : i1 to i32
      %cond3A_168 = arith.constant 0 : i32
      %cond3A_169 = arith.cmpi ne, %convert_element_type3A_167, %cond3A_168 : i32
      scf.if %cond3A_169 {
        %ge3A = arith.constant 2 : i32
        %ge3A_378 = arith.cmpi sge, %add3A_163, %ge3A : i32
        %convert_element_type3A_379 = arith.extui %ge3A_378 : i1 to i32
        %cond3A_380 = arith.constant 0 : i32
        %cond3A_381 = arith.cmpi ne, %convert_element_type3A_379, %cond3A_380 : i32
        scf.if %cond3A_381 {
          %dma_wait3A_393 = arith.constant 1 : i32
          %dma_wait3A_394 = arith.constant 0 : i32
          %dma_wait3A_395 = tpu.memref_slice %arg6[%dma_wait3A_393, %dma_wait3A_394] : memref<2x128xi32, #tpu.memory_space<vmem>> -> memref<1x128xi32, #tpu.memory_space<vmem>>
          %dma_wait3A_396 = tpu.memref_squeeze %dma_wait3A_395 : memref<1x128xi32, #tpu.memory_space<vmem>> -> memref<128xi32, #tpu.memory_space<vmem>>
          %dma_wait3A_397 = arith.constant 0 : i32
          %dma_wait3A_398 = arith.constant 0 : i32
          %dma_wait3A_399 = tpu.memref_slice %arg23[%dma_wait3A_397, %dma_wait3A_398] : memref<10096x128xf32, #tpu.memory_space<vmem_shared>> -> memref<10096x128xf32, #tpu.memory_space<vmem_shared>>
          tpu.wait_indirect_dma semaphore(%arg21 : memref<!tpu.dma_semaphore, #tpu.memory_space<semaphore_mem>>) src(%arg11 : memref<128x128xf32, #tpu.memory_space<vmem>>) dst(%dma_wait3A_399 : memref<10096x128xf32, #tpu.memory_space<vmem_shared>>)
        } else {
        }
        %add3A_382 = arith.constant 1 : i32
        %add3A_383 = arith.addi %add3A_163, %add3A_382 : i32
        %mul3A_384 = arith.constant 32 : i32
        %mul3A_385 = arith.muli %add3A_383, %mul3A_384 : i32
        %add3A_386 = arith.addi %add3A, %mul3A_385 : i32
        %mul3A_387 = arith.constant 128 : i32
        %mul3A_388 = arith.muli %add3A_386, %mul3A_387 : i32
        %dma_wait3A_389 = arith.constant 0 : i32
        %dma_wait3A_390 = tpu.memref_slice %arg3[%dma_wait3A_389, %mul3A_388] : memref<2x320000xi32, #tpu.memory_space<hbm>> -> memref<2x128xi32, #tpu.memory_space<hbm>>
        %dma_wait3A_391 = arith.constant 0 : i32
        %dma_wait3A_392 = tpu.memref_slice %arg3[%dma_wait3A_391, %mul3A_388] : memref<2x320000xi32, #tpu.memory_space<hbm>> -> memref<2x128xi32, #tpu.memory_space<hbm>>
        tpu.wait_dma2 semaphore(%arg13 : memref<!tpu.dma_semaphore, #tpu.memory_space<semaphore_mem>>) src(%dma_wait3A_392 : memref<2x128xi32, #tpu.memory_space<hbm>>) dst(%arg6 : memref<2x128xi32, #tpu.memory_space<vmem>>)
      } else {
      }
      %add3A_170 = arith.constant 2 : i32
      %add3A_171 = arith.addi %add3A_163, %add3A_170 : i32
      %lt3A_172 = arith.cmpi slt, %add3A_171, %select_n3A : i32
      %convert_element_type3A_173 = arith.extui %lt3A_172 : i1 to i32
      %cond3A_174 = arith.constant 0 : i32
      %cond3A_175 = arith.cmpi ne, %convert_element_type3A_173, %cond3A_174 : i32
      scf.if %cond3A_175 {
        %add3A_378 = arith.constant 2 : i32
        %add3A_379 = arith.addi %add3A_163, %add3A_378 : i32
        %mul3A_380 = arith.constant 32 : i32
        %mul3A_381 = arith.muli %add3A_379, %mul3A_380 : i32
        %add3A_382 = arith.addi %add3A, %mul3A_381 : i32
        %mul3A_383 = arith.constant 128 : i32
        %mul3A_384 = arith.muli %add3A_382, %mul3A_383 : i32
        %dma_start3A_385 = arith.constant 0 : i32
        %dma_start3A_386 = tpu.memref_slice %arg3[%dma_start3A_385, %mul3A_384] : memref<2x320000xi32, #tpu.memory_space<hbm>> -> memref<2x128xi32, #tpu.memory_space<hbm>>
        %dma_start3A_387 = arith.constant 0 : i32
        %dma_start3A_388 = tpu.memref_slice %arg3[%dma_start3A_387, %mul3A_384] : memref<2x320000xi32, #tpu.memory_space<hbm>> -> memref<2x128xi32, #tpu.memory_space<hbm>>
        tpu.enqueue_dma source(%dma_start3A_388 : memref<2x128xi32, #tpu.memory_space<hbm>>) target(%arg7 : memref<2x128xi32, #tpu.memory_space<vmem>>) target_semaphore(%arg14 : memref<!tpu.dma_semaphore, #tpu.memory_space<semaphore_mem>>)
      } else {
      }
      %add3A_176 = arith.constant 1 : i32
      %add3A_177 = arith.addi %add3A_163, %add3A_176 : i32
      %lt3A_178 = arith.cmpi slt, %add3A_177, %select_n3A : i32
      %convert_element_type3A_179 = arith.extui %lt3A_178 : i1 to i32
      %cond3A_180 = arith.constant 0 : i32
      %cond3A_181 = arith.cmpi ne, %convert_element_type3A_179, %cond3A_180 : i32
      scf.if %cond3A_181 {
        %dma_start3A_378 = arith.constant 0 : i32
        %dma_start3A_379 = arith.constant 0 : i32
        %dma_start3A_380 = tpu.memref_slice %arg6[%dma_start3A_378, %dma_start3A_379] : memref<2x128xi32, #tpu.memory_space<vmem>> -> memref<1x128xi32, #tpu.memory_space<vmem>>
        %dma_start3A_381 = tpu.memref_squeeze %dma_start3A_380 : memref<1x128xi32, #tpu.memory_space<vmem>> -> memref<128xi32, #tpu.memory_space<vmem>>
        %dma_start3A_382 = arith.constant 0 : i32
        %dma_start3A_383 = arith.constant 0 : i32
        %dma_start3A_384 = tpu.memref_slice %arg2[%dma_start3A_382, %dma_start3A_383] : memref<10000x128xf32, #tpu.memory_space<hbm>> -> memref<10000x128xf32, #tpu.memory_space<hbm>>
        tpu.enqueue_indirect_dma source(%dma_start3A_384 : memref<10000x128xf32, #tpu.memory_space<hbm>>) target(%arg11 : memref<128x128xf32, #tpu.memory_space<vmem>>) offsets(%dma_start3A_381 : memref<128xi32, #tpu.memory_space<vmem>>) semaphore(%arg18 : memref<!tpu.dma_semaphore, #tpu.memory_space<semaphore_mem>>)
      } else {
      }
      %lt3A_182 = arith.cmpi slt, %add3A_163, %select_n3A : i32
      %convert_element_type3A_183 = arith.extui %lt3A_182 : i1 to i32
      %cond3A_184 = arith.constant 0 : i32
      %cond3A_185 = arith.cmpi ne, %convert_element_type3A_183, %cond3A_184 : i32
      scf.if %cond3A_185 {
        %dma_wait3A_378 = arith.constant 0 : i32
        %dma_wait3A_379 = arith.constant 0 : i32
        %dma_wait3A_380 = tpu.memref_slice %arg9[%dma_wait3A_378, %dma_wait3A_379] : memref<2x128xi32, #tpu.memory_space<vmem>> -> memref<1x128xi32, #tpu.memory_space<vmem>>
        %dma_wait3A_381 = tpu.memref_squeeze %dma_wait3A_380 : memref<1x128xi32, #tpu.memory_space<vmem>> -> memref<128xi32, #tpu.memory_space<vmem>>
        %dma_wait3A_382 = arith.constant 0 : i32
        %dma_wait3A_383 = arith.constant 0 : i32
        %dma_wait3A_384 = tpu.memref_slice %arg2[%dma_wait3A_382, %dma_wait3A_383] : memref<10000x128xf32, #tpu.memory_space<hbm>> -> memref<10000x128xf32, #tpu.memory_space<hbm>>
        tpu.wait_indirect_dma semaphore(%arg17 : memref<!tpu.dma_semaphore, #tpu.memory_space<semaphore_mem>>) src(%dma_wait3A_384 : memref<10000x128xf32, #tpu.memory_space<hbm>>) dst(%arg10 : memref<128x128xf32, #tpu.memory_space<vmem>>)
        %dma_start3A_385 = arith.constant 1 : i32
        %dma_start3A_386 = arith.constant 0 : i32
        %dma_start3A_387 = tpu.memref_slice %arg9[%dma_start3A_385, %dma_start3A_386] : memref<2x128xi32, #tpu.memory_space<vmem>> -> memref<1x128xi32, #tpu.memory_space<vmem>>
        %dma_start3A_388 = tpu.memref_squeeze %dma_start3A_387 : memref<1x128xi32, #tpu.memory_space<vmem>> -> memref<128xi32, #tpu.memory_space<vmem>>
        %dma_start3A_389 = arith.constant 0 : i32
        %dma_start3A_390 = arith.constant 0 : i32
        %dma_start3A_391 = tpu.memref_slice %arg23[%dma_start3A_389, %dma_start3A_390] : memref<10096x128xf32, #tpu.memory_space<vmem_shared>> -> memref<10096x128xf32, #tpu.memory_space<vmem_shared>>
        tpu.enqueue_indirect_dma source(%arg10 : memref<128x128xf32, #tpu.memory_space<vmem>>) target(%dma_start3A_391 : memref<10096x128xf32, #tpu.memory_space<vmem_shared>>) offsets(%dma_start3A_388 : memref<128xi32, #tpu.memory_space<vmem>>) semaphore(%arg20 : memref<!tpu.dma_semaphore, #tpu.memory_space<semaphore_mem>>) {add = true}
      } else {
      }
      %add3A_186 = arith.constant 4 : i32
      %add3A_187 = arith.addi %add3A_90, %add3A_186 : i32
      %add3A_188 = arith.constant 1 : i32
      %add3A_189 = arith.addi %add3A_187, %add3A_188 : i32
      %lt3A_190 = arith.cmpi slt, %add3A_189, %select_n3A : i32
      %convert_element_type3A_191 = arith.extui %lt3A_190 : i1 to i32
      %cond3A_192 = arith.constant 0 : i32
      %cond3A_193 = arith.cmpi ne, %convert_element_type3A_191, %cond3A_192 : i32
      scf.if %cond3A_193 {
        %ge3A = arith.constant 2 : i32
        %ge3A_378 = arith.cmpi sge, %add3A_187, %ge3A : i32
        %convert_element_type3A_379 = arith.extui %ge3A_378 : i1 to i32
        %cond3A_380 = arith.constant 0 : i32
        %cond3A_381 = arith.cmpi ne, %convert_element_type3A_379, %cond3A_380 : i32
        scf.if %cond3A_381 {
          %dma_wait3A_393 = arith.constant 1 : i32
          %dma_wait3A_394 = arith.constant 0 : i32
          %dma_wait3A_395 = tpu.memref_slice %arg7[%dma_wait3A_393, %dma_wait3A_394] : memref<2x128xi32, #tpu.memory_space<vmem>> -> memref<1x128xi32, #tpu.memory_space<vmem>>
          %dma_wait3A_396 = tpu.memref_squeeze %dma_wait3A_395 : memref<1x128xi32, #tpu.memory_space<vmem>> -> memref<128xi32, #tpu.memory_space<vmem>>
          %dma_wait3A_397 = arith.constant 0 : i32
          %dma_wait3A_398 = arith.constant 0 : i32
          %dma_wait3A_399 = tpu.memref_slice %arg23[%dma_wait3A_397, %dma_wait3A_398] : memref<10096x128xf32, #tpu.memory_space<vmem_shared>> -> memref<10096x128xf32, #tpu.memory_space<vmem_shared>>
          tpu.wait_indirect_dma semaphore(%arg22 : memref<!tpu.dma_semaphore, #tpu.memory_space<semaphore_mem>>) src(%arg12 : memref<128x128xf32, #tpu.memory_space<vmem>>) dst(%dma_wait3A_399 : memref<10096x128xf32, #tpu.memory_space<vmem_shared>>)
        } else {
        }
        %add3A_382 = arith.constant 1 : i32
        %add3A_383 = arith.addi %add3A_187, %add3A_382 : i32
        %mul3A_384 = arith.constant 32 : i32
        %mul3A_385 = arith.muli %add3A_383, %mul3A_384 : i32
        %add3A_386 = arith.addi %add3A, %mul3A_385 : i32
        %mul3A_387 = arith.constant 128 : i32
        %mul3A_388 = arith.muli %add3A_386, %mul3A_387 : i32
        %dma_wait3A_389 = arith.constant 0 : i32
        %dma_wait3A_390 = tpu.memref_slice %arg3[%dma_wait3A_389, %mul3A_388] : memref<2x320000xi32, #tpu.memory_space<hbm>> -> memref<2x128xi32, #tpu.memory_space<hbm>>
        %dma_wait3A_391 = arith.constant 0 : i32
        %dma_wait3A_392 = tpu.memref_slice %arg3[%dma_wait3A_391, %mul3A_388] : memref<2x320000xi32, #tpu.memory_space<hbm>> -> memref<2x128xi32, #tpu.memory_space<hbm>>
        tpu.wait_dma2 semaphore(%arg14 : memref<!tpu.dma_semaphore, #tpu.memory_space<semaphore_mem>>) src(%dma_wait3A_392 : memref<2x128xi32, #tpu.memory_space<hbm>>) dst(%arg7 : memref<2x128xi32, #tpu.memory_space<vmem>>)
      } else {
      }
      %add3A_194 = arith.constant 2 : i32
      %add3A_195 = arith.addi %add3A_187, %add3A_194 : i32
      %lt3A_196 = arith.cmpi slt, %add3A_195, %select_n3A : i32
      %convert_element_type3A_197 = arith.extui %lt3A_196 : i1 to i32
      %cond3A_198 = arith.constant 0 : i32
      %cond3A_199 = arith.cmpi ne, %convert_element_type3A_197, %cond3A_198 : i32
      scf.if %cond3A_199 {
        %add3A_378 = arith.constant 2 : i32
        %add3A_379 = arith.addi %add3A_187, %add3A_378 : i32
        %mul3A_380 = arith.constant 32 : i32
        %mul3A_381 = arith.muli %add3A_379, %mul3A_380 : i32
        %add3A_382 = arith.addi %add3A, %mul3A_381 : i32
        %mul3A_383 = arith.constant 128 : i32
        %mul3A_384 = arith.muli %add3A_382, %mul3A_383 : i32
        %dma_start3A_385 = arith.constant 0 : i32
        %dma_start3A_386 = tpu.memref_slice %arg3[%dma_start3A_385, %mul3A_384] : memref<2x320000xi32, #tpu.memory_space<hbm>> -> memref<2x128xi32, #tpu.memory_space<hbm>>
        %dma_start3A_387 = arith.constant 0 : i32
        %dma_start3A_388 = tpu.memref_slice %arg3[%dma_start3A_387, %mul3A_384] : memref<2x320000xi32, #tpu.memory_space<hbm>> -> memref<2x128xi32, #tpu.memory_space<hbm>>
        tpu.enqueue_dma source(%dma_start3A_388 : memref<2x128xi32, #tpu.memory_space<hbm>>) target(%arg8 : memref<2x128xi32, #tpu.memory_space<vmem>>) target_semaphore(%arg15 : memref<!tpu.dma_semaphore, #tpu.memory_space<semaphore_mem>>)
      } else {
      }
      %add3A_200 = arith.constant 1 : i32
      %add3A_201 = arith.addi %add3A_187, %add3A_200 : i32
      %lt3A_202 = arith.cmpi slt, %add3A_201, %select_n3A : i32
      %convert_element_type3A_203 = arith.extui %lt3A_202 : i1 to i32
      %cond3A_204 = arith.constant 0 : i32
      %cond3A_205 = arith.cmpi ne, %convert_element_type3A_203, %cond3A_204 : i32
      scf.if %cond3A_205 {
        %dma_start3A_378 = arith.constant 0 : i32
        %dma_start3A_379 = arith.constant 0 : i32
        %dma_start3A_380 = tpu.memref_slice %arg7[%dma_start3A_378, %dma_start3A_379] : memref<2x128xi32, #tpu.memory_space<vmem>> -> memref<1x128xi32, #tpu.memory_space<vmem>>
        %dma_start3A_381 = tpu.memref_squeeze %dma_start3A_380 : memref<1x128xi32, #tpu.memory_space<vmem>> -> memref<128xi32, #tpu.memory_space<vmem>>
        %dma_start3A_382 = arith.constant 0 : i32
        %dma_start3A_383 = arith.constant 0 : i32
        %dma_start3A_384 = tpu.memref_slice %arg2[%dma_start3A_382, %dma_start3A_383] : memref<10000x128xf32, #tpu.memory_space<hbm>> -> memref<10000x128xf32, #tpu.memory_space<hbm>>
        tpu.enqueue_indirect_dma source(%dma_start3A_384 : memref<10000x128xf32, #tpu.memory_space<hbm>>) target(%arg12 : memref<128x128xf32, #tpu.memory_space<vmem>>) offsets(%dma_start3A_381 : memref<128xi32, #tpu.memory_space<vmem>>) semaphore(%arg19 : memref<!tpu.dma_semaphore, #tpu.memory_space<semaphore_mem>>)
      } else {
      }
      %lt3A_206 = arith.cmpi slt, %add3A_187, %select_n3A : i32
      %convert_element_type3A_207 = arith.extui %lt3A_206 : i1 to i32
      %cond3A_208 = arith.constant 0 : i32
      %cond3A_209 = arith.cmpi ne, %convert_element_type3A_207, %cond3A_208 : i32
      scf.if %cond3A_209 {
        %dma_wait3A_378 = arith.constant 0 : i32
        %dma_wait3A_379 = arith.constant 0 : i32
        %dma_wait3A_380 = tpu.memref_slice %arg6[%dma_wait3A_378, %dma_wait3A_379] : memref<2x128xi32, #tpu.memory_space<vmem>> -> memref<1x128xi32, #tpu.memory_space<vmem>>
        %dma_wait3A_381 = tpu.memref_squeeze %dma_wait3A_380 : memref<1x128xi32, #tpu.memory_space<vmem>> -> memref<128xi32, #tpu.memory_space<vmem>>
        %dma_wait3A_382 = arith.constant 0 : i32
        %dma_wait3A_383 = arith.constant 0 : i32
        %dma_wait3A_384 = tpu.memref_slice %arg2[%dma_wait3A_382, %dma_wait3A_383] : memref<10000x128xf32, #tpu.memory_space<hbm>> -> memref<10000x128xf32, #tpu.memory_space<hbm>>
        tpu.wait_indirect_dma semaphore(%arg18 : memref<!tpu.dma_semaphore, #tpu.memory_space<semaphore_mem>>) src(%dma_wait3A_384 : memref<10000x128xf32, #tpu.memory_space<hbm>>) dst(%arg11 : memref<128x128xf32, #tpu.memory_space<vmem>>)
        %dma_start3A_385 = arith.constant 1 : i32
        %dma_start3A_386 = arith.constant 0 : i32
        %dma_start3A_387 = tpu.memref_slice %arg6[%dma_start3A_385, %dma_start3A_386] : memref<2x128xi32, #tpu.memory_space<vmem>> -> memref<1x128xi32, #tpu.memory_space<vmem>>
        %dma_start3A_388 = tpu.memref_squeeze %dma_start3A_387 : memref<1x128xi32, #tpu.memory_space<vmem>> -> memref<128xi32, #tpu.memory_space<vmem>>
        %dma_start3A_389 = arith.constant 0 : i32
        %dma_start3A_390 = arith.constant 0 : i32
        %dma_start3A_391 = tpu.memref_slice %arg23[%dma_start3A_389, %dma_start3A_390] : memref<10096x128xf32, #tpu.memory_space<vmem_shared>> -> memref<10096x128xf32, #tpu.memory_space<vmem_shared>>
        tpu.enqueue_indirect_dma source(%arg11 : memref<128x128xf32, #tpu.memory_space<vmem>>) target(%dma_start3A_391 : memref<10096x128xf32, #tpu.memory_space<vmem_shared>>) offsets(%dma_start3A_388 : memref<128xi32, #tpu.memory_space<vmem>>) semaphore(%arg21 : memref<!tpu.dma_semaphore, #tpu.memory_space<semaphore_mem>>) {add = true}
      } else {
      }
      %add3A_210 = arith.constant 5 : i32
      %add3A_211 = arith.addi %add3A_90, %add3A_210 : i32
      %add3A_212 = arith.constant 1 : i32
      %add3A_213 = arith.addi %add3A_211, %add3A_212 : i32
      %lt3A_214 = arith.cmpi slt, %add3A_213, %select_n3A : i32
      %convert_element_type3A_215 = arith.extui %lt3A_214 : i1 to i32
      %cond3A_216 = arith.constant 0 : i32
      %cond3A_217 = arith.cmpi ne, %convert_element_type3A_215, %cond3A_216 : i32
      scf.if %cond3A_217 {
        %ge3A = arith.constant 2 : i32
        %ge3A_378 = arith.cmpi sge, %add3A_211, %ge3A : i32
        %convert_element_type3A_379 = arith.extui %ge3A_378 : i1 to i32
        %cond3A_380 = arith.constant 0 : i32
        %cond3A_381 = arith.cmpi ne, %convert_element_type3A_379, %cond3A_380 : i32
        scf.if %cond3A_381 {
          %dma_wait3A_393 = arith.constant 1 : i32
          %dma_wait3A_394 = arith.constant 0 : i32
          %dma_wait3A_395 = tpu.memref_slice %arg8[%dma_wait3A_393, %dma_wait3A_394] : memref<2x128xi32, #tpu.memory_space<vmem>> -> memref<1x128xi32, #tpu.memory_space<vmem>>
          %dma_wait3A_396 = tpu.memref_squeeze %dma_wait3A_395 : memref<1x128xi32, #tpu.memory_space<vmem>> -> memref<128xi32, #tpu.memory_space<vmem>>
          %dma_wait3A_397 = arith.constant 0 : i32
          %dma_wait3A_398 = arith.constant 0 : i32
          %dma_wait3A_399 = tpu.memref_slice %arg23[%dma_wait3A_397, %dma_wait3A_398] : memref<10096x128xf32, #tpu.memory_space<vmem_shared>> -> memref<10096x128xf32, #tpu.memory_space<vmem_shared>>
          tpu.wait_indirect_dma semaphore(%arg20 : memref<!tpu.dma_semaphore, #tpu.memory_space<semaphore_mem>>) src(%arg10 : memref<128x128xf32, #tpu.memory_space<vmem>>) dst(%dma_wait3A_399 : memref<10096x128xf32, #tpu.memory_space<vmem_shared>>)
        } else {
        }
        %add3A_382 = arith.constant 1 : i32
        %add3A_383 = arith.addi %add3A_211, %add3A_382 : i32
        %mul3A_384 = arith.constant 32 : i32
        %mul3A_385 = arith.muli %add3A_383, %mul3A_384 : i32
        %add3A_386 = arith.addi %add3A, %mul3A_385 : i32
        %mul3A_387 = arith.constant 128 : i32
        %mul3A_388 = arith.muli %add3A_386, %mul3A_387 : i32
        %dma_wait3A_389 = arith.constant 0 : i32
        %dma_wait3A_390 = tpu.memref_slice %arg3[%dma_wait3A_389, %mul3A_388] : memref<2x320000xi32, #tpu.memory_space<hbm>> -> memref<2x128xi32, #tpu.memory_space<hbm>>
        %dma_wait3A_391 = arith.constant 0 : i32
        %dma_wait3A_392 = tpu.memref_slice %arg3[%dma_wait3A_391, %mul3A_388] : memref<2x320000xi32, #tpu.memory_space<hbm>> -> memref<2x128xi32, #tpu.memory_space<hbm>>
        tpu.wait_dma2 semaphore(%arg15 : memref<!tpu.dma_semaphore, #tpu.memory_space<semaphore_mem>>) src(%dma_wait3A_392 : memref<2x128xi32, #tpu.memory_space<hbm>>) dst(%arg8 : memref<2x128xi32, #tpu.memory_space<vmem>>)
      } else {
      }
      %add3A_218 = arith.constant 2 : i32
      %add3A_219 = arith.addi %add3A_211, %add3A_218 : i32
      %lt3A_220 = arith.cmpi slt, %add3A_219, %select_n3A : i32
      %convert_element_type3A_221 = arith.extui %lt3A_220 : i1 to i32
      %cond3A_222 = arith.constant 0 : i32
      %cond3A_223 = arith.cmpi ne, %convert_element_type3A_221, %cond3A_222 : i32
      scf.if %cond3A_223 {
        %add3A_378 = arith.constant 2 : i32
        %add3A_379 = arith.addi %add3A_211, %add3A_378 : i32
        %mul3A_380 = arith.constant 32 : i32
        %mul3A_381 = arith.muli %add3A_379, %mul3A_380 : i32
        %add3A_382 = arith.addi %add3A, %mul3A_381 : i32
        %mul3A_383 = arith.constant 128 : i32
        %mul3A_384 = arith.muli %add3A_382, %mul3A_383 : i32
        %dma_start3A_385 = arith.constant 0 : i32
        %dma_start3A_386 = tpu.memref_slice %arg3[%dma_start3A_385, %mul3A_384] : memref<2x320000xi32, #tpu.memory_space<hbm>> -> memref<2x128xi32, #tpu.memory_space<hbm>>
        %dma_start3A_387 = arith.constant 0 : i32
        %dma_start3A_388 = tpu.memref_slice %arg3[%dma_start3A_387, %mul3A_384] : memref<2x320000xi32, #tpu.memory_space<hbm>> -> memref<2x128xi32, #tpu.memory_space<hbm>>
        tpu.enqueue_dma source(%dma_start3A_388 : memref<2x128xi32, #tpu.memory_space<hbm>>) target(%arg9 : memref<2x128xi32, #tpu.memory_space<vmem>>) target_semaphore(%arg16 : memref<!tpu.dma_semaphore, #tpu.memory_space<semaphore_mem>>)
      } else {
      }
      %add3A_224 = arith.constant 1 : i32
      %add3A_225 = arith.addi %add3A_211, %add3A_224 : i32
      %lt3A_226 = arith.cmpi slt, %add3A_225, %select_n3A : i32
      %convert_element_type3A_227 = arith.extui %lt3A_226 : i1 to i32
      %cond3A_228 = arith.constant 0 : i32
      %cond3A_229 = arith.cmpi ne, %convert_element_type3A_227, %cond3A_228 : i32
      scf.if %cond3A_229 {
        %dma_start3A_378 = arith.constant 0 : i32
        %dma_start3A_379 = arith.constant 0 : i32
        %dma_start3A_380 = tpu.memref_slice %arg8[%dma_start3A_378, %dma_start3A_379] : memref<2x128xi32, #tpu.memory_space<vmem>> -> memref<1x128xi32, #tpu.memory_space<vmem>>
        %dma_start3A_381 = tpu.memref_squeeze %dma_start3A_380 : memref<1x128xi32, #tpu.memory_space<vmem>> -> memref<128xi32, #tpu.memory_space<vmem>>
        %dma_start3A_382 = arith.constant 0 : i32
        %dma_start3A_383 = arith.constant 0 : i32
        %dma_start3A_384 = tpu.memref_slice %arg2[%dma_start3A_382, %dma_start3A_383] : memref<10000x128xf32, #tpu.memory_space<hbm>> -> memref<10000x128xf32, #tpu.memory_space<hbm>>
        tpu.enqueue_indirect_dma source(%dma_start3A_384 : memref<10000x128xf32, #tpu.memory_space<hbm>>) target(%arg10 : memref<128x128xf32, #tpu.memory_space<vmem>>) offsets(%dma_start3A_381 : memref<128xi32, #tpu.memory_space<vmem>>) semaphore(%arg17 : memref<!tpu.dma_semaphore, #tpu.memory_space<semaphore_mem>>)
      } else {
      }
      %lt3A_230 = arith.cmpi slt, %add3A_211, %select_n3A : i32
      %convert_element_type3A_231 = arith.extui %lt3A_230 : i1 to i32
      %cond3A_232 = arith.constant 0 : i32
      %cond3A_233 = arith.cmpi ne, %convert_element_type3A_231, %cond3A_232 : i32
      scf.if %cond3A_233 {
        %dma_wait3A_378 = arith.constant 0 : i32
        %dma_wait3A_379 = arith.constant 0 : i32
        %dma_wait3A_380 = tpu.memref_slice %arg7[%dma_wait3A_378, %dma_wait3A_379] : memref<2x128xi32, #tpu.memory_space<vmem>> -> memref<1x128xi32, #tpu.memory_space<vmem>>
        %dma_wait3A_381 = tpu.memref_squeeze %dma_wait3A_380 : memref<1x128xi32, #tpu.memory_space<vmem>> -> memref<128xi32, #tpu.memory_space<vmem>>
        %dma_wait3A_382 = arith.constant 0 : i32
        %dma_wait3A_383 = arith.constant 0 : i32
        %dma_wait3A_384 = tpu.memref_slice %arg2[%dma_wait3A_382, %dma_wait3A_383] : memref<10000x128xf32, #tpu.memory_space<hbm>> -> memref<10000x128xf32, #tpu.memory_space<hbm>>
        tpu.wait_indirect_dma semaphore(%arg19 : memref<!tpu.dma_semaphore, #tpu.memory_space<semaphore_mem>>) src(%dma_wait3A_384 : memref<10000x128xf32, #tpu.memory_space<hbm>>) dst(%arg12 : memref<128x128xf32, #tpu.memory_space<vmem>>)
        %dma_start3A_385 = arith.constant 1 : i32
        %dma_start3A_386 = arith.constant 0 : i32
        %dma_start3A_387 = tpu.memref_slice %arg7[%dma_start3A_385, %dma_start3A_386] : memref<2x128xi32, #tpu.memory_space<vmem>> -> memref<1x128xi32, #tpu.memory_space<vmem>>
        %dma_start3A_388 = tpu.memref_squeeze %dma_start3A_387 : memref<1x128xi32, #tpu.memory_space<vmem>> -> memref<128xi32, #tpu.memory_space<vmem>>
        %dma_start3A_389 = arith.constant 0 : i32
        %dma_start3A_390 = arith.constant 0 : i32
        %dma_start3A_391 = tpu.memref_slice %arg23[%dma_start3A_389, %dma_start3A_390] : memref<10096x128xf32, #tpu.memory_space<vmem_shared>> -> memref<10096x128xf32, #tpu.memory_space<vmem_shared>>
        tpu.enqueue_indirect_dma source(%arg12 : memref<128x128xf32, #tpu.memory_space<vmem>>) target(%dma_start3A_391 : memref<10096x128xf32, #tpu.memory_space<vmem_shared>>) offsets(%dma_start3A_388 : memref<128xi32, #tpu.memory_space<vmem>>) semaphore(%arg22 : memref<!tpu.dma_semaphore, #tpu.memory_space<semaphore_mem>>) {add = true}
      } else {
      }
      %add3A_234 = arith.constant 6 : i32
      %add3A_235 = arith.addi %add3A_90, %add3A_234 : i32
      %add3A_236 = arith.constant 1 : i32
      %add3A_237 = arith.addi %add3A_235, %add3A_236 : i32
      %lt3A_238 = arith.cmpi slt, %add3A_237, %select_n3A : i32
      %convert_element_type3A_239 = arith.extui %lt3A_238 : i1 to i32
      %cond3A_240 = arith.constant 0 : i32
      %cond3A_241 = arith.cmpi ne, %convert_element_type3A_239, %cond3A_240 : i32
      scf.if %cond3A_241 {
        %ge3A = arith.constant 2 : i32
        %ge3A_378 = arith.cmpi sge, %add3A_235, %ge3A : i32
        %convert_element_type3A_379 = arith.extui %ge3A_378 : i1 to i32
        %cond3A_380 = arith.constant 0 : i32
        %cond3A_381 = arith.cmpi ne, %convert_element_type3A_379, %cond3A_380 : i32
        scf.if %cond3A_381 {
          %dma_wait3A_393 = arith.constant 1 : i32
          %dma_wait3A_394 = arith.constant 0 : i32
          %dma_wait3A_395 = tpu.memref_slice %arg9[%dma_wait3A_393, %dma_wait3A_394] : memref<2x128xi32, #tpu.memory_space<vmem>> -> memref<1x128xi32, #tpu.memory_space<vmem>>
          %dma_wait3A_396 = tpu.memref_squeeze %dma_wait3A_395 : memref<1x128xi32, #tpu.memory_space<vmem>> -> memref<128xi32, #tpu.memory_space<vmem>>
          %dma_wait3A_397 = arith.constant 0 : i32
          %dma_wait3A_398 = arith.constant 0 : i32
          %dma_wait3A_399 = tpu.memref_slice %arg23[%dma_wait3A_397, %dma_wait3A_398] : memref<10096x128xf32, #tpu.memory_space<vmem_shared>> -> memref<10096x128xf32, #tpu.memory_space<vmem_shared>>
          tpu.wait_indirect_dma semaphore(%arg21 : memref<!tpu.dma_semaphore, #tpu.memory_space<semaphore_mem>>) src(%arg11 : memref<128x128xf32, #tpu.memory_space<vmem>>) dst(%dma_wait3A_399 : memref<10096x128xf32, #tpu.memory_space<vmem_shared>>)
        } else {
        }
        %add3A_382 = arith.constant 1 : i32
        %add3A_383 = arith.addi %add3A_235, %add3A_382 : i32
        %mul3A_384 = arith.constant 32 : i32
        %mul3A_385 = arith.muli %add3A_383, %mul3A_384 : i32
        %add3A_386 = arith.addi %add3A, %mul3A_385 : i32
        %mul3A_387 = arith.constant 128 : i32
        %mul3A_388 = arith.muli %add3A_386, %mul3A_387 : i32
        %dma_wait3A_389 = arith.constant 0 : i32
        %dma_wait3A_390 = tpu.memref_slice %arg3[%dma_wait3A_389, %mul3A_388] : memref<2x320000xi32, #tpu.memory_space<hbm>> -> memref<2x128xi32, #tpu.memory_space<hbm>>
        %dma_wait3A_391 = arith.constant 0 : i32
        %dma_wait3A_392 = tpu.memref_slice %arg3[%dma_wait3A_391, %mul3A_388] : memref<2x320000xi32, #tpu.memory_space<hbm>> -> memref<2x128xi32, #tpu.memory_space<hbm>>
        tpu.wait_dma2 semaphore(%arg16 : memref<!tpu.dma_semaphore, #tpu.memory_space<semaphore_mem>>) src(%dma_wait3A_392 : memref<2x128xi32, #tpu.memory_space<hbm>>) dst(%arg9 : memref<2x128xi32, #tpu.memory_space<vmem>>)
      } else {
      }
      %add3A_242 = arith.constant 2 : i32
      %add3A_243 = arith.addi %add3A_235, %add3A_242 : i32
      %lt3A_244 = arith.cmpi slt, %add3A_243, %select_n3A : i32
      %convert_element_type3A_245 = arith.extui %lt3A_244 : i1 to i32
      %cond3A_246 = arith.constant 0 : i32
      %cond3A_247 = arith.cmpi ne, %convert_element_type3A_245, %cond3A_246 : i32
      scf.if %cond3A_247 {
        %add3A_378 = arith.constant 2 : i32
        %add3A_379 = arith.addi %add3A_235, %add3A_378 : i32
        %mul3A_380 = arith.constant 32 : i32
        %mul3A_381 = arith.muli %add3A_379, %mul3A_380 : i32
        %add3A_382 = arith.addi %add3A, %mul3A_381 : i32
        %mul3A_383 = arith.constant 128 : i32
        %mul3A_384 = arith.muli %add3A_382, %mul3A_383 : i32
        %dma_start3A_385 = arith.constant 0 : i32
        %dma_start3A_386 = tpu.memref_slice %arg3[%dma_start3A_385, %mul3A_384] : memref<2x320000xi32, #tpu.memory_space<hbm>> -> memref<2x128xi32, #tpu.memory_space<hbm>>
        %dma_start3A_387 = arith.constant 0 : i32
        %dma_start3A_388 = tpu.memref_slice %arg3[%dma_start3A_387, %mul3A_384] : memref<2x320000xi32, #tpu.memory_space<hbm>> -> memref<2x128xi32, #tpu.memory_space<hbm>>
        tpu.enqueue_dma source(%dma_start3A_388 : memref<2x128xi32, #tpu.memory_space<hbm>>) target(%arg6 : memref<2x128xi32, #tpu.memory_space<vmem>>) target_semaphore(%arg13 : memref<!tpu.dma_semaphore, #tpu.memory_space<semaphore_mem>>)
      } else {
      }
      %add3A_248 = arith.constant 1 : i32
      %add3A_249 = arith.addi %add3A_235, %add3A_248 : i32
      %lt3A_250 = arith.cmpi slt, %add3A_249, %select_n3A : i32
      %convert_element_type3A_251 = arith.extui %lt3A_250 : i1 to i32
      %cond3A_252 = arith.constant 0 : i32
      %cond3A_253 = arith.cmpi ne, %convert_element_type3A_251, %cond3A_252 : i32
      scf.if %cond3A_253 {
        %dma_start3A_378 = arith.constant 0 : i32
        %dma_start3A_379 = arith.constant 0 : i32
        %dma_start3A_380 = tpu.memref_slice %arg9[%dma_start3A_378, %dma_start3A_379] : memref<2x128xi32, #tpu.memory_space<vmem>> -> memref<1x128xi32, #tpu.memory_space<vmem>>
        %dma_start3A_381 = tpu.memref_squeeze %dma_start3A_380 : memref<1x128xi32, #tpu.memory_space<vmem>> -> memref<128xi32, #tpu.memory_space<vmem>>
        %dma_start3A_382 = arith.constant 0 : i32
        %dma_start3A_383 = arith.constant 0 : i32
        %dma_start3A_384 = tpu.memref_slice %arg2[%dma_start3A_382, %dma_start3A_383] : memref<10000x128xf32, #tpu.memory_space<hbm>> -> memref<10000x128xf32, #tpu.memory_space<hbm>>
        tpu.enqueue_indirect_dma source(%dma_start3A_384 : memref<10000x128xf32, #tpu.memory_space<hbm>>) target(%arg11 : memref<128x128xf32, #tpu.memory_space<vmem>>) offsets(%dma_start3A_381 : memref<128xi32, #tpu.memory_space<vmem>>) semaphore(%arg18 : memref<!tpu.dma_semaphore, #tpu.memory_space<semaphore_mem>>)
      } else {
      }
      %lt3A_254 = arith.cmpi slt, %add3A_235, %select_n3A : i32
      %convert_element_type3A_255 = arith.extui %lt3A_254 : i1 to i32
      %cond3A_256 = arith.constant 0 : i32
      %cond3A_257 = arith.cmpi ne, %convert_element_type3A_255, %cond3A_256 : i32
      scf.if %cond3A_257 {
        %dma_wait3A_378 = arith.constant 0 : i32
        %dma_wait3A_379 = arith.constant 0 : i32
        %dma_wait3A_380 = tpu.memref_slice %arg8[%dma_wait3A_378, %dma_wait3A_379] : memref<2x128xi32, #tpu.memory_space<vmem>> -> memref<1x128xi32, #tpu.memory_space<vmem>>
        %dma_wait3A_381 = tpu.memref_squeeze %dma_wait3A_380 : memref<1x128xi32, #tpu.memory_space<vmem>> -> memref<128xi32, #tpu.memory_space<vmem>>
        %dma_wait3A_382 = arith.constant 0 : i32
        %dma_wait3A_383 = arith.constant 0 : i32
        %dma_wait3A_384 = tpu.memref_slice %arg2[%dma_wait3A_382, %dma_wait3A_383] : memref<10000x128xf32, #tpu.memory_space<hbm>> -> memref<10000x128xf32, #tpu.memory_space<hbm>>
        tpu.wait_indirect_dma semaphore(%arg17 : memref<!tpu.dma_semaphore, #tpu.memory_space<semaphore_mem>>) src(%dma_wait3A_384 : memref<10000x128xf32, #tpu.memory_space<hbm>>) dst(%arg10 : memref<128x128xf32, #tpu.memory_space<vmem>>)
        %dma_start3A_385 = arith.constant 1 : i32
        %dma_start3A_386 = arith.constant 0 : i32
        %dma_start3A_387 = tpu.memref_slice %arg8[%dma_start3A_385, %dma_start3A_386] : memref<2x128xi32, #tpu.memory_space<vmem>> -> memref<1x128xi32, #tpu.memory_space<vmem>>
        %dma_start3A_388 = tpu.memref_squeeze %dma_start3A_387 : memref<1x128xi32, #tpu.memory_space<vmem>> -> memref<128xi32, #tpu.memory_space<vmem>>
        %dma_start3A_389 = arith.constant 0 : i32
        %dma_start3A_390 = arith.constant 0 : i32
        %dma_start3A_391 = tpu.memref_slice %arg23[%dma_start3A_389, %dma_start3A_390] : memref<10096x128xf32, #tpu.memory_space<vmem_shared>> -> memref<10096x128xf32, #tpu.memory_space<vmem_shared>>
        tpu.enqueue_indirect_dma source(%arg10 : memref<128x128xf32, #tpu.memory_space<vmem>>) target(%dma_start3A_391 : memref<10096x128xf32, #tpu.memory_space<vmem_shared>>) offsets(%dma_start3A_388 : memref<128xi32, #tpu.memory_space<vmem>>) semaphore(%arg20 : memref<!tpu.dma_semaphore, #tpu.memory_space<semaphore_mem>>) {add = true}
      } else {
      }
      %add3A_258 = arith.constant 7 : i32
      %add3A_259 = arith.addi %add3A_90, %add3A_258 : i32
      %add3A_260 = arith.constant 1 : i32
      %add3A_261 = arith.addi %add3A_259, %add3A_260 : i32
      %lt3A_262 = arith.cmpi slt, %add3A_261, %select_n3A : i32
      %convert_element_type3A_263 = arith.extui %lt3A_262 : i1 to i32
      %cond3A_264 = arith.constant 0 : i32
      %cond3A_265 = arith.cmpi ne, %convert_element_type3A_263, %cond3A_264 : i32
      scf.if %cond3A_265 {
        %ge3A = arith.constant 2 : i32
        %ge3A_378 = arith.cmpi sge, %add3A_259, %ge3A : i32
        %convert_element_type3A_379 = arith.extui %ge3A_378 : i1 to i32
        %cond3A_380 = arith.constant 0 : i32
        %cond3A_381 = arith.cmpi ne, %convert_element_type3A_379, %cond3A_380 : i32
        scf.if %cond3A_381 {
          %dma_wait3A_393 = arith.constant 1 : i32
          %dma_wait3A_394 = arith.constant 0 : i32
          %dma_wait3A_395 = tpu.memref_slice %arg6[%dma_wait3A_393, %dma_wait3A_394] : memref<2x128xi32, #tpu.memory_space<vmem>> -> memref<1x128xi32, #tpu.memory_space<vmem>>
          %dma_wait3A_396 = tpu.memref_squeeze %dma_wait3A_395 : memref<1x128xi32, #tpu.memory_space<vmem>> -> memref<128xi32, #tpu.memory_space<vmem>>
          %dma_wait3A_397 = arith.constant 0 : i32
          %dma_wait3A_398 = arith.constant 0 : i32
          %dma_wait3A_399 = tpu.memref_slice %arg23[%dma_wait3A_397, %dma_wait3A_398] : memref<10096x128xf32, #tpu.memory_space<vmem_shared>> -> memref<10096x128xf32, #tpu.memory_space<vmem_shared>>
          tpu.wait_indirect_dma semaphore(%arg22 : memref<!tpu.dma_semaphore, #tpu.memory_space<semaphore_mem>>) src(%arg12 : memref<128x128xf32, #tpu.memory_space<vmem>>) dst(%dma_wait3A_399 : memref<10096x128xf32, #tpu.memory_space<vmem_shared>>)
        } else {
        }
        %add3A_382 = arith.constant 1 : i32
        %add3A_383 = arith.addi %add3A_259, %add3A_382 : i32
        %mul3A_384 = arith.constant 32 : i32
        %mul3A_385 = arith.muli %add3A_383, %mul3A_384 : i32
        %add3A_386 = arith.addi %add3A, %mul3A_385 : i32
        %mul3A_387 = arith.constant 128 : i32
        %mul3A_388 = arith.muli %add3A_386, %mul3A_387 : i32
        %dma_wait3A_389 = arith.constant 0 : i32
        %dma_wait3A_390 = tpu.memref_slice %arg3[%dma_wait3A_389, %mul3A_388] : memref<2x320000xi32, #tpu.memory_space<hbm>> -> memref<2x128xi32, #tpu.memory_space<hbm>>
        %dma_wait3A_391 = arith.constant 0 : i32
        %dma_wait3A_392 = tpu.memref_slice %arg3[%dma_wait3A_391, %mul3A_388] : memref<2x320000xi32, #tpu.memory_space<hbm>> -> memref<2x128xi32, #tpu.memory_space<hbm>>
        tpu.wait_dma2 semaphore(%arg13 : memref<!tpu.dma_semaphore, #tpu.memory_space<semaphore_mem>>) src(%dma_wait3A_392 : memref<2x128xi32, #tpu.memory_space<hbm>>) dst(%arg6 : memref<2x128xi32, #tpu.memory_space<vmem>>)
      } else {
      }
      %add3A_266 = arith.constant 2 : i32
      %add3A_267 = arith.addi %add3A_259, %add3A_266 : i32
      %lt3A_268 = arith.cmpi slt, %add3A_267, %select_n3A : i32
      %convert_element_type3A_269 = arith.extui %lt3A_268 : i1 to i32
      %cond3A_270 = arith.constant 0 : i32
      %cond3A_271 = arith.cmpi ne, %convert_element_type3A_269, %cond3A_270 : i32
      scf.if %cond3A_271 {
        %add3A_378 = arith.constant 2 : i32
        %add3A_379 = arith.addi %add3A_259, %add3A_378 : i32
        %mul3A_380 = arith.constant 32 : i32
        %mul3A_381 = arith.muli %add3A_379, %mul3A_380 : i32
        %add3A_382 = arith.addi %add3A, %mul3A_381 : i32
        %mul3A_383 = arith.constant 128 : i32
        %mul3A_384 = arith.muli %add3A_382, %mul3A_383 : i32
        %dma_start3A_385 = arith.constant 0 : i32
        %dma_start3A_386 = tpu.memref_slice %arg3[%dma_start3A_385, %mul3A_384] : memref<2x320000xi32, #tpu.memory_space<hbm>> -> memref<2x128xi32, #tpu.memory_space<hbm>>
        %dma_start3A_387 = arith.constant 0 : i32
        %dma_start3A_388 = tpu.memref_slice %arg3[%dma_start3A_387, %mul3A_384] : memref<2x320000xi32, #tpu.memory_space<hbm>> -> memref<2x128xi32, #tpu.memory_space<hbm>>
        tpu.enqueue_dma source(%dma_start3A_388 : memref<2x128xi32, #tpu.memory_space<hbm>>) target(%arg7 : memref<2x128xi32, #tpu.memory_space<vmem>>) target_semaphore(%arg14 : memref<!tpu.dma_semaphore, #tpu.memory_space<semaphore_mem>>)
      } else {
      }
      %add3A_272 = arith.constant 1 : i32
      %add3A_273 = arith.addi %add3A_259, %add3A_272 : i32
      %lt3A_274 = arith.cmpi slt, %add3A_273, %select_n3A : i32
      %convert_element_type3A_275 = arith.extui %lt3A_274 : i1 to i32
      %cond3A_276 = arith.constant 0 : i32
      %cond3A_277 = arith.cmpi ne, %convert_element_type3A_275, %cond3A_276 : i32
      scf.if %cond3A_277 {
        %dma_start3A_378 = arith.constant 0 : i32
        %dma_start3A_379 = arith.constant 0 : i32
        %dma_start3A_380 = tpu.memref_slice %arg6[%dma_start3A_378, %dma_start3A_379] : memref<2x128xi32, #tpu.memory_space<vmem>> -> memref<1x128xi32, #tpu.memory_space<vmem>>
        %dma_start3A_381 = tpu.memref_squeeze %dma_start3A_380 : memref<1x128xi32, #tpu.memory_space<vmem>> -> memref<128xi32, #tpu.memory_space<vmem>>
        %dma_start3A_382 = arith.constant 0 : i32
        %dma_start3A_383 = arith.constant 0 : i32
        %dma_start3A_384 = tpu.memref_slice %arg2[%dma_start3A_382, %dma_start3A_383] : memref<10000x128xf32, #tpu.memory_space<hbm>> -> memref<10000x128xf32, #tpu.memory_space<hbm>>
        tpu.enqueue_indirect_dma source(%dma_start3A_384 : memref<10000x128xf32, #tpu.memory_space<hbm>>) target(%arg12 : memref<128x128xf32, #tpu.memory_space<vmem>>) offsets(%dma_start3A_381 : memref<128xi32, #tpu.memory_space<vmem>>) semaphore(%arg19 : memref<!tpu.dma_semaphore, #tpu.memory_space<semaphore_mem>>)
      } else {
      }
      %lt3A_278 = arith.cmpi slt, %add3A_259, %select_n3A : i32
      %convert_element_type3A_279 = arith.extui %lt3A_278 : i1 to i32
      %cond3A_280 = arith.constant 0 : i32
      %cond3A_281 = arith.cmpi ne, %convert_element_type3A_279, %cond3A_280 : i32
      scf.if %cond3A_281 {
        %dma_wait3A_378 = arith.constant 0 : i32
        %dma_wait3A_379 = arith.constant 0 : i32
        %dma_wait3A_380 = tpu.memref_slice %arg9[%dma_wait3A_378, %dma_wait3A_379] : memref<2x128xi32, #tpu.memory_space<vmem>> -> memref<1x128xi32, #tpu.memory_space<vmem>>
        %dma_wait3A_381 = tpu.memref_squeeze %dma_wait3A_380 : memref<1x128xi32, #tpu.memory_space<vmem>> -> memref<128xi32, #tpu.memory_space<vmem>>
        %dma_wait3A_382 = arith.constant 0 : i32
        %dma_wait3A_383 = arith.constant 0 : i32
        %dma_wait3A_384 = tpu.memref_slice %arg2[%dma_wait3A_382, %dma_wait3A_383] : memref<10000x128xf32, #tpu.memory_space<hbm>> -> memref<10000x128xf32, #tpu.memory_space<hbm>>
        tpu.wait_indirect_dma semaphore(%arg18 : memref<!tpu.dma_semaphore, #tpu.memory_space<semaphore_mem>>) src(%dma_wait3A_384 : memref<10000x128xf32, #tpu.memory_space<hbm>>) dst(%arg11 : memref<128x128xf32, #tpu.memory_space<vmem>>)
        %dma_start3A_385 = arith.constant 1 : i32
        %dma_start3A_386 = arith.constant 0 : i32
        %dma_start3A_387 = tpu.memref_slice %arg9[%dma_start3A_385, %dma_start3A_386] : memref<2x128xi32, #tpu.memory_space<vmem>> -> memref<1x128xi32, #tpu.memory_space<vmem>>
        %dma_start3A_388 = tpu.memref_squeeze %dma_start3A_387 : memref<1x128xi32, #tpu.memory_space<vmem>> -> memref<128xi32, #tpu.memory_space<vmem>>
        %dma_start3A_389 = arith.constant 0 : i32
        %dma_start3A_390 = arith.constant 0 : i32
        %dma_start3A_391 = tpu.memref_slice %arg23[%dma_start3A_389, %dma_start3A_390] : memref<10096x128xf32, #tpu.memory_space<vmem_shared>> -> memref<10096x128xf32, #tpu.memory_space<vmem_shared>>
        tpu.enqueue_indirect_dma source(%arg11 : memref<128x128xf32, #tpu.memory_space<vmem>>) target(%dma_start3A_391 : memref<10096x128xf32, #tpu.memory_space<vmem_shared>>) offsets(%dma_start3A_388 : memref<128xi32, #tpu.memory_space<vmem>>) semaphore(%arg21 : memref<!tpu.dma_semaphore, #tpu.memory_space<semaphore_mem>>) {add = true}
      } else {
      }
      %add3A_282 = arith.constant 8 : i32
      %add3A_283 = arith.addi %add3A_90, %add3A_282 : i32
      %add3A_284 = arith.constant 1 : i32
      %add3A_285 = arith.addi %add3A_283, %add3A_284 : i32
      %lt3A_286 = arith.cmpi slt, %add3A_285, %select_n3A : i32
      %convert_element_type3A_287 = arith.extui %lt3A_286 : i1 to i32
      %cond3A_288 = arith.constant 0 : i32
      %cond3A_289 = arith.cmpi ne, %convert_element_type3A_287, %cond3A_288 : i32
      scf.if %cond3A_289 {
        %ge3A = arith.constant 2 : i32
        %ge3A_378 = arith.cmpi sge, %add3A_283, %ge3A : i32
        %convert_element_type3A_379 = arith.extui %ge3A_378 : i1 to i32
        %cond3A_380 = arith.constant 0 : i32
        %cond3A_381 = arith.cmpi ne, %convert_element_type3A_379, %cond3A_380 : i32
        scf.if %cond3A_381 {
          %dma_wait3A_393 = arith.constant 1 : i32
          %dma_wait3A_394 = arith.constant 0 : i32
          %dma_wait3A_395 = tpu.memref_slice %arg7[%dma_wait3A_393, %dma_wait3A_394] : memref<2x128xi32, #tpu.memory_space<vmem>> -> memref<1x128xi32, #tpu.memory_space<vmem>>
          %dma_wait3A_396 = tpu.memref_squeeze %dma_wait3A_395 : memref<1x128xi32, #tpu.memory_space<vmem>> -> memref<128xi32, #tpu.memory_space<vmem>>
          %dma_wait3A_397 = arith.constant 0 : i32
          %dma_wait3A_398 = arith.constant 0 : i32
          %dma_wait3A_399 = tpu.memref_slice %arg23[%dma_wait3A_397, %dma_wait3A_398] : memref<10096x128xf32, #tpu.memory_space<vmem_shared>> -> memref<10096x128xf32, #tpu.memory_space<vmem_shared>>
          tpu.wait_indirect_dma semaphore(%arg20 : memref<!tpu.dma_semaphore, #tpu.memory_space<semaphore_mem>>) src(%arg10 : memref<128x128xf32, #tpu.memory_space<vmem>>) dst(%dma_wait3A_399 : memref<10096x128xf32, #tpu.memory_space<vmem_shared>>)
        } else {
        }
        %add3A_382 = arith.constant 1 : i32
        %add3A_383 = arith.addi %add3A_283, %add3A_382 : i32
        %mul3A_384 = arith.constant 32 : i32
        %mul3A_385 = arith.muli %add3A_383, %mul3A_384 : i32
        %add3A_386 = arith.addi %add3A, %mul3A_385 : i32
        %mul3A_387 = arith.constant 128 : i32
        %mul3A_388 = arith.muli %add3A_386, %mul3A_387 : i32
        %dma_wait3A_389 = arith.constant 0 : i32
        %dma_wait3A_390 = tpu.memref_slice %arg3[%dma_wait3A_389, %mul3A_388] : memref<2x320000xi32, #tpu.memory_space<hbm>> -> memref<2x128xi32, #tpu.memory_space<hbm>>
        %dma_wait3A_391 = arith.constant 0 : i32
        %dma_wait3A_392 = tpu.memref_slice %arg3[%dma_wait3A_391, %mul3A_388] : memref<2x320000xi32, #tpu.memory_space<hbm>> -> memref<2x128xi32, #tpu.memory_space<hbm>>
        tpu.wait_dma2 semaphore(%arg14 : memref<!tpu.dma_semaphore, #tpu.memory_space<semaphore_mem>>) src(%dma_wait3A_392 : memref<2x128xi32, #tpu.memory_space<hbm>>) dst(%arg7 : memref<2x128xi32, #tpu.memory_space<vmem>>)
      } else {
      }
      %add3A_290 = arith.constant 2 : i32
      %add3A_291 = arith.addi %add3A_283, %add3A_290 : i32
      %lt3A_292 = arith.cmpi slt, %add3A_291, %select_n3A : i32
      %convert_element_type3A_293 = arith.extui %lt3A_292 : i1 to i32
      %cond3A_294 = arith.constant 0 : i32
      %cond3A_295 = arith.cmpi ne, %convert_element_type3A_293, %cond3A_294 : i32
      scf.if %cond3A_295 {
        %add3A_378 = arith.constant 2 : i32
        %add3A_379 = arith.addi %add3A_283, %add3A_378 : i32
        %mul3A_380 = arith.constant 32 : i32
        %mul3A_381 = arith.muli %add3A_379, %mul3A_380 : i32
        %add3A_382 = arith.addi %add3A, %mul3A_381 : i32
        %mul3A_383 = arith.constant 128 : i32
        %mul3A_384 = arith.muli %add3A_382, %mul3A_383 : i32
        %dma_start3A_385 = arith.constant 0 : i32
        %dma_start3A_386 = tpu.memref_slice %arg3[%dma_start3A_385, %mul3A_384] : memref<2x320000xi32, #tpu.memory_space<hbm>> -> memref<2x128xi32, #tpu.memory_space<hbm>>
        %dma_start3A_387 = arith.constant 0 : i32
        %dma_start3A_388 = tpu.memref_slice %arg3[%dma_start3A_387, %mul3A_384] : memref<2x320000xi32, #tpu.memory_space<hbm>> -> memref<2x128xi32, #tpu.memory_space<hbm>>
        tpu.enqueue_dma source(%dma_start3A_388 : memref<2x128xi32, #tpu.memory_space<hbm>>) target(%arg8 : memref<2x128xi32, #tpu.memory_space<vmem>>) target_semaphore(%arg15 : memref<!tpu.dma_semaphore, #tpu.memory_space<semaphore_mem>>)
      } else {
      }
      %add3A_296 = arith.constant 1 : i32
      %add3A_297 = arith.addi %add3A_283, %add3A_296 : i32
      %lt3A_298 = arith.cmpi slt, %add3A_297, %select_n3A : i32
      %convert_element_type3A_299 = arith.extui %lt3A_298 : i1 to i32
      %cond3A_300 = arith.constant 0 : i32
      %cond3A_301 = arith.cmpi ne, %convert_element_type3A_299, %cond3A_300 : i32
      scf.if %cond3A_301 {
        %dma_start3A_378 = arith.constant 0 : i32
        %dma_start3A_379 = arith.constant 0 : i32
        %dma_start3A_380 = tpu.memref_slice %arg7[%dma_start3A_378, %dma_start3A_379] : memref<2x128xi32, #tpu.memory_space<vmem>> -> memref<1x128xi32, #tpu.memory_space<vmem>>
        %dma_start3A_381 = tpu.memref_squeeze %dma_start3A_380 : memref<1x128xi32, #tpu.memory_space<vmem>> -> memref<128xi32, #tpu.memory_space<vmem>>
        %dma_start3A_382 = arith.constant 0 : i32
        %dma_start3A_383 = arith.constant 0 : i32
        %dma_start3A_384 = tpu.memref_slice %arg2[%dma_start3A_382, %dma_start3A_383] : memref<10000x128xf32, #tpu.memory_space<hbm>> -> memref<10000x128xf32, #tpu.memory_space<hbm>>
        tpu.enqueue_indirect_dma source(%dma_start3A_384 : memref<10000x128xf32, #tpu.memory_space<hbm>>) target(%arg10 : memref<128x128xf32, #tpu.memory_space<vmem>>) offsets(%dma_start3A_381 : memref<128xi32, #tpu.memory_space<vmem>>) semaphore(%arg17 : memref<!tpu.dma_semaphore, #tpu.memory_space<semaphore_mem>>)
      } else {
      }
      %lt3A_302 = arith.cmpi slt, %add3A_283, %select_n3A : i32
      %convert_element_type3A_303 = arith.extui %lt3A_302 : i1 to i32
      %cond3A_304 = arith.constant 0 : i32
      %cond3A_305 = arith.cmpi ne, %convert_element_type3A_303, %cond3A_304 : i32
      scf.if %cond3A_305 {
        %dma_wait3A_378 = arith.constant 0 : i32
        %dma_wait3A_379 = arith.constant 0 : i32
        %dma_wait3A_380 = tpu.memref_slice %arg6[%dma_wait3A_378, %dma_wait3A_379] : memref<2x128xi32, #tpu.memory_space<vmem>> -> memref<1x128xi32, #tpu.memory_space<vmem>>
        %dma_wait3A_381 = tpu.memref_squeeze %dma_wait3A_380 : memref<1x128xi32, #tpu.memory_space<vmem>> -> memref<128xi32, #tpu.memory_space<vmem>>
        %dma_wait3A_382 = arith.constant 0 : i32
        %dma_wait3A_383 = arith.constant 0 : i32
        %dma_wait3A_384 = tpu.memref_slice %arg2[%dma_wait3A_382, %dma_wait3A_383] : memref<10000x128xf32, #tpu.memory_space<hbm>> -> memref<10000x128xf32, #tpu.memory_space<hbm>>
        tpu.wait_indirect_dma semaphore(%arg19 : memref<!tpu.dma_semaphore, #tpu.memory_space<semaphore_mem>>) src(%dma_wait3A_384 : memref<10000x128xf32, #tpu.memory_space<hbm>>) dst(%arg12 : memref<128x128xf32, #tpu.memory_space<vmem>>)
        %dma_start3A_385 = arith.constant 1 : i32
        %dma_start3A_386 = arith.constant 0 : i32
        %dma_start3A_387 = tpu.memref_slice %arg6[%dma_start3A_385, %dma_start3A_386] : memref<2x128xi32, #tpu.memory_space<vmem>> -> memref<1x128xi32, #tpu.memory_space<vmem>>
        %dma_start3A_388 = tpu.memref_squeeze %dma_start3A_387 : memref<1x128xi32, #tpu.memory_space<vmem>> -> memref<128xi32, #tpu.memory_space<vmem>>
        %dma_start3A_389 = arith.constant 0 : i32
        %dma_start3A_390 = arith.constant 0 : i32
        %dma_start3A_391 = tpu.memref_slice %arg23[%dma_start3A_389, %dma_start3A_390] : memref<10096x128xf32, #tpu.memory_space<vmem_shared>> -> memref<10096x128xf32, #tpu.memory_space<vmem_shared>>
        tpu.enqueue_indirect_dma source(%arg12 : memref<128x128xf32, #tpu.memory_space<vmem>>) target(%dma_start3A_391 : memref<10096x128xf32, #tpu.memory_space<vmem_shared>>) offsets(%dma_start3A_388 : memref<128xi32, #tpu.memory_space<vmem>>) semaphore(%arg22 : memref<!tpu.dma_semaphore, #tpu.memory_space<semaphore_mem>>) {add = true}
      } else {
      }
      %add3A_306 = arith.constant 9 : i32
      %add3A_307 = arith.addi %add3A_90, %add3A_306 : i32
      %add3A_308 = arith.constant 1 : i32
      %add3A_309 = arith.addi %add3A_307, %add3A_308 : i32
      %lt3A_310 = arith.cmpi slt, %add3A_309, %select_n3A : i32
      %convert_element_type3A_311 = arith.extui %lt3A_310 : i1 to i32
      %cond3A_312 = arith.constant 0 : i32
      %cond3A_313 = arith.cmpi ne, %convert_element_type3A_311, %cond3A_312 : i32
      scf.if %cond3A_313 {
        %ge3A = arith.constant 2 : i32
        %ge3A_378 = arith.cmpi sge, %add3A_307, %ge3A : i32
        %convert_element_type3A_379 = arith.extui %ge3A_378 : i1 to i32
        %cond3A_380 = arith.constant 0 : i32
        %cond3A_381 = arith.cmpi ne, %convert_element_type3A_379, %cond3A_380 : i32
        scf.if %cond3A_381 {
          %dma_wait3A_393 = arith.constant 1 : i32
          %dma_wait3A_394 = arith.constant 0 : i32
          %dma_wait3A_395 = tpu.memref_slice %arg8[%dma_wait3A_393, %dma_wait3A_394] : memref<2x128xi32, #tpu.memory_space<vmem>> -> memref<1x128xi32, #tpu.memory_space<vmem>>
          %dma_wait3A_396 = tpu.memref_squeeze %dma_wait3A_395 : memref<1x128xi32, #tpu.memory_space<vmem>> -> memref<128xi32, #tpu.memory_space<vmem>>
          %dma_wait3A_397 = arith.constant 0 : i32
          %dma_wait3A_398 = arith.constant 0 : i32
          %dma_wait3A_399 = tpu.memref_slice %arg23[%dma_wait3A_397, %dma_wait3A_398] : memref<10096x128xf32, #tpu.memory_space<vmem_shared>> -> memref<10096x128xf32, #tpu.memory_space<vmem_shared>>
          tpu.wait_indirect_dma semaphore(%arg21 : memref<!tpu.dma_semaphore, #tpu.memory_space<semaphore_mem>>) src(%arg11 : memref<128x128xf32, #tpu.memory_space<vmem>>) dst(%dma_wait3A_399 : memref<10096x128xf32, #tpu.memory_space<vmem_shared>>)
        } else {
        }
        %add3A_382 = arith.constant 1 : i32
        %add3A_383 = arith.addi %add3A_307, %add3A_382 : i32
        %mul3A_384 = arith.constant 32 : i32
        %mul3A_385 = arith.muli %add3A_383, %mul3A_384 : i32
        %add3A_386 = arith.addi %add3A, %mul3A_385 : i32
        %mul3A_387 = arith.constant 128 : i32
        %mul3A_388 = arith.muli %add3A_386, %mul3A_387 : i32
        %dma_wait3A_389 = arith.constant 0 : i32
        %dma_wait3A_390 = tpu.memref_slice %arg3[%dma_wait3A_389, %mul3A_388] : memref<2x320000xi32, #tpu.memory_space<hbm>> -> memref<2x128xi32, #tpu.memory_space<hbm>>
        %dma_wait3A_391 = arith.constant 0 : i32
        %dma_wait3A_392 = tpu.memref_slice %arg3[%dma_wait3A_391, %mul3A_388] : memref<2x320000xi32, #tpu.memory_space<hbm>> -> memref<2x128xi32, #tpu.memory_space<hbm>>
        tpu.wait_dma2 semaphore(%arg15 : memref<!tpu.dma_semaphore, #tpu.memory_space<semaphore_mem>>) src(%dma_wait3A_392 : memref<2x128xi32, #tpu.memory_space<hbm>>) dst(%arg8 : memref<2x128xi32, #tpu.memory_space<vmem>>)
      } else {
      }
      %add3A_314 = arith.constant 2 : i32
      %add3A_315 = arith.addi %add3A_307, %add3A_314 : i32
      %lt3A_316 = arith.cmpi slt, %add3A_315, %select_n3A : i32
      %convert_element_type3A_317 = arith.extui %lt3A_316 : i1 to i32
      %cond3A_318 = arith.constant 0 : i32
      %cond3A_319 = arith.cmpi ne, %convert_element_type3A_317, %cond3A_318 : i32
      scf.if %cond3A_319 {
        %add3A_378 = arith.constant 2 : i32
        %add3A_379 = arith.addi %add3A_307, %add3A_378 : i32
        %mul3A_380 = arith.constant 32 : i32
        %mul3A_381 = arith.muli %add3A_379, %mul3A_380 : i32
        %add3A_382 = arith.addi %add3A, %mul3A_381 : i32
        %mul3A_383 = arith.constant 128 : i32
        %mul3A_384 = arith.muli %add3A_382, %mul3A_383 : i32
        %dma_start3A_385 = arith.constant 0 : i32
        %dma_start3A_386 = tpu.memref_slice %arg3[%dma_start3A_385, %mul3A_384] : memref<2x320000xi32, #tpu.memory_space<hbm>> -> memref<2x128xi32, #tpu.memory_space<hbm>>
        %dma_start3A_387 = arith.constant 0 : i32
        %dma_start3A_388 = tpu.memref_slice %arg3[%dma_start3A_387, %mul3A_384] : memref<2x320000xi32, #tpu.memory_space<hbm>> -> memref<2x128xi32, #tpu.memory_space<hbm>>
        tpu.enqueue_dma source(%dma_start3A_388 : memref<2x128xi32, #tpu.memory_space<hbm>>) target(%arg9 : memref<2x128xi32, #tpu.memory_space<vmem>>) target_semaphore(%arg16 : memref<!tpu.dma_semaphore, #tpu.memory_space<semaphore_mem>>)
      } else {
      }
      %add3A_320 = arith.constant 1 : i32
      %add3A_321 = arith.addi %add3A_307, %add3A_320 : i32
      %lt3A_322 = arith.cmpi slt, %add3A_321, %select_n3A : i32
      %convert_element_type3A_323 = arith.extui %lt3A_322 : i1 to i32
      %cond3A_324 = arith.constant 0 : i32
      %cond3A_325 = arith.cmpi ne, %convert_element_type3A_323, %cond3A_324 : i32
      scf.if %cond3A_325 {
        %dma_start3A_378 = arith.constant 0 : i32
        %dma_start3A_379 = arith.constant 0 : i32
        %dma_start3A_380 = tpu.memref_slice %arg8[%dma_start3A_378, %dma_start3A_379] : memref<2x128xi32, #tpu.memory_space<vmem>> -> memref<1x128xi32, #tpu.memory_space<vmem>>
        %dma_start3A_381 = tpu.memref_squeeze %dma_start3A_380 : memref<1x128xi32, #tpu.memory_space<vmem>> -> memref<128xi32, #tpu.memory_space<vmem>>
        %dma_start3A_382 = arith.constant 0 : i32
        %dma_start3A_383 = arith.constant 0 : i32
        %dma_start3A_384 = tpu.memref_slice %arg2[%dma_start3A_382, %dma_start3A_383] : memref<10000x128xf32, #tpu.memory_space<hbm>> -> memref<10000x128xf32, #tpu.memory_space<hbm>>
        tpu.enqueue_indirect_dma source(%dma_start3A_384 : memref<10000x128xf32, #tpu.memory_space<hbm>>) target(%arg11 : memref<128x128xf32, #tpu.memory_space<vmem>>) offsets(%dma_start3A_381 : memref<128xi32, #tpu.memory_space<vmem>>) semaphore(%arg18 : memref<!tpu.dma_semaphore, #tpu.memory_space<semaphore_mem>>)
      } else {
      }
      %lt3A_326 = arith.cmpi slt, %add3A_307, %select_n3A : i32
      %convert_element_type3A_327 = arith.extui %lt3A_326 : i1 to i32
      %cond3A_328 = arith.constant 0 : i32
      %cond3A_329 = arith.cmpi ne, %convert_element_type3A_327, %cond3A_328 : i32
      scf.if %cond3A_329 {
        %dma_wait3A_378 = arith.constant 0 : i32
        %dma_wait3A_379 = arith.constant 0 : i32
        %dma_wait3A_380 = tpu.memref_slice %arg7[%dma_wait3A_378, %dma_wait3A_379] : memref<2x128xi32, #tpu.memory_space<vmem>> -> memref<1x128xi32, #tpu.memory_space<vmem>>
        %dma_wait3A_381 = tpu.memref_squeeze %dma_wait3A_380 : memref<1x128xi32, #tpu.memory_space<vmem>> -> memref<128xi32, #tpu.memory_space<vmem>>
        %dma_wait3A_382 = arith.constant 0 : i32
        %dma_wait3A_383 = arith.constant 0 : i32
        %dma_wait3A_384 = tpu.memref_slice %arg2[%dma_wait3A_382, %dma_wait3A_383] : memref<10000x128xf32, #tpu.memory_space<hbm>> -> memref<10000x128xf32, #tpu.memory_space<hbm>>
        tpu.wait_indirect_dma semaphore(%arg17 : memref<!tpu.dma_semaphore, #tpu.memory_space<semaphore_mem>>) src(%dma_wait3A_384 : memref<10000x128xf32, #tpu.memory_space<hbm>>) dst(%arg10 : memref<128x128xf32, #tpu.memory_space<vmem>>)
        %dma_start3A_385 = arith.constant 1 : i32
        %dma_start3A_386 = arith.constant 0 : i32
        %dma_start3A_387 = tpu.memref_slice %arg7[%dma_start3A_385, %dma_start3A_386] : memref<2x128xi32, #tpu.memory_space<vmem>> -> memref<1x128xi32, #tpu.memory_space<vmem>>
        %dma_start3A_388 = tpu.memref_squeeze %dma_start3A_387 : memref<1x128xi32, #tpu.memory_space<vmem>> -> memref<128xi32, #tpu.memory_space<vmem>>
        %dma_start3A_389 = arith.constant 0 : i32
        %dma_start3A_390 = arith.constant 0 : i32
        %dma_start3A_391 = tpu.memref_slice %arg23[%dma_start3A_389, %dma_start3A_390] : memref<10096x128xf32, #tpu.memory_space<vmem_shared>> -> memref<10096x128xf32, #tpu.memory_space<vmem_shared>>
        tpu.enqueue_indirect_dma source(%arg10 : memref<128x128xf32, #tpu.memory_space<vmem>>) target(%dma_start3A_391 : memref<10096x128xf32, #tpu.memory_space<vmem_shared>>) offsets(%dma_start3A_388 : memref<128xi32, #tpu.memory_space<vmem>>) semaphore(%arg20 : memref<!tpu.dma_semaphore, #tpu.memory_space<semaphore_mem>>) {add = true}
      } else {
      }
      %add3A_330 = arith.constant 10 : i32
      %add3A_331 = arith.addi %add3A_90, %add3A_330 : i32
      %add3A_332 = arith.constant 1 : i32
      %add3A_333 = arith.addi %add3A_331, %add3A_332 : i32
      %lt3A_334 = arith.cmpi slt, %add3A_333, %select_n3A : i32
      %convert_element_type3A_335 = arith.extui %lt3A_334 : i1 to i32
      %cond3A_336 = arith.constant 0 : i32
      %cond3A_337 = arith.cmpi ne, %convert_element_type3A_335, %cond3A_336 : i32
      scf.if %cond3A_337 {
        %ge3A = arith.constant 2 : i32
        %ge3A_378 = arith.cmpi sge, %add3A_331, %ge3A : i32
        %convert_element_type3A_379 = arith.extui %ge3A_378 : i1 to i32
        %cond3A_380 = arith.constant 0 : i32
        %cond3A_381 = arith.cmpi ne, %convert_element_type3A_379, %cond3A_380 : i32
        scf.if %cond3A_381 {
          %dma_wait3A_393 = arith.constant 1 : i32
          %dma_wait3A_394 = arith.constant 0 : i32
          %dma_wait3A_395 = tpu.memref_slice %arg9[%dma_wait3A_393, %dma_wait3A_394] : memref<2x128xi32, #tpu.memory_space<vmem>> -> memref<1x128xi32, #tpu.memory_space<vmem>>
          %dma_wait3A_396 = tpu.memref_squeeze %dma_wait3A_395 : memref<1x128xi32, #tpu.memory_space<vmem>> -> memref<128xi32, #tpu.memory_space<vmem>>
          %dma_wait3A_397 = arith.constant 0 : i32
          %dma_wait3A_398 = arith.constant 0 : i32
          %dma_wait3A_399 = tpu.memref_slice %arg23[%dma_wait3A_397, %dma_wait3A_398] : memref<10096x128xf32, #tpu.memory_space<vmem_shared>> -> memref<10096x128xf32, #tpu.memory_space<vmem_shared>>
          tpu.wait_indirect_dma semaphore(%arg22 : memref<!tpu.dma_semaphore, #tpu.memory_space<semaphore_mem>>) src(%arg12 : memref<128x128xf32, #tpu.memory_space<vmem>>) dst(%dma_wait3A_399 : memref<10096x128xf32, #tpu.memory_space<vmem_shared>>)
        } else {
        }
        %add3A_382 = arith.constant 1 : i32
        %add3A_383 = arith.addi %add3A_331, %add3A_382 : i32
        %mul3A_384 = arith.constant 32 : i32
        %mul3A_385 = arith.muli %add3A_383, %mul3A_384 : i32
        %add3A_386 = arith.addi %add3A, %mul3A_385 : i32
        %mul3A_387 = arith.constant 128 : i32
        %mul3A_388 = arith.muli %add3A_386, %mul3A_387 : i32
        %dma_wait3A_389 = arith.constant 0 : i32
        %dma_wait3A_390 = tpu.memref_slice %arg3[%dma_wait3A_389, %mul3A_388] : memref<2x320000xi32, #tpu.memory_space<hbm>> -> memref<2x128xi32, #tpu.memory_space<hbm>>
        %dma_wait3A_391 = arith.constant 0 : i32
        %dma_wait3A_392 = tpu.memref_slice %arg3[%dma_wait3A_391, %mul3A_388] : memref<2x320000xi32, #tpu.memory_space<hbm>> -> memref<2x128xi32, #tpu.memory_space<hbm>>
        tpu.wait_dma2 semaphore(%arg16 : memref<!tpu.dma_semaphore, #tpu.memory_space<semaphore_mem>>) src(%dma_wait3A_392 : memref<2x128xi32, #tpu.memory_space<hbm>>) dst(%arg9 : memref<2x128xi32, #tpu.memory_space<vmem>>)
      } else {
      }
      %add3A_338 = arith.constant 2 : i32
      %add3A_339 = arith.addi %add3A_331, %add3A_338 : i32
      %lt3A_340 = arith.cmpi slt, %add3A_339, %select_n3A : i32
      %convert_element_type3A_341 = arith.extui %lt3A_340 : i1 to i32
      %cond3A_342 = arith.constant 0 : i32
      %cond3A_343 = arith.cmpi ne, %convert_element_type3A_341, %cond3A_342 : i32
      scf.if %cond3A_343 {
        %add3A_378 = arith.constant 2 : i32
        %add3A_379 = arith.addi %add3A_331, %add3A_378 : i32
        %mul3A_380 = arith.constant 32 : i32
        %mul3A_381 = arith.muli %add3A_379, %mul3A_380 : i32
        %add3A_382 = arith.addi %add3A, %mul3A_381 : i32
        %mul3A_383 = arith.constant 128 : i32
        %mul3A_384 = arith.muli %add3A_382, %mul3A_383 : i32
        %dma_start3A_385 = arith.constant 0 : i32
        %dma_start3A_386 = tpu.memref_slice %arg3[%dma_start3A_385, %mul3A_384] : memref<2x320000xi32, #tpu.memory_space<hbm>> -> memref<2x128xi32, #tpu.memory_space<hbm>>
        %dma_start3A_387 = arith.constant 0 : i32
        %dma_start3A_388 = tpu.memref_slice %arg3[%dma_start3A_387, %mul3A_384] : memref<2x320000xi32, #tpu.memory_space<hbm>> -> memref<2x128xi32, #tpu.memory_space<hbm>>
        tpu.enqueue_dma source(%dma_start3A_388 : memref<2x128xi32, #tpu.memory_space<hbm>>) target(%arg6 : memref<2x128xi32, #tpu.memory_space<vmem>>) target_semaphore(%arg13 : memref<!tpu.dma_semaphore, #tpu.memory_space<semaphore_mem>>)
      } else {
      }
      %add3A_344 = arith.constant 1 : i32
      %add3A_345 = arith.addi %add3A_331, %add3A_344 : i32
      %lt3A_346 = arith.cmpi slt, %add3A_345, %select_n3A : i32
      %convert_element_type3A_347 = arith.extui %lt3A_346 : i1 to i32
      %cond3A_348 = arith.constant 0 : i32
      %cond3A_349 = arith.cmpi ne, %convert_element_type3A_347, %cond3A_348 : i32
      scf.if %cond3A_349 {
        %dma_start3A_378 = arith.constant 0 : i32
        %dma_start3A_379 = arith.constant 0 : i32
        %dma_start3A_380 = tpu.memref_slice %arg9[%dma_start3A_378, %dma_start3A_379] : memref<2x128xi32, #tpu.memory_space<vmem>> -> memref<1x128xi32, #tpu.memory_space<vmem>>
        %dma_start3A_381 = tpu.memref_squeeze %dma_start3A_380 : memref<1x128xi32, #tpu.memory_space<vmem>> -> memref<128xi32, #tpu.memory_space<vmem>>
        %dma_start3A_382 = arith.constant 0 : i32
        %dma_start3A_383 = arith.constant 0 : i32
        %dma_start3A_384 = tpu.memref_slice %arg2[%dma_start3A_382, %dma_start3A_383] : memref<10000x128xf32, #tpu.memory_space<hbm>> -> memref<10000x128xf32, #tpu.memory_space<hbm>>
        tpu.enqueue_indirect_dma source(%dma_start3A_384 : memref<10000x128xf32, #tpu.memory_space<hbm>>) target(%arg12 : memref<128x128xf32, #tpu.memory_space<vmem>>) offsets(%dma_start3A_381 : memref<128xi32, #tpu.memory_space<vmem>>) semaphore(%arg19 : memref<!tpu.dma_semaphore, #tpu.memory_space<semaphore_mem>>)
      } else {
      }
      %lt3A_350 = arith.cmpi slt, %add3A_331, %select_n3A : i32
      %convert_element_type3A_351 = arith.extui %lt3A_350 : i1 to i32
      %cond3A_352 = arith.constant 0 : i32
      %cond3A_353 = arith.cmpi ne, %convert_element_type3A_351, %cond3A_352 : i32
      scf.if %cond3A_353 {
        %dma_wait3A_378 = arith.constant 0 : i32
        %dma_wait3A_379 = arith.constant 0 : i32
        %dma_wait3A_380 = tpu.memref_slice %arg8[%dma_wait3A_378, %dma_wait3A_379] : memref<2x128xi32, #tpu.memory_space<vmem>> -> memref<1x128xi32, #tpu.memory_space<vmem>>
        %dma_wait3A_381 = tpu.memref_squeeze %dma_wait3A_380 : memref<1x128xi32, #tpu.memory_space<vmem>> -> memref<128xi32, #tpu.memory_space<vmem>>
        %dma_wait3A_382 = arith.constant 0 : i32
        %dma_wait3A_383 = arith.constant 0 : i32
        %dma_wait3A_384 = tpu.memref_slice %arg2[%dma_wait3A_382, %dma_wait3A_383] : memref<10000x128xf32, #tpu.memory_space<hbm>> -> memref<10000x128xf32, #tpu.memory_space<hbm>>
        tpu.wait_indirect_dma semaphore(%arg18 : memref<!tpu.dma_semaphore, #tpu.memory_space<semaphore_mem>>) src(%dma_wait3A_384 : memref<10000x128xf32, #tpu.memory_space<hbm>>) dst(%arg11 : memref<128x128xf32, #tpu.memory_space<vmem>>)
        %dma_start3A_385 = arith.constant 1 : i32
        %dma_start3A_386 = arith.constant 0 : i32
        %dma_start3A_387 = tpu.memref_slice %arg8[%dma_start3A_385, %dma_start3A_386] : memref<2x128xi32, #tpu.memory_space<vmem>> -> memref<1x128xi32, #tpu.memory_space<vmem>>
        %dma_start3A_388 = tpu.memref_squeeze %dma_start3A_387 : memref<1x128xi32, #tpu.memory_space<vmem>> -> memref<128xi32, #tpu.memory_space<vmem>>
        %dma_start3A_389 = arith.constant 0 : i32
        %dma_start3A_390 = arith.constant 0 : i32
        %dma_start3A_391 = tpu.memref_slice %arg23[%dma_start3A_389, %dma_start3A_390] : memref<10096x128xf32, #tpu.memory_space<vmem_shared>> -> memref<10096x128xf32, #tpu.memory_space<vmem_shared>>
        tpu.enqueue_indirect_dma source(%arg11 : memref<128x128xf32, #tpu.memory_space<vmem>>) target(%dma_start3A_391 : memref<10096x128xf32, #tpu.memory_space<vmem_shared>>) offsets(%dma_start3A_388 : memref<128xi32, #tpu.memory_space<vmem>>) semaphore(%arg21 : memref<!tpu.dma_semaphore, #tpu.memory_space<semaphore_mem>>) {add = true}
      } else {
      }
      %add3A_354 = arith.constant 11 : i32
      %add3A_355 = arith.addi %add3A_90, %add3A_354 : i32
      %add3A_356 = arith.constant 1 : i32
      %add3A_357 = arith.addi %add3A_355, %add3A_356 : i32
      %lt3A_358 = arith.cmpi slt, %add3A_357, %select_n3A : i32
      %convert_element_type3A_359 = arith.extui %lt3A_358 : i1 to i32
      %cond3A_360 = arith.constant 0 : i32
      %cond3A_361 = arith.cmpi ne, %convert_element_type3A_359, %cond3A_360 : i32
      scf.if %cond3A_361 {
        %ge3A = arith.constant 2 : i32
        %ge3A_378 = arith.cmpi sge, %add3A_355, %ge3A : i32
        %convert_element_type3A_379 = arith.extui %ge3A_378 : i1 to i32
        %cond3A_380 = arith.constant 0 : i32
        %cond3A_381 = arith.cmpi ne, %convert_element_type3A_379, %cond3A_380 : i32
        scf.if %cond3A_381 {
          %dma_wait3A_393 = arith.constant 1 : i32
          %dma_wait3A_394 = arith.constant 0 : i32
          %dma_wait3A_395 = tpu.memref_slice %arg6[%dma_wait3A_393, %dma_wait3A_394] : memref<2x128xi32, #tpu.memory_space<vmem>> -> memref<1x128xi32, #tpu.memory_space<vmem>>
          %dma_wait3A_396 = tpu.memref_squeeze %dma_wait3A_395 : memref<1x128xi32, #tpu.memory_space<vmem>> -> memref<128xi32, #tpu.memory_space<vmem>>
          %dma_wait3A_397 = arith.constant 0 : i32
          %dma_wait3A_398 = arith.constant 0 : i32
          %dma_wait3A_399 = tpu.memref_slice %arg23[%dma_wait3A_397, %dma_wait3A_398] : memref<10096x128xf32, #tpu.memory_space<vmem_shared>> -> memref<10096x128xf32, #tpu.memory_space<vmem_shared>>
          tpu.wait_indirect_dma semaphore(%arg20 : memref<!tpu.dma_semaphore, #tpu.memory_space<semaphore_mem>>) src(%arg10 : memref<128x128xf32, #tpu.memory_space<vmem>>) dst(%dma_wait3A_399 : memref<10096x128xf32, #tpu.memory_space<vmem_shared>>)
        } else {
        }
        %add3A_382 = arith.constant 1 : i32
        %add3A_383 = arith.addi %add3A_355, %add3A_382 : i32
        %mul3A_384 = arith.constant 32 : i32
        %mul3A_385 = arith.muli %add3A_383, %mul3A_384 : i32
        %add3A_386 = arith.addi %add3A, %mul3A_385 : i32
        %mul3A_387 = arith.constant 128 : i32
        %mul3A_388 = arith.muli %add3A_386, %mul3A_387 : i32
        %dma_wait3A_389 = arith.constant 0 : i32
        %dma_wait3A_390 = tpu.memref_slice %arg3[%dma_wait3A_389, %mul3A_388] : memref<2x320000xi32, #tpu.memory_space<hbm>> -> memref<2x128xi32, #tpu.memory_space<hbm>>
        %dma_wait3A_391 = arith.constant 0 : i32
        %dma_wait3A_392 = tpu.memref_slice %arg3[%dma_wait3A_391, %mul3A_388] : memref<2x320000xi32, #tpu.memory_space<hbm>> -> memref<2x128xi32, #tpu.memory_space<hbm>>
        tpu.wait_dma2 semaphore(%arg13 : memref<!tpu.dma_semaphore, #tpu.memory_space<semaphore_mem>>) src(%dma_wait3A_392 : memref<2x128xi32, #tpu.memory_space<hbm>>) dst(%arg6 : memref<2x128xi32, #tpu.memory_space<vmem>>)
      } else {
      }
      %add3A_362 = arith.constant 2 : i32
      %add3A_363 = arith.addi %add3A_355, %add3A_362 : i32
      %lt3A_364 = arith.cmpi slt, %add3A_363, %select_n3A : i32
      %convert_element_type3A_365 = arith.extui %lt3A_364 : i1 to i32
      %cond3A_366 = arith.constant 0 : i32
      %cond3A_367 = arith.cmpi ne, %convert_element_type3A_365, %cond3A_366 : i32
      scf.if %cond3A_367 {
        %add3A_378 = arith.constant 2 : i32
        %add3A_379 = arith.addi %add3A_355, %add3A_378 : i32
        %mul3A_380 = arith.constant 32 : i32
        %mul3A_381 = arith.muli %add3A_379, %mul3A_380 : i32
        %add3A_382 = arith.addi %add3A, %mul3A_381 : i32
        %mul3A_383 = arith.constant 128 : i32
        %mul3A_384 = arith.muli %add3A_382, %mul3A_383 : i32
        %dma_start3A_385 = arith.constant 0 : i32
        %dma_start3A_386 = tpu.memref_slice %arg3[%dma_start3A_385, %mul3A_384] : memref<2x320000xi32, #tpu.memory_space<hbm>> -> memref<2x128xi32, #tpu.memory_space<hbm>>
        %dma_start3A_387 = arith.constant 0 : i32
        %dma_start3A_388 = tpu.memref_slice %arg3[%dma_start3A_387, %mul3A_384] : memref<2x320000xi32, #tpu.memory_space<hbm>> -> memref<2x128xi32, #tpu.memory_space<hbm>>
        tpu.enqueue_dma source(%dma_start3A_388 : memref<2x128xi32, #tpu.memory_space<hbm>>) target(%arg7 : memref<2x128xi32, #tpu.memory_space<vmem>>) target_semaphore(%arg14 : memref<!tpu.dma_semaphore, #tpu.memory_space<semaphore_mem>>)
      } else {
      }
      %add3A_368 = arith.constant 1 : i32
      %add3A_369 = arith.addi %add3A_355, %add3A_368 : i32
      %lt3A_370 = arith.cmpi slt, %add3A_369, %select_n3A : i32
      %convert_element_type3A_371 = arith.extui %lt3A_370 : i1 to i32
      %cond3A_372 = arith.constant 0 : i32
      %cond3A_373 = arith.cmpi ne, %convert_element_type3A_371, %cond3A_372 : i32
      scf.if %cond3A_373 {
        %dma_start3A_378 = arith.constant 0 : i32
        %dma_start3A_379 = arith.constant 0 : i32
        %dma_start3A_380 = tpu.memref_slice %arg6[%dma_start3A_378, %dma_start3A_379] : memref<2x128xi32, #tpu.memory_space<vmem>> -> memref<1x128xi32, #tpu.memory_space<vmem>>
        %dma_start3A_381 = tpu.memref_squeeze %dma_start3A_380 : memref<1x128xi32, #tpu.memory_space<vmem>> -> memref<128xi32, #tpu.memory_space<vmem>>
        %dma_start3A_382 = arith.constant 0 : i32
        %dma_start3A_383 = arith.constant 0 : i32
        %dma_start3A_384 = tpu.memref_slice %arg2[%dma_start3A_382, %dma_start3A_383] : memref<10000x128xf32, #tpu.memory_space<hbm>> -> memref<10000x128xf32, #tpu.memory_space<hbm>>
        tpu.enqueue_indirect_dma source(%dma_start3A_384 : memref<10000x128xf32, #tpu.memory_space<hbm>>) target(%arg10 : memref<128x128xf32, #tpu.memory_space<vmem>>) offsets(%dma_start3A_381 : memref<128xi32, #tpu.memory_space<vmem>>) semaphore(%arg17 : memref<!tpu.dma_semaphore, #tpu.memory_space<semaphore_mem>>)
      } else {
      }
      %lt3A_374 = arith.cmpi slt, %add3A_355, %select_n3A : i32
      %convert_element_type3A_375 = arith.extui %lt3A_374 : i1 to i32
      %cond3A_376 = arith.constant 0 : i32
      %cond3A_377 = arith.cmpi ne, %convert_element_type3A_375, %cond3A_376 : i32
      scf.if %cond3A_377 {
        %dma_wait3A_378 = arith.constant 0 : i32
        %dma_wait3A_379 = arith.constant 0 : i32
        %dma_wait3A_380 = tpu.memref_slice %arg9[%dma_wait3A_378, %dma_wait3A_379] : memref<2x128xi32, #tpu.memory_space<vmem>> -> memref<1x128xi32, #tpu.memory_space<vmem>>
        %dma_wait3A_381 = tpu.memref_squeeze %dma_wait3A_380 : memref<1x128xi32, #tpu.memory_space<vmem>> -> memref<128xi32, #tpu.memory_space<vmem>>
        %dma_wait3A_382 = arith.constant 0 : i32
        %dma_wait3A_383 = arith.constant 0 : i32
        %dma_wait3A_384 = tpu.memref_slice %arg2[%dma_wait3A_382, %dma_wait3A_383] : memref<10000x128xf32, #tpu.memory_space<hbm>> -> memref<10000x128xf32, #tpu.memory_space<hbm>>
        tpu.wait_indirect_dma semaphore(%arg19 : memref<!tpu.dma_semaphore, #tpu.memory_space<semaphore_mem>>) src(%dma_wait3A_384 : memref<10000x128xf32, #tpu.memory_space<hbm>>) dst(%arg12 : memref<128x128xf32, #tpu.memory_space<vmem>>)
        %dma_start3A_385 = arith.constant 1 : i32
        %dma_start3A_386 = arith.constant 0 : i32
        %dma_start3A_387 = tpu.memref_slice %arg9[%dma_start3A_385, %dma_start3A_386] : memref<2x128xi32, #tpu.memory_space<vmem>> -> memref<1x128xi32, #tpu.memory_space<vmem>>
        %dma_start3A_388 = tpu.memref_squeeze %dma_start3A_387 : memref<1x128xi32, #tpu.memory_space<vmem>> -> memref<128xi32, #tpu.memory_space<vmem>>
        %dma_start3A_389 = arith.constant 0 : i32
        %dma_start3A_390 = arith.constant 0 : i32
        %dma_start3A_391 = tpu.memref_slice %arg23[%dma_start3A_389, %dma_start3A_390] : memref<10096x128xf32, #tpu.memory_space<vmem_shared>> -> memref<10096x128xf32, #tpu.memory_space<vmem_shared>>
        tpu.enqueue_indirect_dma source(%arg12 : memref<128x128xf32, #tpu.memory_space<vmem>>) target(%dma_start3A_391 : memref<10096x128xf32, #tpu.memory_space<vmem_shared>>) offsets(%dma_start3A_388 : memref<128xi32, #tpu.memory_space<vmem>>) semaphore(%arg22 : memref<!tpu.dma_semaphore, #tpu.memory_space<semaphore_mem>>) {add = true}
      } else {
      }
    }
    %scan3A_57 = arith.constant 7 : i32
    %dma_wait3A_58 = arith.constant 1 : i32
    %dma_wait3A_59 = arith.constant 0 : i32
    %dma_wait3A_60 = tpu.memref_slice %arg6[%dma_wait3A_58, %dma_wait3A_59] : memref<2x128xi32, #tpu.memory_space<vmem>> -> memref<1x128xi32, #tpu.memory_space<vmem>>
    %dma_wait3A_61 = tpu.memref_squeeze %dma_wait3A_60 : memref<1x128xi32, #tpu.memory_space<vmem>> -> memref<128xi32, #tpu.memory_space<vmem>>
    %dma_wait3A_62 = arith.constant 0 : i32
    %dma_wait3A_63 = arith.constant 0 : i32
    %dma_wait3A_64 = tpu.memref_slice %arg23[%dma_wait3A_62, %dma_wait3A_63] : memref<10096x128xf32, #tpu.memory_space<vmem_shared>> -> memref<10096x128xf32, #tpu.memory_space<vmem_shared>>
    tpu.wait_indirect_dma semaphore(%arg20 : memref<!tpu.dma_semaphore, #tpu.memory_space<semaphore_mem>>) src(%arg10 : memref<128x128xf32, #tpu.memory_space<vmem>>) dst(%dma_wait3A_64 : memref<10096x128xf32, #tpu.memory_space<vmem_shared>>)
    %dma_wait3A_65 = arith.constant 1 : i32
    %dma_wait3A_66 = arith.constant 0 : i32
    %dma_wait3A_67 = tpu.memref_slice %arg7[%dma_wait3A_65, %dma_wait3A_66] : memref<2x128xi32, #tpu.memory_space<vmem>> -> memref<1x128xi32, #tpu.memory_space<vmem>>
    %dma_wait3A_68 = tpu.memref_squeeze %dma_wait3A_67 : memref<1x128xi32, #tpu.memory_space<vmem>> -> memref<128xi32, #tpu.memory_space<vmem>>
    %dma_wait3A_69 = arith.constant 0 : i32
    %dma_wait3A_70 = arith.constant 0 : i32
    %dma_wait3A_71 = tpu.memref_slice %arg23[%dma_wait3A_69, %dma_wait3A_70] : memref<10096x128xf32, #tpu.memory_space<vmem_shared>> -> memref<10096x128xf32, #tpu.memory_space<vmem_shared>>
    tpu.wait_indirect_dma semaphore(%arg21 : memref<!tpu.dma_semaphore, #tpu.memory_space<semaphore_mem>>) src(%arg11 : memref<128x128xf32, #tpu.memory_space<vmem>>) dst(%dma_wait3A_71 : memref<10096x128xf32, #tpu.memory_space<vmem_shared>>)
    %dma_wait3A_72 = arith.constant 1 : i32
    %dma_wait3A_73 = arith.constant 0 : i32
    %dma_wait3A_74 = tpu.memref_slice %arg8[%dma_wait3A_72, %dma_wait3A_73] : memref<2x128xi32, #tpu.memory_space<vmem>> -> memref<1x128xi32, #tpu.memory_space<vmem>>
    %dma_wait3A_75 = tpu.memref_squeeze %dma_wait3A_74 : memref<1x128xi32, #tpu.memory_space<vmem>> -> memref<128xi32, #tpu.memory_space<vmem>>
    %dma_wait3A_76 = arith.constant 0 : i32
    %dma_wait3A_77 = arith.constant 0 : i32
    %dma_wait3A_78 = tpu.memref_slice %arg23[%dma_wait3A_76, %dma_wait3A_77] : memref<10096x128xf32, #tpu.memory_space<vmem_shared>> -> memref<10096x128xf32, #tpu.memory_space<vmem_shared>>
    tpu.wait_indirect_dma semaphore(%arg22 : memref<!tpu.dma_semaphore, #tpu.memory_space<semaphore_mem>>) src(%arg12 : memref<128x128xf32, #tpu.memory_space<vmem>>) dst(%dma_wait3A_78 : memref<10096x128xf32, #tpu.memory_space<vmem_shared>>)
    %barrier3A_79 = arith.constant 0 : index
    tpu.barrier barrier_id(%barrier3A_79)
    %mul3A_80 = arith.constant 624 : i32
    %mul3A_81 = arith.muli %arg1, %mul3A_80 : i32
    %mul3A_82 = arith.constant 624 : i32
    %mul3A_83 = arith.muli %arg1, %mul3A_82 : i32
    "tpu.region"() ({
      %run_scoped3A = tpu.sem_alloc : memref<!tpu.dma_semaphore, #tpu.memory_space<semaphore_mem>>
      %dma_start3A_86 = arith.constant 0 : i32
      %dma_start3A_87 = arith.constant 0 : i32
      %dma_start3A_88 = tpu.memref_slice %arg5[%arg0, %dma_start3A_86, %dma_start3A_87] : memref<2x10000x128xf32, #tpu.memory_space<hbm>> -> memref<1x10000x128xf32, #tpu.memory_space<hbm>>
      %dma_start3A_89 = tpu.memref_squeeze %dma_start3A_88 : memref<1x10000x128xf32, #tpu.memory_space<hbm>> -> memref<10000x128xf32, #tpu.memory_space<hbm>>
      %dma_start3A_90 = arith.constant 0 : i32
      %dma_start3A_91 = tpu.memref_slice %dma_start3A_89[%mul3A_83, %dma_start3A_90] : memref<10000x128xf32, #tpu.memory_space<hbm>> -> memref<624x128xf32, #tpu.memory_space<hbm>>
      %dma_start3A_92 = arith.constant 0 : i32
      %dma_start3A_93 = tpu.memref_slice %arg23[%mul3A_81, %dma_start3A_92] : memref<10096x128xf32, #tpu.memory_space<vmem_shared>> -> memref<624x128xf32, #tpu.memory_space<vmem_shared>>
      tpu.enqueue_dma source(%dma_start3A_93 : memref<624x128xf32, #tpu.memory_space<vmem_shared>>) target(%dma_start3A_91 : memref<624x128xf32, #tpu.memory_space<hbm>>) target_semaphore(%run_scoped3A : memref<!tpu.dma_semaphore, #tpu.memory_space<semaphore_mem>>)
      %dma_wait3A_94 = arith.constant 0 : i32
      %dma_wait3A_95 = arith.constant 0 : i32
      %dma_wait3A_96 = tpu.memref_slice %arg5[%arg0, %dma_wait3A_94, %dma_wait3A_95] : memref<2x10000x128xf32, #tpu.memory_space<hbm>> -> memref<1x10000x128xf32, #tpu.memory_space<hbm>>
      %dma_wait3A_97 = tpu.memref_squeeze %dma_wait3A_96 : memref<1x10000x128xf32, #tpu.memory_space<hbm>> -> memref<10000x128xf32, #tpu.memory_space<hbm>>
      %dma_wait3A_98 = arith.constant 0 : i32
      %dma_wait3A_99 = tpu.memref_slice %dma_wait3A_97[%mul3A_83, %dma_wait3A_98] : memref<10000x128xf32, #tpu.memory_space<hbm>> -> memref<624x128xf32, #tpu.memory_space<hbm>>
      %dma_wait3A_100 = arith.constant 0 : i32
      %dma_wait3A_101 = tpu.memref_slice %arg23[%mul3A_81, %dma_wait3A_100] : memref<10096x128xf32, #tpu.memory_space<vmem_shared>> -> memref<624x128xf32, #tpu.memory_space<vmem_shared>>
      tpu.wait_dma2 semaphore(%run_scoped3A : memref<!tpu.dma_semaphore, #tpu.memory_space<semaphore_mem>>) src(%dma_wait3A_101 : memref<624x128xf32, #tpu.memory_space<vmem_shared>>) dst(%dma_wait3A_99 : memref<624x128xf32, #tpu.memory_space<hbm>>)
      tpu.yield
    }) : () -> ()
    %eq3A = arith.constant 15 : i32
    %eq3A_84 = arith.cmpi eq, %arg1, %eq3A : i32
    %convert_element_type3A = arith.extui %eq3A_84 : i1 to i32
    %cond3A = arith.constant 0 : i32
    %cond3A_85 = arith.cmpi ne, %convert_element_type3A, %cond3A : i32
    scf.if %cond3A_85 {
      "tpu.region"() ({
        %run_scoped3A = tpu.sem_alloc : memref<!tpu.dma_semaphore, #tpu.memory_space<semaphore_mem>>
        %dma_start3A_86 = arith.constant 0 : i32
        %dma_start3A_87 = arith.constant 0 : i32
        %dma_start3A_88 = tpu.memref_slice %arg5[%arg0, %dma_start3A_86, %dma_start3A_87] : memref<2x10000x128xf32, #tpu.memory_space<hbm>> -> memref<1x10000x128xf32, #tpu.memory_space<hbm>>
        %dma_start3A_89 = tpu.memref_squeeze %dma_start3A_88 : memref<1x10000x128xf32, #tpu.memory_space<hbm>> -> memref<10000x128xf32, #tpu.memory_space<hbm>>
        %dma_start3A_90 = arith.constant 9984 : i32
        %dma_start3A_91 = arith.constant 0 : i32
        %dma_start3A_92 = tpu.memref_slice %dma_start3A_89[%dma_start3A_90, %dma_start3A_91] : memref<10000x128xf32, #tpu.memory_space<hbm>> -> memref<16x128xf32, #tpu.memory_space<hbm>>
        %dma_start3A_93 = arith.constant 9984 : i32
        %dma_start3A_94 = arith.constant 0 : i32
        %dma_start3A_95 = tpu.memref_slice %arg23[%dma_start3A_93, %dma_start3A_94] : memref<10096x128xf32, #tpu.memory_space<vmem_shared>> -> memref<16x128xf32, #tpu.memory_space<vmem_shared>>
        tpu.enqueue_dma source(%dma_start3A_95 : memref<16x128xf32, #tpu.memory_space<vmem_shared>>) target(%dma_start3A_92 : memref<16x128xf32, #tpu.memory_space<hbm>>) target_semaphore(%run_scoped3A : memref<!tpu.dma_semaphore, #tpu.memory_space<semaphore_mem>>)
        %dma_wait3A_96 = arith.constant 0 : i32
        %dma_wait3A_97 = arith.constant 0 : i32
        %dma_wait3A_98 = tpu.memref_slice %arg5[%arg0, %dma_wait3A_96, %dma_wait3A_97] : memref<2x10000x128xf32, #tpu.memory_space<hbm>> -> memref<1x10000x128xf32, #tpu.memory_space<hbm>>
        %dma_wait3A_99 = tpu.memref_squeeze %dma_wait3A_98 : memref<1x10000x128xf32, #tpu.memory_space<hbm>> -> memref<10000x128xf32, #tpu.memory_space<hbm>>
        %dma_wait3A_100 = arith.constant 9984 : i32
        %dma_wait3A_101 = arith.constant 0 : i32
        %dma_wait3A_102 = tpu.memref_slice %dma_wait3A_99[%dma_wait3A_100, %dma_wait3A_101] : memref<10000x128xf32, #tpu.memory_space<hbm>> -> memref<16x128xf32, #tpu.memory_space<hbm>>
        %dma_wait3A_103 = arith.constant 9984 : i32
        %dma_wait3A_104 = arith.constant 0 : i32
        %dma_wait3A_105 = tpu.memref_slice %arg23[%dma_wait3A_103, %dma_wait3A_104] : memref<10096x128xf32, #tpu.memory_space<vmem_shared>> -> memref<16x128xf32, #tpu.memory_space<vmem_shared>>
        tpu.wait_dma2 semaphore(%run_scoped3A : memref<!tpu.dma_semaphore, #tpu.memory_space<semaphore_mem>>) src(%dma_wait3A_105 : memref<16x128xf32, #tpu.memory_space<vmem_shared>>) dst(%dma_wait3A_102 : memref<16x128xf32, #tpu.memory_space<hbm>>)
        tpu.yield
      }) : () -> ()
    } else {
    }
    return
  }
}

module attributes {stable_mosaic.version = 14 : i64} {
  func.func @_mlp_body(%arg0: memref<1xf32, #tpu.memory_space<smem>>, %arg1: memref<10000x128xf32, #tpu.memory_space<any>>, %arg2: memref<2x10000x128xf32, #tpu.memory_space<any>>, %arg3: memref<128x256xf32, #tpu.memory_space<vmem>>, %arg4: memref<1x256xf32, #tpu.memory_space<vmem>>, %arg5: memref<1x256xf32, #tpu.memory_space<vmem>>, %arg6: memref<1x256xf32, #tpu.memory_space<vmem>>, %arg7: memref<256x128xf32, #tpu.memory_space<vmem>>, %arg8: memref<1x128xf32, #tpu.memory_space<vmem>>, %arg9: memref<1x128xf32, #tpu.memory_space<vmem>>, %arg10: memref<1x128xf32, #tpu.memory_space<vmem>>, %arg11: memref<10000x128xf32, #tpu.memory_space<vmem>>, %arg12: memref<2000x128xf32, #tpu.memory_space<vmem>>, %arg13: memref<2000x128xf32, #tpu.memory_space<vmem>>, %arg14: memref<2x2000x128xf32, #tpu.memory_space<vmem>>, %arg15: memref<2x2000x128xf32, #tpu.memory_space<vmem>>, %arg16: memref<10000x256xf32, #tpu.memory_space<vmem>>, %arg17: memref<!tpu.dma_semaphore, #tpu.memory_space<semaphore_mem>>, %arg18: memref<!tpu.dma_semaphore, #tpu.memory_space<semaphore_mem>>, %arg19: memref<!tpu.dma_semaphore, #tpu.memory_space<semaphore_mem>>, %arg20: memref<!tpu.dma_semaphore, #tpu.memory_space<semaphore_mem>>) attributes {dimension_semantics = [], scalar_prefetch = 0 : i64, scratch_operands = 9 : i64, tpu.core_type = #tpu.core_type<tc>} {
    %dma_start3A = arith.constant 0 : i32
    %dma_start3A_0 = arith.constant 0 : i32
    %dma_start3A_1 = tpu.memref_slice %arg1[%dma_start3A, %dma_start3A_0] : memref<10000x128xf32, #tpu.memory_space<any>> -> memref<2000x128xf32, #tpu.memory_space<any>>
    tpu.enqueue_dma source(%dma_start3A_1 : memref<2000x128xf32, #tpu.memory_space<any>>) target(%arg12 : memref<2000x128xf32, #tpu.memory_space<vmem>>) target_semaphore(%arg17 : memref<!tpu.dma_semaphore, #tpu.memory_space<semaphore_mem>>)
    %dma_start3A_2 = arith.constant 0 : i32
    %dma_start3A_3 = arith.constant 0 : i32
    %dma_start3A_4 = arith.constant 0 : i32
    %dma_start3A_5 = tpu.memref_slice %arg2[%dma_start3A_2, %dma_start3A_3, %dma_start3A_4] : memref<2x10000x128xf32, #tpu.memory_space<any>> -> memref<2x2000x128xf32, #tpu.memory_space<any>>
    tpu.enqueue_dma source(%dma_start3A_5 : memref<2x2000x128xf32, #tpu.memory_space<any>>) target(%arg14 : memref<2x2000x128xf32, #tpu.memory_space<vmem>>) target_semaphore(%arg19 : memref<!tpu.dma_semaphore, #tpu.memory_space<semaphore_mem>>)
    %get3A = arith.constant 0 : index
    %get3A_6 = arith.constant 0 : index
    %get3A_7 = vector.load %arg3[%get3A, %get3A_6] : memref<128x256xf32, #tpu.memory_space<vmem>>, vector<128x256xf32>
    %convert_element_type3A = arith.truncf %get3A_7 : vector<128x256xf32> to vector<128x256xbf16>
    %broadcast_in_dim3A = arith.constant 0.000000e+00 : f32
    %broadcast_in_dim3A_8 = vector.broadcast %broadcast_in_dim3A : f32 to vector<1x256xf32>
    %broadcast_in_dim3A_9 = arith.constant 0.000000e+00 : f32
    %broadcast_in_dim3A_10 = vector.broadcast %broadcast_in_dim3A_9 : f32 to vector<1x256xf32>
    %dma_start3A_11 = arith.constant 2000 : i32
    %dma_start3A_12 = arith.constant 0 : i32
    %dma_start3A_13 = tpu.memref_slice %arg1[%dma_start3A_11, %dma_start3A_12] : memref<10000x128xf32, #tpu.memory_space<any>> -> memref<2000x128xf32, #tpu.memory_space<any>>
    tpu.enqueue_dma source(%dma_start3A_13 : memref<2000x128xf32, #tpu.memory_space<any>>) target(%arg13 : memref<2000x128xf32, #tpu.memory_space<vmem>>) target_semaphore(%arg18 : memref<!tpu.dma_semaphore, #tpu.memory_space<semaphore_mem>>)
    %dma_start3A_14 = arith.constant 0 : i32
    %dma_start3A_15 = arith.constant 2000 : i32
    %dma_start3A_16 = arith.constant 0 : i32
    %dma_start3A_17 = tpu.memref_slice %arg2[%dma_start3A_14, %dma_start3A_15, %dma_start3A_16] : memref<2x10000x128xf32, #tpu.memory_space<any>> -> memref<2x2000x128xf32, #tpu.memory_space<any>>
    tpu.enqueue_dma source(%dma_start3A_17 : memref<2x2000x128xf32, #tpu.memory_space<any>>) target(%arg15 : memref<2x2000x128xf32, #tpu.memory_space<vmem>>) target_semaphore(%arg20 : memref<!tpu.dma_semaphore, #tpu.memory_space<semaphore_mem>>)
    %dma_wait3A = arith.constant 0 : i32
    %dma_wait3A_18 = arith.constant 0 : i32
    %dma_wait3A_19 = tpu.memref_slice %arg1[%dma_wait3A, %dma_wait3A_18] : memref<10000x128xf32, #tpu.memory_space<any>> -> memref<2000x128xf32, #tpu.memory_space<any>>
    tpu.wait_dma2 semaphore(%arg17 : memref<!tpu.dma_semaphore, #tpu.memory_space<semaphore_mem>>) src(%dma_wait3A_19 : memref<2000x128xf32, #tpu.memory_space<any>>) dst(%arg12 : memref<2000x128xf32, #tpu.memory_space<vmem>>)
    %dma_wait3A_20 = arith.constant 0 : i32
    %dma_wait3A_21 = arith.constant 0 : i32
    %dma_wait3A_22 = arith.constant 0 : i32
    %dma_wait3A_23 = tpu.memref_slice %arg2[%dma_wait3A_20, %dma_wait3A_21, %dma_wait3A_22] : memref<2x10000x128xf32, #tpu.memory_space<any>> -> memref<2x2000x128xf32, #tpu.memory_space<any>>
    tpu.wait_dma2 semaphore(%arg19 : memref<!tpu.dma_semaphore, #tpu.memory_space<semaphore_mem>>) src(%dma_wait3A_23 : memref<2x2000x128xf32, #tpu.memory_space<any>>) dst(%arg14 : memref<2x2000x128xf32, #tpu.memory_space<vmem>>)
    %get3A_24 = arith.constant 0 : index
    %get3A_25 = memref.load %arg0[%get3A_24] : memref<1xf32, #tpu.memory_space<smem>>
    %add3A = arith.constant 1.000000e+00 : f32
    %add3A_26 = arith.addf %add3A, %get3A_25 : f32
    %get3A_27 = arith.constant 0 : index
    %get3A_28 = arith.constant 0 : index
    %get3A_29 = vector.load %arg12[%get3A_27, %get3A_28] : memref<2000x128xf32, #tpu.memory_space<vmem>>, vector<2000x128xf32>
    %mul3A = vector.broadcast %add3A_26 : f32 to vector<2000x128xf32>
    %mul3A_30 = arith.mulf %mul3A, %get3A_29 : vector<2000x128xf32>
    %get3A_31 = arith.constant 0 : index
    %get3A_32 = arith.constant 0 : index
    %get3A_33 = arith.constant 0 : index
    %get3A_34 = vector.load %arg14[%get3A_31, %get3A_32, %get3A_33] : memref<2x2000x128xf32, #tpu.memory_space<vmem>>, vector<1x2000x128xf32>
    %get3A_35 = vector.shape_cast %get3A_34 : vector<1x2000x128xf32> to vector<2000x128xf32>
    %add3A_36 = arith.addf %mul3A_30, %get3A_35 : vector<2000x128xf32>
    %get3A_37 = arith.constant 1 : index
    %get3A_38 = arith.constant 0 : index
    %get3A_39 = arith.constant 0 : index
    %get3A_40 = vector.load %arg14[%get3A_37, %get3A_38, %get3A_39] : memref<2x2000x128xf32, #tpu.memory_space<vmem>>, vector<1x2000x128xf32>
    %get3A_41 = vector.shape_cast %get3A_40 : vector<1x2000x128xf32> to vector<2000x128xf32>
    %add3A_42 = arith.addf %add3A_36, %get3A_41 : vector<2000x128xf32>
    %convert_element_type3A_43 = arith.truncf %add3A_42 : vector<2000x128xf32> to vector<2000x128xbf16>
    %dot_general3A = arith.constant dense<0.000000e+00> : vector<2000x256xf32>
    %dot_general3A_44 = tpu.matmul %convert_element_type3A_43, %convert_element_type3A, %dot_general3A {dimension_numbers = #tpu.dot_dimension_numbers<[1], [0], [0], [1], [0, 0, 1, 1], [], []>, transpose_lhs_hint = false} : vector<2000x128xbf16>, vector<128x256xbf16>, vector<2000x256xf32> -> vector<2000x256xf32>
    %swap3A = arith.constant 0 : index
    %swap3A_45 = arith.constant 0 : index
    %swap3A_46 = vector.load %arg16[%swap3A, %swap3A_45] : memref<10000x256xf32, #tpu.memory_space<vmem>>, vector<2000x256xf32>
    tpu.vector_store %arg16[%swap3A, %swap3A_45], %dot_general3A_44 {strides = array<i32>} : memref<10000x256xf32, #tpu.memory_space<vmem>>, vector<2000x256xf32>,
    %convert_element_type3A_47 = arith.truncf %dot_general3A_44 : vector<2000x256xf32> to vector<2000x256xbf16>
    %broadcast_in_dim3A_48 = arith.constant 1.000000e+00 : bf16
    %broadcast_in_dim3A_49 = vector.broadcast %broadcast_in_dim3A_48 : bf16 to vector<1x2000xbf16>
    %dot_general3A_50 = arith.constant dense<0.000000e+00> : vector<1x256xf32>
    %dot_general3A_51 = tpu.matmul %broadcast_in_dim3A_49, %convert_element_type3A_47, %dot_general3A_50 {dimension_numbers = #tpu.dot_dimension_numbers<[1], [0], [0], [1], [0, 0, 1, 1], [], []>, transpose_lhs_hint = false} : vector<1x2000xbf16>, vector<2000x256xbf16>, vector<1x256xf32> -> vector<1x256xf32>
    %add3A_52 = arith.addf %broadcast_in_dim3A_8, %dot_general3A_51 : vector<1x256xf32>
    %mul3A_53 = arith.mulf %convert_element_type3A_47, %convert_element_type3A_47 : vector<2000x256xbf16>
    %dot_general3A_54 = arith.constant dense<0.000000e+00> : vector<1x256xf32>
    %dot_general3A_55 = tpu.matmul %broadcast_in_dim3A_49, %mul3A_53, %dot_general3A_54 {dimension_numbers = #tpu.dot_dimension_numbers<[1], [0], [0], [1], [0, 0, 1, 1], [], []>, transpose_lhs_hint = false} : vector<1x2000xbf16>, vector<2000x256xbf16>, vector<1x256xf32> -> vector<1x256xf32>
    %add3A_56 = arith.addf %broadcast_in_dim3A_10, %dot_general3A_55 : vector<1x256xf32>
    %dma_start3A_57 = arith.constant 4000 : i32
    %dma_start3A_58 = arith.constant 0 : i32
    %dma_start3A_59 = tpu.memref_slice %arg1[%dma_start3A_57, %dma_start3A_58] : memref<10000x128xf32, #tpu.memory_space<any>> -> memref<2000x128xf32, #tpu.memory_space<any>>
    tpu.enqueue_dma source(%dma_start3A_59 : memref<2000x128xf32, #tpu.memory_space<any>>) target(%arg12 : memref<2000x128xf32, #tpu.memory_space<vmem>>) target_semaphore(%arg17 : memref<!tpu.dma_semaphore, #tpu.memory_space<semaphore_mem>>)
    %dma_start3A_60 = arith.constant 0 : i32
    %dma_start3A_61 = arith.constant 4000 : i32
    %dma_start3A_62 = arith.constant 0 : i32
    %dma_start3A_63 = tpu.memref_slice %arg2[%dma_start3A_60, %dma_start3A_61, %dma_start3A_62] : memref<2x10000x128xf32, #tpu.memory_space<any>> -> memref<2x2000x128xf32, #tpu.memory_space<any>>
    tpu.enqueue_dma source(%dma_start3A_63 : memref<2x2000x128xf32, #tpu.memory_space<any>>) target(%arg14 : memref<2x2000x128xf32, #tpu.memory_space<vmem>>) target_semaphore(%arg19 : memref<!tpu.dma_semaphore, #tpu.memory_space<semaphore_mem>>)
    %dma_wait3A_64 = arith.constant 2000 : i32
    %dma_wait3A_65 = arith.constant 0 : i32
    %dma_wait3A_66 = tpu.memref_slice %arg1[%dma_wait3A_64, %dma_wait3A_65] : memref<10000x128xf32, #tpu.memory_space<any>> -> memref<2000x128xf32, #tpu.memory_space<any>>
    tpu.wait_dma2 semaphore(%arg18 : memref<!tpu.dma_semaphore, #tpu.memory_space<semaphore_mem>>) src(%dma_wait3A_66 : memref<2000x128xf32, #tpu.memory_space<any>>) dst(%arg13 : memref<2000x128xf32, #tpu.memory_space<vmem>>)
    %dma_wait3A_67 = arith.constant 0 : i32
    %dma_wait3A_68 = arith.constant 2000 : i32
    %dma_wait3A_69 = arith.constant 0 : i32
    %dma_wait3A_70 = tpu.memref_slice %arg2[%dma_wait3A_67, %dma_wait3A_68, %dma_wait3A_69] : memref<2x10000x128xf32, #tpu.memory_space<any>> -> memref<2x2000x128xf32, #tpu.memory_space<any>>
    tpu.wait_dma2 semaphore(%arg20 : memref<!tpu.dma_semaphore, #tpu.memory_space<semaphore_mem>>) src(%dma_wait3A_70 : memref<2x2000x128xf32, #tpu.memory_space<any>>) dst(%arg15 : memref<2x2000x128xf32, #tpu.memory_space<vmem>>)
    %get3A_71 = arith.constant 0 : index
    %get3A_72 = memref.load %arg0[%get3A_71] : memref<1xf32, #tpu.memory_space<smem>>
    %add3A_73 = arith.constant 1.000000e+00 : f32
    %add3A_74 = arith.addf %add3A_73, %get3A_72 : f32
    %get3A_75 = arith.constant 0 : index
    %get3A_76 = arith.constant 0 : index
    %get3A_77 = vector.load %arg13[%get3A_75, %get3A_76] : memref<2000x128xf32, #tpu.memory_space<vmem>>, vector<2000x128xf32>
    %mul3A_78 = vector.broadcast %add3A_74 : f32 to vector<2000x128xf32>
    %mul3A_79 = arith.mulf %mul3A_78, %get3A_77 : vector<2000x128xf32>
    %get3A_80 = arith.constant 0 : index
    %get3A_81 = arith.constant 0 : index
    %get3A_82 = arith.constant 0 : index
    %get3A_83 = vector.load %arg15[%get3A_80, %get3A_81, %get3A_82] : memref<2x2000x128xf32, #tpu.memory_space<vmem>>, vector<1x2000x128xf32>
    %get3A_84 = vector.shape_cast %get3A_83 : vector<1x2000x128xf32> to vector<2000x128xf32>
    %add3A_85 = arith.addf %mul3A_79, %get3A_84 : vector<2000x128xf32>
    %get3A_86 = arith.constant 1 : index
    %get3A_87 = arith.constant 0 : index
    %get3A_88 = arith.constant 0 : index
    %get3A_89 = vector.load %arg15[%get3A_86, %get3A_87, %get3A_88] : memref<2x2000x128xf32, #tpu.memory_space<vmem>>, vector<1x2000x128xf32>
    %get3A_90 = vector.shape_cast %get3A_89 : vector<1x2000x128xf32> to vector<2000x128xf32>
    %add3A_91 = arith.addf %add3A_85, %get3A_90 : vector<2000x128xf32>
    %convert_element_type3A_92 = arith.truncf %add3A_91 : vector<2000x128xf32> to vector<2000x128xbf16>
    %dot_general3A_93 = arith.constant dense<0.000000e+00> : vector<2000x256xf32>
    %dot_general3A_94 = tpu.matmul %convert_element_type3A_92, %convert_element_type3A, %dot_general3A_93 {dimension_numbers = #tpu.dot_dimension_numbers<[1], [0], [0], [1], [0, 0, 1, 1], [], []>, transpose_lhs_hint = false} : vector<2000x128xbf16>, vector<128x256xbf16>, vector<2000x256xf32> -> vector<2000x256xf32>
    %swap3A_95 = arith.constant 2000 : index
    %swap3A_96 = arith.constant 0 : index
    %swap3A_97 = vector.load %arg16[%swap3A_95, %swap3A_96] : memref<10000x256xf32, #tpu.memory_space<vmem>>, vector<2000x256xf32>
    tpu.vector_store %arg16[%swap3A_95, %swap3A_96], %dot_general3A_94 {strides = array<i32>} : memref<10000x256xf32, #tpu.memory_space<vmem>>, vector<2000x256xf32>,
    %convert_element_type3A_98 = arith.truncf %dot_general3A_94 : vector<2000x256xf32> to vector<2000x256xbf16>
    %broadcast_in_dim3A_99 = arith.constant 1.000000e+00 : bf16
    %broadcast_in_dim3A_100 = vector.broadcast %broadcast_in_dim3A_99 : bf16 to vector<1x2000xbf16>
    %dot_general3A_101 = arith.constant dense<0.000000e+00> : vector<1x256xf32>
    %dot_general3A_102 = tpu.matmul %broadcast_in_dim3A_100, %convert_element_type3A_98, %dot_general3A_101 {dimension_numbers = #tpu.dot_dimension_numbers<[1], [0], [0], [1], [0, 0, 1, 1], [], []>, transpose_lhs_hint = false} : vector<1x2000xbf16>, vector<2000x256xbf16>, vector<1x256xf32> -> vector<1x256xf32>
    %add3A_103 = arith.addf %add3A_52, %dot_general3A_102 : vector<1x256xf32>
    %mul3A_104 = arith.mulf %convert_element_type3A_98, %convert_element_type3A_98 : vector<2000x256xbf16>
    %dot_general3A_105 = arith.constant dense<0.000000e+00> : vector<1x256xf32>
    %dot_general3A_106 = tpu.matmul %broadcast_in_dim3A_100, %mul3A_104, %dot_general3A_105 {dimension_numbers = #tpu.dot_dimension_numbers<[1], [0], [0], [1], [0, 0, 1, 1], [], []>, transpose_lhs_hint = false} : vector<1x2000xbf16>, vector<2000x256xbf16>, vector<1x256xf32> -> vector<1x256xf32>
    %add3A_107 = arith.addf %add3A_56, %dot_general3A_106 : vector<1x256xf32>
    %dma_start3A_108 = arith.constant 6000 : i32
    %dma_start3A_109 = arith.constant 0 : i32
    %dma_start3A_110 = tpu.memref_slice %arg1[%dma_start3A_108, %dma_start3A_109] : memref<10000x128xf32, #tpu.memory_space<any>> -> memref<2000x128xf32, #tpu.memory_space<any>>
    tpu.enqueue_dma source(%dma_start3A_110 : memref<2000x128xf32, #tpu.memory_space<any>>) target(%arg13 : memref<2000x128xf32, #tpu.memory_space<vmem>>) target_semaphore(%arg18 : memref<!tpu.dma_semaphore, #tpu.memory_space<semaphore_mem>>)
    %dma_start3A_111 = arith.constant 0 : i32
    %dma_start3A_112 = arith.constant 6000 : i32
    %dma_start3A_113 = arith.constant 0 : i32
    %dma_start3A_114 = tpu.memref_slice %arg2[%dma_start3A_111, %dma_start3A_112, %dma_start3A_113] : memref<2x10000x128xf32, #tpu.memory_space<any>> -> memref<2x2000x128xf32, #tpu.memory_space<any>>
    tpu.enqueue_dma source(%dma_start3A_114 : memref<2x2000x128xf32, #tpu.memory_space<any>>) target(%arg15 : memref<2x2000x128xf32, #tpu.memory_space<vmem>>) target_semaphore(%arg20 : memref<!tpu.dma_semaphore, #tpu.memory_space<semaphore_mem>>)
    %dma_wait3A_115 = arith.constant 4000 : i32
    %dma_wait3A_116 = arith.constant 0 : i32
    %dma_wait3A_117 = tpu.memref_slice %arg1[%dma_wait3A_115, %dma_wait3A_116] : memref<10000x128xf32, #tpu.memory_space<any>> -> memref<2000x128xf32, #tpu.memory_space<any>>
    tpu.wait_dma2 semaphore(%arg17 : memref<!tpu.dma_semaphore, #tpu.memory_space<semaphore_mem>>) src(%dma_wait3A_117 : memref<2000x128xf32, #tpu.memory_space<any>>) dst(%arg12 : memref<2000x128xf32, #tpu.memory_space<vmem>>)
    %dma_wait3A_118 = arith.constant 0 : i32
    %dma_wait3A_119 = arith.constant 4000 : i32
    %dma_wait3A_120 = arith.constant 0 : i32
    %dma_wait3A_121 = tpu.memref_slice %arg2[%dma_wait3A_118, %dma_wait3A_119, %dma_wait3A_120] : memref<2x10000x128xf32, #tpu.memory_space<any>> -> memref<2x2000x128xf32, #tpu.memory_space<any>>
    tpu.wait_dma2 semaphore(%arg19 : memref<!tpu.dma_semaphore, #tpu.memory_space<semaphore_mem>>) src(%dma_wait3A_121 : memref<2x2000x128xf32, #tpu.memory_space<any>>) dst(%arg14 : memref<2x2000x128xf32, #tpu.memory_space<vmem>>)
    %get3A_122 = arith.constant 0 : index
    %get3A_123 = memref.load %arg0[%get3A_122] : memref<1xf32, #tpu.memory_space<smem>>
    %add3A_124 = arith.constant 1.000000e+00 : f32
    %add3A_125 = arith.addf %add3A_124, %get3A_123 : f32
    %get3A_126 = arith.constant 0 : index
    %get3A_127 = arith.constant 0 : index
    %get3A_128 = vector.load %arg12[%get3A_126, %get3A_127] : memref<2000x128xf32, #tpu.memory_space<vmem>>, vector<2000x128xf32>
    %mul3A_129 = vector.broadcast %add3A_125 : f32 to vector<2000x128xf32>
    %mul3A_130 = arith.mulf %mul3A_129, %get3A_128 : vector<2000x128xf32>
    %get3A_131 = arith.constant 0 : index
    %get3A_132 = arith.constant 0 : index
    %get3A_133 = arith.constant 0 : index
    %get3A_134 = vector.load %arg14[%get3A_131, %get3A_132, %get3A_133] : memref<2x2000x128xf32, #tpu.memory_space<vmem>>, vector<1x2000x128xf32>
    %get3A_135 = vector.shape_cast %get3A_134 : vector<1x2000x128xf32> to vector<2000x128xf32>
    %add3A_136 = arith.addf %mul3A_130, %get3A_135 : vector<2000x128xf32>
    %get3A_137 = arith.constant 1 : index
    %get3A_138 = arith.constant 0 : index
    %get3A_139 = arith.constant 0 : index
    %get3A_140 = vector.load %arg14[%get3A_137, %get3A_138, %get3A_139] : memref<2x2000x128xf32, #tpu.memory_space<vmem>>, vector<1x2000x128xf32>
    %get3A_141 = vector.shape_cast %get3A_140 : vector<1x2000x128xf32> to vector<2000x128xf32>
    %add3A_142 = arith.addf %add3A_136, %get3A_141 : vector<2000x128xf32>
    %convert_element_type3A_143 = arith.truncf %add3A_142 : vector<2000x128xf32> to vector<2000x128xbf16>
    %dot_general3A_144 = arith.constant dense<0.000000e+00> : vector<2000x256xf32>
    %dot_general3A_145 = tpu.matmul %convert_element_type3A_143, %convert_element_type3A, %dot_general3A_144 {dimension_numbers = #tpu.dot_dimension_numbers<[1], [0], [0], [1], [0, 0, 1, 1], [], []>, transpose_lhs_hint = false} : vector<2000x128xbf16>, vector<128x256xbf16>, vector<2000x256xf32> -> vector<2000x256xf32>
    %swap3A_146 = arith.constant 4000 : index
    %swap3A_147 = arith.constant 0 : index
    %swap3A_148 = vector.load %arg16[%swap3A_146, %swap3A_147] : memref<10000x256xf32, #tpu.memory_space<vmem>>, vector<2000x256xf32>
    tpu.vector_store %arg16[%swap3A_146, %swap3A_147], %dot_general3A_145 {strides = array<i32>} : memref<10000x256xf32, #tpu.memory_space<vmem>>, vector<2000x256xf32>,
    %convert_element_type3A_149 = arith.truncf %dot_general3A_145 : vector<2000x256xf32> to vector<2000x256xbf16>
    %broadcast_in_dim3A_150 = arith.constant 1.000000e+00 : bf16
    %broadcast_in_dim3A_151 = vector.broadcast %broadcast_in_dim3A_150 : bf16 to vector<1x2000xbf16>
    %dot_general3A_152 = arith.constant dense<0.000000e+00> : vector<1x256xf32>
    %dot_general3A_153 = tpu.matmul %broadcast_in_dim3A_151, %convert_element_type3A_149, %dot_general3A_152 {dimension_numbers = #tpu.dot_dimension_numbers<[1], [0], [0], [1], [0, 0, 1, 1], [], []>, transpose_lhs_hint = false} : vector<1x2000xbf16>, vector<2000x256xbf16>, vector<1x256xf32> -> vector<1x256xf32>
    %add3A_154 = arith.addf %add3A_103, %dot_general3A_153 : vector<1x256xf32>
    %mul3A_155 = arith.mulf %convert_element_type3A_149, %convert_element_type3A_149 : vector<2000x256xbf16>
    %dot_general3A_156 = arith.constant dense<0.000000e+00> : vector<1x256xf32>
    %dot_general3A_157 = tpu.matmul %broadcast_in_dim3A_151, %mul3A_155, %dot_general3A_156 {dimension_numbers = #tpu.dot_dimension_numbers<[1], [0], [0], [1], [0, 0, 1, 1], [], []>, transpose_lhs_hint = false} : vector<1x2000xbf16>, vector<2000x256xbf16>, vector<1x256xf32> -> vector<1x256xf32>
    %add3A_158 = arith.addf %add3A_107, %dot_general3A_157 : vector<1x256xf32>
    %dma_start3A_159 = arith.constant 8000 : i32
    %dma_start3A_160 = arith.constant 0 : i32
    %dma_start3A_161 = tpu.memref_slice %arg1[%dma_start3A_159, %dma_start3A_160] : memref<10000x128xf32, #tpu.memory_space<any>> -> memref<2000x128xf32, #tpu.memory_space<any>>
    tpu.enqueue_dma source(%dma_start3A_161 : memref<2000x128xf32, #tpu.memory_space<any>>) target(%arg12 : memref<2000x128xf32, #tpu.memory_space<vmem>>) target_semaphore(%arg17 : memref<!tpu.dma_semaphore, #tpu.memory_space<semaphore_mem>>)
    %dma_start3A_162 = arith.constant 0 : i32
    %dma_start3A_163 = arith.constant 8000 : i32
    %dma_start3A_164 = arith.constant 0 : i32
    %dma_start3A_165 = tpu.memref_slice %arg2[%dma_start3A_162, %dma_start3A_163, %dma_start3A_164] : memref<2x10000x128xf32, #tpu.memory_space<any>> -> memref<2x2000x128xf32, #tpu.memory_space<any>>
    tpu.enqueue_dma source(%dma_start3A_165 : memref<2x2000x128xf32, #tpu.memory_space<any>>) target(%arg14 : memref<2x2000x128xf32, #tpu.memory_space<vmem>>) target_semaphore(%arg19 : memref<!tpu.dma_semaphore, #tpu.memory_space<semaphore_mem>>)
    %dma_wait3A_166 = arith.constant 6000 : i32
    %dma_wait3A_167 = arith.constant 0 : i32
    %dma_wait3A_168 = tpu.memref_slice %arg1[%dma_wait3A_166, %dma_wait3A_167] : memref<10000x128xf32, #tpu.memory_space<any>> -> memref<2000x128xf32, #tpu.memory_space<any>>
    tpu.wait_dma2 semaphore(%arg18 : memref<!tpu.dma_semaphore, #tpu.memory_space<semaphore_mem>>) src(%dma_wait3A_168 : memref<2000x128xf32, #tpu.memory_space<any>>) dst(%arg13 : memref<2000x128xf32, #tpu.memory_space<vmem>>)
    %dma_wait3A_169 = arith.constant 0 : i32
    %dma_wait3A_170 = arith.constant 6000 : i32
    %dma_wait3A_171 = arith.constant 0 : i32
    %dma_wait3A_172 = tpu.memref_slice %arg2[%dma_wait3A_169, %dma_wait3A_170, %dma_wait3A_171] : memref<2x10000x128xf32, #tpu.memory_space<any>> -> memref<2x2000x128xf32, #tpu.memory_space<any>>
    tpu.wait_dma2 semaphore(%arg20 : memref<!tpu.dma_semaphore, #tpu.memory_space<semaphore_mem>>) src(%dma_wait3A_172 : memref<2x2000x128xf32, #tpu.memory_space<any>>) dst(%arg15 : memref<2x2000x128xf32, #tpu.memory_space<vmem>>)
    %get3A_173 = arith.constant 0 : index
    %get3A_174 = memref.load %arg0[%get3A_173] : memref<1xf32, #tpu.memory_space<smem>>
    %add3A_175 = arith.constant 1.000000e+00 : f32
    %add3A_176 = arith.addf %add3A_175, %get3A_174 : f32
    %get3A_177 = arith.constant 0 : index
    %get3A_178 = arith.constant 0 : index
    %get3A_179 = vector.load %arg13[%get3A_177, %get3A_178] : memref<2000x128xf32, #tpu.memory_space<vmem>>, vector<2000x128xf32>
    %mul3A_180 = vector.broadcast %add3A_176 : f32 to vector<2000x128xf32>
    %mul3A_181 = arith.mulf %mul3A_180, %get3A_179 : vector<2000x128xf32>
    %get3A_182 = arith.constant 0 : index
    %get3A_183 = arith.constant 0 : index
    %get3A_184 = arith.constant 0 : index
    %get3A_185 = vector.load %arg15[%get3A_182, %get3A_183, %get3A_184] : memref<2x2000x128xf32, #tpu.memory_space<vmem>>, vector<1x2000x128xf32>
    %get3A_186 = vector.shape_cast %get3A_185 : vector<1x2000x128xf32> to vector<2000x128xf32>
    %add3A_187 = arith.addf %mul3A_181, %get3A_186 : vector<2000x128xf32>
    %get3A_188 = arith.constant 1 : index
    %get3A_189 = arith.constant 0 : index
    %get3A_190 = arith.constant 0 : index
    %get3A_191 = vector.load %arg15[%get3A_188, %get3A_189, %get3A_190] : memref<2x2000x128xf32, #tpu.memory_space<vmem>>, vector<1x2000x128xf32>
    %get3A_192 = vector.shape_cast %get3A_191 : vector<1x2000x128xf32> to vector<2000x128xf32>
    %add3A_193 = arith.addf %add3A_187, %get3A_192 : vector<2000x128xf32>
    %convert_element_type3A_194 = arith.truncf %add3A_193 : vector<2000x128xf32> to vector<2000x128xbf16>
    %dot_general3A_195 = arith.constant dense<0.000000e+00> : vector<2000x256xf32>
    %dot_general3A_196 = tpu.matmul %convert_element_type3A_194, %convert_element_type3A, %dot_general3A_195 {dimension_numbers = #tpu.dot_dimension_numbers<[1], [0], [0], [1], [0, 0, 1, 1], [], []>, transpose_lhs_hint = false} : vector<2000x128xbf16>, vector<128x256xbf16>, vector<2000x256xf32> -> vector<2000x256xf32>
    %swap3A_197 = arith.constant 6000 : index
    %swap3A_198 = arith.constant 0 : index
    %swap3A_199 = vector.load %arg16[%swap3A_197, %swap3A_198] : memref<10000x256xf32, #tpu.memory_space<vmem>>, vector<2000x256xf32>
    tpu.vector_store %arg16[%swap3A_197, %swap3A_198], %dot_general3A_196 {strides = array<i32>} : memref<10000x256xf32, #tpu.memory_space<vmem>>, vector<2000x256xf32>,
    %convert_element_type3A_200 = arith.truncf %dot_general3A_196 : vector<2000x256xf32> to vector<2000x256xbf16>
    %broadcast_in_dim3A_201 = arith.constant 1.000000e+00 : bf16
    %broadcast_in_dim3A_202 = vector.broadcast %broadcast_in_dim3A_201 : bf16 to vector<1x2000xbf16>
    %dot_general3A_203 = arith.constant dense<0.000000e+00> : vector<1x256xf32>
    %dot_general3A_204 = tpu.matmul %broadcast_in_dim3A_202, %convert_element_type3A_200, %dot_general3A_203 {dimension_numbers = #tpu.dot_dimension_numbers<[1], [0], [0], [1], [0, 0, 1, 1], [], []>, transpose_lhs_hint = false} : vector<1x2000xbf16>, vector<2000x256xbf16>, vector<1x256xf32> -> vector<1x256xf32>
    %add3A_205 = arith.addf %add3A_154, %dot_general3A_204 : vector<1x256xf32>
    %mul3A_206 = arith.mulf %convert_element_type3A_200, %convert_element_type3A_200 : vector<2000x256xbf16>
    %dot_general3A_207 = arith.constant dense<0.000000e+00> : vector<1x256xf32>
    %dot_general3A_208 = tpu.matmul %broadcast_in_dim3A_202, %mul3A_206, %dot_general3A_207 {dimension_numbers = #tpu.dot_dimension_numbers<[1], [0], [0], [1], [0, 0, 1, 1], [], []>, transpose_lhs_hint = false} : vector<1x2000xbf16>, vector<2000x256xbf16>, vector<1x256xf32> -> vector<1x256xf32>
    %add3A_209 = arith.addf %add3A_158, %dot_general3A_208 : vector<1x256xf32>
    %dma_wait3A_210 = arith.constant 8000 : i32
    %dma_wait3A_211 = arith.constant 0 : i32
    %dma_wait3A_212 = tpu.memref_slice %arg1[%dma_wait3A_210, %dma_wait3A_211] : memref<10000x128xf32, #tpu.memory_space<any>> -> memref<2000x128xf32, #tpu.memory_space<any>>
    tpu.wait_dma2 semaphore(%arg17 : memref<!tpu.dma_semaphore, #tpu.memory_space<semaphore_mem>>) src(%dma_wait3A_212 : memref<2000x128xf32, #tpu.memory_space<any>>) dst(%arg12 : memref<2000x128xf32, #tpu.memory_space<vmem>>)
    %dma_wait3A_213 = arith.constant 0 : i32
    %dma_wait3A_214 = arith.constant 8000 : i32
    %dma_wait3A_215 = arith.constant 0 : i32
    %dma_wait3A_216 = tpu.memref_slice %arg2[%dma_wait3A_213, %dma_wait3A_214, %dma_wait3A_215] : memref<2x10000x128xf32, #tpu.memory_space<any>> -> memref<2x2000x128xf32, #tpu.memory_space<any>>
    tpu.wait_dma2 semaphore(%arg19 : memref<!tpu.dma_semaphore, #tpu.memory_space<semaphore_mem>>) src(%dma_wait3A_216 : memref<2x2000x128xf32, #tpu.memory_space<any>>) dst(%arg14 : memref<2x2000x128xf32, #tpu.memory_space<vmem>>)
    %get3A_217 = arith.constant 0 : index
    %get3A_218 = memref.load %arg0[%get3A_217] : memref<1xf32, #tpu.memory_space<smem>>
    %add3A_219 = arith.constant 1.000000e+00 : f32
    %add3A_220 = arith.addf %add3A_219, %get3A_218 : f32
    %get3A_221 = arith.constant 0 : index
    %get3A_222 = arith.constant 0 : index
    %get3A_223 = vector.load %arg12[%get3A_221, %get3A_222] : memref<2000x128xf32, #tpu.memory_space<vmem>>, vector<2000x128xf32>
    %mul3A_224 = vector.broadcast %add3A_220 : f32 to vector<2000x128xf32>
    %mul3A_225 = arith.mulf %mul3A_224, %get3A_223 : vector<2000x128xf32>
    %get3A_226 = arith.constant 0 : index
    %get3A_227 = arith.constant 0 : index
    %get3A_228 = arith.constant 0 : index
    %get3A_229 = vector.load %arg14[%get3A_226, %get3A_227, %get3A_228] : memref<2x2000x128xf32, #tpu.memory_space<vmem>>, vector<1x2000x128xf32>
    %get3A_230 = vector.shape_cast %get3A_229 : vector<1x2000x128xf32> to vector<2000x128xf32>
    %add3A_231 = arith.addf %mul3A_225, %get3A_230 : vector<2000x128xf32>
    %get3A_232 = arith.constant 1 : index
    %get3A_233 = arith.constant 0 : index
    %get3A_234 = arith.constant 0 : index
    %get3A_235 = vector.load %arg14[%get3A_232, %get3A_233, %get3A_234] : memref<2x2000x128xf32, #tpu.memory_space<vmem>>, vector<1x2000x128xf32>
    %get3A_236 = vector.shape_cast %get3A_235 : vector<1x2000x128xf32> to vector<2000x128xf32>
    %add3A_237 = arith.addf %add3A_231, %get3A_236 : vector<2000x128xf32>
    %convert_element_type3A_238 = arith.truncf %add3A_237 : vector<2000x128xf32> to vector<2000x128xbf16>
    %dot_general3A_239 = arith.constant dense<0.000000e+00> : vector<2000x256xf32>
    %dot_general3A_240 = tpu.matmul %convert_element_type3A_238, %convert_element_type3A, %dot_general3A_239 {dimension_numbers = #tpu.dot_dimension_numbers<[1], [0], [0], [1], [0, 0, 1, 1], [], []>, transpose_lhs_hint = false} : vector<2000x128xbf16>, vector<128x256xbf16>, vector<2000x256xf32> -> vector<2000x256xf32>
    %swap3A_241 = arith.constant 8000 : index
    %swap3A_242 = arith.constant 0 : index
    %swap3A_243 = vector.load %arg16[%swap3A_241, %swap3A_242] : memref<10000x256xf32, #tpu.memory_space<vmem>>, vector<2000x256xf32>
    tpu.vector_store %arg16[%swap3A_241, %swap3A_242], %dot_general3A_240 {strides = array<i32>} : memref<10000x256xf32, #tpu.memory_space<vmem>>, vector<2000x256xf32>,
    %convert_element_type3A_244 = arith.truncf %dot_general3A_240 : vector<2000x256xf32> to vector<2000x256xbf16>
    %broadcast_in_dim3A_245 = arith.constant 1.000000e+00 : bf16
    %broadcast_in_dim3A_246 = vector.broadcast %broadcast_in_dim3A_245 : bf16 to vector<1x2000xbf16>
    %dot_general3A_247 = arith.constant dense<0.000000e+00> : vector<1x256xf32>
    %dot_general3A_248 = tpu.matmul %broadcast_in_dim3A_246, %convert_element_type3A_244, %dot_general3A_247 {dimension_numbers = #tpu.dot_dimension_numbers<[1], [0], [0], [1], [0, 0, 1, 1], [], []>, transpose_lhs_hint = false} : vector<1x2000xbf16>, vector<2000x256xbf16>, vector<1x256xf32> -> vector<1x256xf32>
    %add3A_249 = arith.addf %add3A_205, %dot_general3A_248 : vector<1x256xf32>
    %mul3A_250 = arith.mulf %convert_element_type3A_244, %convert_element_type3A_244 : vector<2000x256xbf16>
    %dot_general3A_251 = arith.constant dense<0.000000e+00> : vector<1x256xf32>
    %dot_general3A_252 = tpu.matmul %broadcast_in_dim3A_246, %mul3A_250, %dot_general3A_251 {dimension_numbers = #tpu.dot_dimension_numbers<[1], [0], [0], [1], [0, 0, 1, 1], [], []>, transpose_lhs_hint = false} : vector<1x2000xbf16>, vector<2000x256xbf16>, vector<1x256xf32> -> vector<1x256xf32>
    %add3A_253 = arith.addf %add3A_209, %dot_general3A_252 : vector<1x256xf32>
    %mul3A_254 = arith.constant 9.99999974E-5 : f32
    %mul3A_255 = vector.broadcast %mul3A_254 : f32 to vector<1x256xf32>
    %mul3A_256 = arith.mulf %add3A_249, %mul3A_255 : vector<1x256xf32>
    %mul3A_257 = arith.constant 9.99999974E-5 : f32
    %mul3A_258 = vector.broadcast %mul3A_257 : f32 to vector<1x256xf32>
    %mul3A_259 = arith.mulf %add3A_253, %mul3A_258 : vector<1x256xf32>
    %mul3A_260 = arith.mulf %mul3A_256, %mul3A_256 : vector<1x256xf32>
    %sub3A = arith.subf %mul3A_259, %mul3A_260 : vector<1x256xf32>
    %get3A_261 = arith.constant 0 : index
    %get3A_262 = arith.constant 0 : index
    %get3A_263 = vector.load %arg5[%get3A_261, %get3A_262] : memref<1x256xf32, #tpu.memory_space<vmem>>, vector<1x256xf32>
    %add3A_264 = arith.constant 9.99999974E-6 : f32
    %add3A_265 = vector.broadcast %add3A_264 : f32 to vector<1x256xf32>
    %add3A_266 = arith.addf %sub3A, %add3A_265 : vector<1x256xf32>
    %rsqrt3A = math.rsqrt %add3A_266 : vector<1x256xf32>
    %mul3A_267 = arith.mulf %get3A_263, %rsqrt3A : vector<1x256xf32>
    %get3A_268 = arith.constant 0 : index
    %get3A_269 = arith.constant 0 : index
    %get3A_270 = vector.load %arg6[%get3A_268, %get3A_269] : memref<1x256xf32, #tpu.memory_space<vmem>>, vector<1x256xf32>
    %mul3A_271 = arith.mulf %mul3A_256, %mul3A_267 : vector<1x256xf32>
    %sub3A_272 = arith.subf %get3A_270, %mul3A_271 : vector<1x256xf32>
    %get3A_273 = arith.constant 0 : index
    %get3A_274 = arith.constant 0 : index
    %get3A_275 = vector.load %arg16[%get3A_273, %get3A_274] : memref<10000x256xf32, #tpu.memory_space<vmem>>, vector<10000x256xf32>
    %mul3A_276 = vector.broadcast %mul3A_267 : vector<1x256xf32> to vector<10000x256xf32>
    %mul3A_277 = arith.mulf %get3A_275, %mul3A_276 : vector<10000x256xf32>
    %add3A_278 = vector.broadcast %sub3A_272 : vector<1x256xf32> to vector<10000x256xf32>
    %add3A_279 = arith.addf %mul3A_277, %add3A_278 : vector<10000x256xf32>
    %max3A = arith.constant 0.000000e+00 : f32
    %max3A_280 = vector.broadcast %max3A : f32 to vector<10000x256xf32>
    %max3A_281 = arith.maximumf %add3A_279, %max3A_280 : vector<10000x256xf32>
    %convert_element_type3A_282 = arith.truncf %max3A_281 : vector<10000x256xf32> to vector<10000x256xbf16>
    %get3A_283 = arith.constant 0 : index
    %get3A_284 = arith.constant 0 : index
    %get3A_285 = vector.load %arg7[%get3A_283, %get3A_284] : memref<256x128xf32, #tpu.memory_space<vmem>>, vector<256x128xf32>
    %convert_element_type3A_286 = arith.truncf %get3A_285 : vector<256x128xf32> to vector<256x128xbf16>
    %dot_general3A_287 = arith.constant dense<0.000000e+00> : vector<10000x128xf32>
    %dot_general3A_288 = tpu.matmul %convert_element_type3A_282, %convert_element_type3A_286, %dot_general3A_287 {dimension_numbers = #tpu.dot_dimension_numbers<[1], [0], [0], [1], [0, 0, 1, 1], [], []>, transpose_lhs_hint = false} : vector<10000x256xbf16>, vector<256x128xbf16>, vector<10000x128xf32> -> vector<10000x128xf32>
    %convert_element_type3A_289 = arith.truncf %dot_general3A_288 : vector<10000x128xf32> to vector<10000x128xbf16>
    %mul3A_290 = arith.mulf %convert_element_type3A_289, %convert_element_type3A_289 : vector<10000x128xbf16>
    %get3A_291 = arith.constant 0 : index
    %get3A_292 = arith.constant 0 : index
    %get3A_293 = vector.load %arg9[%get3A_291, %get3A_292] : memref<1x128xf32, #tpu.memory_space<vmem>>, vector<1x128xf32>
    %get3A_294 = arith.constant 0 : index
    %get3A_295 = arith.constant 0 : index
    %get3A_296 = vector.load %arg10[%get3A_294, %get3A_295] : memref<1x128xf32, #tpu.memory_space<vmem>>, vector<1x128xf32>
    %broadcast_in_dim3A_297 = arith.constant 1.000000e+00 : bf16
    %broadcast_in_dim3A_298 = vector.broadcast %broadcast_in_dim3A_297 : bf16 to vector<1x10000xbf16>
    %dot_general3A_299 = arith.constant dense<0.000000e+00> : vector<1x128xf32>
    %dot_general3A_300 = tpu.matmul %broadcast_in_dim3A_298, %convert_element_type3A_289, %dot_general3A_299 {dimension_numbers = #tpu.dot_dimension_numbers<[1], [0], [0], [1], [0, 0, 1, 1], [], []>, transpose_lhs_hint = false} : vector<1x10000xbf16>, vector<10000x128xbf16>, vector<1x128xf32> -> vector<1x128xf32>
    %dot_general3A_301 = arith.constant dense<0.000000e+00> : vector<1x128xf32>
    %dot_general3A_302 = tpu.matmul %broadcast_in_dim3A_298, %mul3A_290, %dot_general3A_301 {dimension_numbers = #tpu.dot_dimension_numbers<[1], [0], [0], [1], [0, 0, 1, 1], [], []>, transpose_lhs_hint = false} : vector<1x10000xbf16>, vector<10000x128xbf16>, vector<1x128xf32> -> vector<1x128xf32>
    %mul3A_303 = arith.constant 9.99999974E-5 : f32
    %mul3A_304 = vector.broadcast %mul3A_303 : f32 to vector<1x128xf32>
    %mul3A_305 = arith.mulf %dot_general3A_300, %mul3A_304 : vector<1x128xf32>
    %mul3A_306 = arith.constant 9.99999974E-5 : f32
    %mul3A_307 = vector.broadcast %mul3A_306 : f32 to vector<1x128xf32>
    %mul3A_308 = arith.mulf %dot_general3A_302, %mul3A_307 : vector<1x128xf32>
    %mul3A_309 = arith.mulf %mul3A_305, %mul3A_305 : vector<1x128xf32>
    %sub3A_310 = arith.subf %mul3A_308, %mul3A_309 : vector<1x128xf32>
    %add3A_311 = arith.constant 9.99999974E-6 : f32
    %add3A_312 = vector.broadcast %add3A_311 : f32 to vector<1x128xf32>
    %add3A_313 = arith.addf %sub3A_310, %add3A_312 : vector<1x128xf32>
    %rsqrt3A_314 = math.rsqrt %add3A_313 : vector<1x128xf32>
    %mul3A_315 = arith.mulf %get3A_293, %rsqrt3A_314 : vector<1x128xf32>
    %mul3A_316 = arith.mulf %mul3A_305, %mul3A_315 : vector<1x128xf32>
    %sub3A_317 = arith.subf %get3A_296, %mul3A_316 : vector<1x128xf32>
    %mul3A_318 = vector.broadcast %mul3A_315 : vector<1x128xf32> to vector<10000x128xf32>
    %mul3A_319 = arith.mulf %dot_general3A_288, %mul3A_318 : vector<10000x128xf32>
    %add3A_320 = vector.broadcast %sub3A_317 : vector<1x128xf32> to vector<10000x128xf32>
    %add3A_321 = arith.addf %mul3A_319, %add3A_320 : vector<10000x128xf32>
    %max3A_322 = arith.constant 0.000000e+00 : f32
    %max3A_323 = vector.broadcast %max3A_322 : f32 to vector<10000x128xf32>
    %max3A_324 = arith.maximumf %add3A_321, %max3A_323 : vector<10000x128xf32>
    %swap3A_325 = arith.constant 0 : index
    %swap3A_326 = arith.constant 0 : index
    %swap3A_327 = vector.load %arg11[%swap3A_325, %swap3A_326] : memref<10000x128xf32, #tpu.memory_space<vmem>>, vector<10000x128xf32>
    tpu.vector_store %arg11[%swap3A_325, %swap3A_326], %max3A_324 {strides = array<i32>} : memref<10000x128xf32, #tpu.memory_space<vmem>>, vector<10000x128xf32>,
    return
  }
}

</mosaic_0001>

<sc_bundles>
// kernel: kernel.4.cloned.1.call-start
scs
__scs_entry_jumppad:
0x0: {  	(pc) =	sbr.rel $0x88, $3  }
0x1: {  	(tag) =	ssettag $0x0;
	lr =	simm.s32 $0x1  }
0x2: {  	[smem:$0x3F96] =	sst lr;
	_ =	strace $0xD0000000  }
0x3: {  	_ = 	snop  }
0x4: {  	_ = 	snop  }
0x5: {  	_ = 	snop  }
0x6: {  	_ = 	snop  }
0x7: {  	_ = 	snop  }
__scs_overlays_trampoline_lowered:
0x8: {  	[smem:$0x3FA5] =	sst s0  }
0x9: {  	[smem:$0x3FA6] =	sst s1  }
0xa: {  	[smem:$0x3FA7] =	sst s2  }
0xb: {  	[smem:$0x3FA8] =	sst s3  }
0xc: {  	[smem:$0x3FA9] =	sst s4  }
0xd: {  	[smem:$0x3FAA] =	sst s5  }
0xe: {  	[smem:$0x3FAB] =	sst s6  }
0xf: {  	[smem:$0x3FAC] =	sst s7  }
0x10: {  	[smem:$0x3FAD] =	sst s8  }
0x11: {  	[smem:$0x3FAE] =	sst s9;
	s0 =	simm.s32 @!p0 $0x0  }
0x12: {  	s1 =	sld [smem:$0x3F94];
	s0 =	simm.s32 @p0 $0x1  }
0x13: {  	[smem:$0x3FAF] =	sst s0;
	s0 =	simm.s32 @!p1 $0x0  }
0x14: {  	s2 =	sld [smem:$0x3F93];
	s0 =	simm.s32 @p1 $0x1  }
0x15: {  	[smem:$0x3FB0] =	sst s0;
	s0 =	simm.s32 @!p2 $0x0  }
0x16: {  	s3 =	sld [smem:$0x3FDB];
	s0 =	simm.s32 @p2 $0x1  }
0x17: {  	s4 =	simm.s32 $0x1BF5;
	[smem:$0x3FB2] =	sst s0  }
0x18: {  	s0 =	sld [smem:$0x3F95];
	_ =	swait.ge [sflag:s4], $0x0  }
0x19: {  	s7 =	sld [smem:$0x3F96]  }
0x1a: {  	s8 =	sadd.s32 $0xFFFFE003, lr  }
0x1b: {  	s9 =	sadd.s32 $0xFFFFFEF7, lr;
	s5 =	simm.s32 $0xFFFFFFFF;
	p2 =	slt.u32 s8, $0xFFFFF086  }
0x1c: {  	p1 =	slt.u32 s9, $0xF7A;
	s5 =	simm.s32 @!p2 $0x0  }
0x1d: {  	s5 =	simm.s32 @p1 $0x1;
	p0 =	seq.s32 s7, s2  }
0x1e: {  	s7 =	smul.u32 @!p0 $0xF7A, s2;
	p2 =	seq.s32 @!p0 s5, $0x0  }
0x1f: {  	s9 =	smul.u32 $0xF7A, s1;
	s8 =	simm.s32 @!p0 $0x1BF5;
	p2 =	por !p2, p0  }
0x20: {  	[sflag:s8] =	ssyncset.s32 @!p0 $0xFFFFF086;
	s6 =	sadd.s32 @!p0 s3, s7;
	s7 =	simm.s32 @!p0 $0x108  }
0x21: {  	s3 =	sadd.s32 s3, s9;
	s6 =	sadd.s32 @!p0 $0x88, s6;
	s7 =	simm.s32 @p2 $0x1082  }
0x22: {  	[simem:s7], [sflag:s8] =	dma.local @!p0 [hbm:s6], $0xF7A  }
0x23: {  	s9 =	sor.u32 $0xD0000000, s2;
	s6 =	simm.s32 $0x108;
	_ =	swait.ge @!p0 [sflag:s8], $0x0  }
0x24: {  	s3 =	sadd.s32 $0x88, s3;
	s6 =	simm.s32 @!p1 $0x1082;
	[sflag:s4] =	ssyncset.s32 $0xFFFFF086  }
0x25: {  	[simem:s6], [sflag:s4] =	dma.local [hbm:s3], $0xF7A  }
0x26: {  	[smem:$0x3F96] =	sst s1;
	(tag) =	ssettag s2;
	_ =	strace s9  }
0x27: {  	s1 =	sld [smem:$0x3FA6]  }
0x28: {  	s2 =	sld [smem:$0x3FA7]  }
0x29: {  	s4 =	sld [smem:$0x3FA9]  }
0x2a: {  	p0 =	seq.s32 s5, $0x0;
	s5 =	sld [smem:$0x3FAA]  }
0x2b: {  	s6 =	sld [smem:$0x3FAB]  }
0x2c: {  	s7 =	sld [smem:$0x3FAC]  }
0x2d: {  	s3 =	simm.s32 $0x108;
	s8 =	sld [smem:$0x3FAD]  }
0x2e: {  	s3 =	simm.s32 @!p0 $0x1082;
	s9 =	sld [smem:$0x3FAE]  }
0x2f: {  	lr =	sadd.s32 s0, s3;
	s0 =	sld [smem:$0x3FA5]  }
0x30: {  	s3 =	sld [smem:$0x3FA8]  }
0x31: {  	[smem:$0x3FB1] =	sst s10  }
0x32: {  	s10 =	sld [smem:$0x3FAF];
	_ =	sdelay $0x3  }
0x33: {  	p0 =	seq.s32 s10, $0x1;
	s10 =	sld [smem:$0x3FB1];
	_ =	sdelay $0x3  }
0x34: {  	[smem:$0x3FB1] =	sst s10  }
0x35: {  	s10 =	sld [smem:$0x3FB0];
	_ =	sdelay $0x3  }
0x36: {  	p1 =	seq.s32 s10, $0x1;
	s10 =	sld [smem:$0x3FB1];
	_ =	sdelay $0x3  }
0x37: {  	[smem:$0x3FB1] =	sst s10  }
0x38: {  	s10 =	sld [smem:$0x3FB2]  }
0x39: {  	_ = 	snop;
	(pc) =	sbr.ind lr, $3  }
0x3a: {  	_ = 	snop  }
0x3b: {  	_ = 	snop  }
0x3c: {  	p2 =	seq.s32 s10, $0x1;
	s10 =	sld [smem:$0x3FB1]  }
0x3d: {  	_ =	shalt  }
0x3e: {  	_ =	shalt  }
0x3f: {  	_ =	shalt  }
0x40: {  	_ =	shalt  }
0x41: {  	_ =	shalt  }
0x42: {  	_ =	shalt  }
0x43: {  	_ =	shalt  }
0x44: {  	_ =	shalt  }
0x45: {  	_ =	shalt  }
0x46: {  	_ =	shalt  }
0x47: {  	_ =	shalt  }
0x48: {  	_ =	shalt  }
0x49: {  	_ =	shalt  }
0x4a: {  	_ =	shalt  }
0x4b: {  	_ =	shalt  }
0x4c: {  	_ =	shalt  }
0x4d: {  	_ =	shalt  }
0x4e: {  	_ =	shalt  }
0x4f: {  	_ =	shalt  }
0x50: {  	_ =	shalt  }
0x51: {  	_ =	shalt  }
0x52: {  	_ =	shalt  }
0x53: {  	_ =	shalt  }
0x54: {  	_ =	shalt  }
0x55: {  	_ =	shalt  }
0x56: {  	_ =	shalt  }
0x57: {  	_ =	shalt  }
0x58: {  	_ =	shalt  }
0x59: {  	_ =	shalt  }
0x5a: {  	_ =	shalt  }
0x5b: {  	_ =	shalt  }
0x5c: {  	_ =	shalt  }
0x5d: {  	_ =	shalt  }
0x5e: {  	_ =	shalt  }
0x5f: {  	_ =	shalt  }
0x60: {  	_ =	shalt  }
0x61: {  	_ =	shalt  }
0x62: {  	_ =	shalt  }
0x63: {  	_ =	shalt  }
0x64: {  	_ =	shalt  }
0x65: {  	_ =	shalt  }
0x66: {  	_ =	shalt  }
0x67: {  	_ =	shalt  }
0x68: {  	_ =	shalt  }
0x69: {  	_ =	shalt  }
0x6a: {  	_ =	shalt  }
0x6b: {  	_ =	shalt  }
0x6c: {  	_ =	shalt  }
0x6d: {  	_ =	shalt  }
0x6e: {  	_ =	shalt  }
0x6f: {  	_ =	shalt  }
0x70: {  	_ =	shalt  }
0x71: {  	_ =	shalt  }
0x72: {  	_ =	shalt  }
0x73: {  	_ =	shalt  }
0x74: {  	_ =	shalt  }
0x75: {  	_ =	shalt  }
0x76: {  	_ =	shalt  }
0x77: {  	_ =	shalt  }
0x78: {  	_ =	shalt  }
0x79: {  	_ =	shalt  }
0x7a: {  	_ =	shalt  }
0x7b: {  	_ =	shalt  }
0x7c: {  	_ =	shalt  }
0x7d: {  	_ =	shalt  }
0x7e: {  	_ =	shalt  }
0x7f: {  	_ =	shalt  }
0x80: {  	_ =	shalt  }
0x81: {  	_ =	shalt  }
0x82: {  	_ =	shalt  }
0x83: {  	_ =	shalt  }
0x84: {  	_ =	shalt  }
0x85: {  	_ =	shalt  }
0x86: {  	_ =	shalt  }
0x87: {  	_ =	shalt  }
.Lfunc_end0:
.L_simem_size_0:
called_computation_lowered:
.L_overlay_start_0:
0x88: {  	s2 =	sld [smem:$0x3FD9]  }
0x89: {  	s3 =	sld [smem:$0x3FFE];
	_ =	sdelay $0x1  }
0x8a: {  	s1 =	srdreg.scid  }
0x8b: {  	s0 =	sand.u32 $0x1, s1  }
0x8c: {  	s17 =	sshll.u32 s0, $0xA;
	s2 =	sadd.s32 s3, s2  }
0x8d: {  	s2 =	sadd.s32 s2, s17  }
0x8e: {  	[smem:$0x3FBD] =	sst s2  }
0x8f: {  	_ = 	snop  }
0x90: {  	s2 =	sld [smem:$0x3FC9]  }
0x91: {  	s18 =	sld [smem:$0x3FC8]  }
0x92: {  	s4 =	sld [smem:$0x3FD0];
	(tm) =	ssettm $0x1  }
0x93: {  	s5 =	sld [smem:$0x3FFB];
	_ =	sdelay $0x3  }
0x94: {  	_ =	strace s5  }
0x95: {  	s5 =	sld [smem:$0x3FFC];
	_ =	sdelay $0x3  }
0x96: {  	_ =	strace s5  }
0x97: {  	s5 =	sld [smem:$0x3FFD];
	_ =	sdelay $0x3  }
0x98: {  	_ =	strace s5  }
0x99: {  	_ =	strace $0x8FFFFFFF  }
0x9a: {  	s19 =	sld [smem:$0x3FDB];
	_ =	sdelay $0x1  }
0x9b: {  	s6 =	simm.s32 $_scs_section_size  }
0x9c: {  	s7 =	simm.s32 $_size__tile_overlayer_lowered;
	s8 =	simm.s32 $_tile_overlayer_lowered  }
0x9d: {  	s22 =	simm.s32 $0x1BFF;
	s21 =	sshll.u32 s8, $0x1;
	s5 =	sadd.s32 s6, s19  }
0x9e: {  	s9 =	simm.s32 $0x0;
	s20 =	sshll.u32 s7, $0x1;
	s7 =	sadd.s32 s21, s5  }
0x9f: {  	[timem:s9], [sflag:s22] =	dma.local [hbm:s7], s20  }
0xa0: {  	_ =	swait.ge [sflag:s22], s20  }
0xa1: {  	s6 =	ssub.s32 $0x0, s20;
	[sflag:s22] =	ssyncset.done $0x0  }
0xa2: {  	[sflag:s22] =	ssyncadd.s32 s6;
	_ =	sdelay $0x1  }
0xa3: {  	s23 =	simm.s32 $0x1B8B  }
0xa4: {  	_ =	swait.ge [sflag:s23], $0x1  }
0xa5: {  	[sflag:s23] =	ssyncset.done $0x0  }
0xa6: {  	s25 =	simm.s32 $0x1B8E;
	s24 =	sld [smem:$0x3FFE];
	[sflag:s23] =	ssyncadd.s32 $0xFFFFFFFF  }
0xa7: {  	s26 =	simm.s32 $execute0_lowered;
	[smem:$0x3FD2] =	sst s25  }
0xa8: {  	s7 =	sshll.u32 s26, $0x1;
	_ =	strace $0x80000046;
	[dreg:$0x1] =	wrdreg $0xFFFFFFFF  }
0xa9: {  	s28 =	simm.s32 $_size_execute0_lowered;
	s5 =	sadd.s32 s5, s7;
	[dreg:$0x0] =	wrdreg $0x0  }
0xaa: {  	s7 =	sshll.u32 s28, $0x1;
	[dreg:$0x2] =	wrdreg s5  }
0xab: {  	[dreg:$0x3] =	wrdreg s7  }
0xac: {  	[dreg:$0x4] =	wrdreg $0xC0  }
0xad: {  	_ =	task [dreg:s9], $0x5FFFF  }
0xae: {  	[dreg:$0x1] =	wrdreg $0xFFFFFFFF  }
0xaf: {  	[dreg:$0x0] =	wrdreg $0x60  }
0xb0: {  	[dreg:$0x2] =	wrdreg s2  }
0xb1: {  	[dreg:$0x3] =	wrdreg s18  }
0xb2: {  	[dreg:$0x4] =	wrdreg s4  }
0xb3: {  	[dreg:$0x5] =	wrdreg s24  }
0xb4: {  	[dreg:$0x6] =	wrdreg $0xC4000  }
0xb5: {  	[dreg:$0x7] =	wrdreg $0x9  }
0xb6: {  	_ =	task.clear_ibuf [dreg:s9], $0x8FFFF;
	_ =	strace $0x90000046  }
0xb7: {  	s29 =	simm.s32 $0x9;
	_ =	strace $0x80000048  }
0xb8: {  	_ =	swait.ge [sflag:s29], $0x1  }
0xb9: {  	[sflag:s29] =	ssyncadd.s32 $0xFFFFFFFF  }
0xba: {  	_ =	strace $0x90000048  }
0xbb: {  	_ =	sfence  }
0xbc: {  	s30 =	sld [smem:$0x0];
	_ =	sdelay $0x2  }
0xbd: {  	s31 =	sshll.u32 s1, $0xD;
	s1 =	sshrl.u32 s1, $0x2  }
0xbe: {  	s3 =	sand.u32 $0x4000, s31;
	s1 =	sadd.s32 s1, s30  }
0xbf: {  	s0 =	sor.u32 s3, s0;
	s1 =	sshll.u32 s1, $0x11  }
0xc0: {  	s0 =	sor.u32 s1, s0  }
0xc1: {  	s0 =	sadd.s32 $0x8F2B, s0  }
0xc2: {  	[sflag:s0] =	ssyncadd.remote.s32 $0x1  }
0xc3: {  	_ =	sfence.sel $0xFFFF  }
0xc4: {  	[dreg:$0x0] =	wrdreg $0xFFFFFFFF;
	(pc) =	sbr.abs _section_cstart, $3  }
0xc5: {  	[dreg:$0x1] =	wrdreg $0xFFFFFFFF  }
0xc6: {  	_ =	task.clear_ibuf [dreg:s9], $0x2FFFF;
	_ =	strace $0x9FFFFFFF  }
0xc7: {  	(tm) =	ssettm $0x7FFFFFFF  }
tec
execute0_lowered:
.L_overlay_start_1:
0x0: {  	(tag) =	ssettag $0x1  }
0x1: {  	s1 =	rddreg [dreg:$0x0]  }
0x2: {  	s0 =	rddreg [dreg:$0x1]  }
0x3: {  	s2 =	rddreg [dreg:$0x3]  }
0x4: {  	s3 =	rddreg [dreg:$0x4];
	s4 =	simm.s32 $0x0  }
0x5: {  	s5 =	srdreg.scid;
	s13 =	stileid.u32;
	s15 =	simm.s32 $0xB  }
0x6: {  	s17 =	simm.s32 $0x80;
	s18 =	simm.s32 $0x400;
	s19 =	simm.s32 $0x2  }
0x7: {  	s21 =	simm.s32 $0x4400;
	s22 =	simm.s32 $0x5;
	s29 =	simm.s32 $0x8400  }
0x8: {  	s30 =	simm.s32 $0x6;
	[smem:$0x7FF] =	sst s4;
	s8 =	smul.u32 $0x4EE00, s13  }
0x9: {  	s5 =	sand.u32 $0x1, s5;
	s26 =	sshll.u32 s13, $0x6;
	s11 =	smul.u32 $0x4E000, s13  }
0xa: {  	s20 =	smul.u32 $0x2700, s13;
	s23 =	sshll.u32 s13, $0x5;
	p0 =	sne.s32 s13, $0xF  }
0xb: {  	s6 =	smul.u32 $0x27100, s5;
	_ =	strace $0x80000047;
	s7 =	ssub.s32 $0x2, s5  }
0xc: {  	s9 =	sshll.u32 s5, $0x4;
	s14 =	sor.u32 $0x1C0B, s26;
	s5 =	sshll.u32 s5, $0x9  }
0xd: {  	s26 =	simm.s32 $0x380;
	s24 =	sshrl.u32 s7, $0x1;
	s25 =	sor.u32 s13, s9  }
0xe: {  	s8 =	sshrl.u32 s8, $0x2;
	s31 =	sshrl.u32 s11, $0x2;
	[dreg:$0x7] =	wrdreg s26  }
0xf: {  	s26 =	simm.s32 $0x3;
	s11 =	simm.s32 $0xA;
	[dreg:$0x8] =	wrdreg s14  }
0x10: {  	s2 =	sadd.s32 s6, s2;
	s6 =	ssub.s32 s7, s24;
	s10 =	sshll.u32 s25, $0x5  }
0x11: {  	s8 =	sadd.s32 s8, s3;
	s7 =	ssub.s32 $0x9E3, s25;
	s25 =	simm.s32 $0x280  }
0x12: {  	s16 =	sadd.s32 s31, s3;
	s28 =	sadd.s32 s0, s10;
	[dreg:$0x6] =	wrdreg s25  }
0x13: {  	s10 =	sadd.s32 $0x138000, s3;
	s6 =	smax.u32 s6, $0x1;
	[dreg:$0x9] =	wrdreg s28  }
0x14: {  	s0 =	sadd.s32 s5, s0;
	s24 =	sshrl.u32 s8, $0x3;
	[dreg:$0xc] =	wrdreg s6  }
0x15: {  	s31 =	sshrl.u32 s16, $0x3;
	s5 =	simm.s32 $0x4;
	[dreg:$0xd] =	wrdreg s24  }
0x16: {  	s8 =	simm.s32 $0x9;
	s9 =	sadd.s32 $0x400, s28;
	[dreg:$0xf] =	wrdreg s31  }
0x17: {  	s12 =	sadd.s32 s23, s0;
	s0 =	sshrl.u32 @!p0 s10, $0x3;
	[dreg:$0xa] =	wrdreg s9  }
0x18: {  	s9 =	sshrl.u32 s7, $0x5;
	s7 =	sadd.s32 $0x1800, s2;
	[dreg:$0x10] =	wrdreg s0  }
0x19: {  	s10 =	simm.s32 $0x0;
	[dreg:$0xb] =	wrdreg s7;
	s28 =	sadd.s32 s20, s7  }
0x1a: {  	s0 =	simm.s32 $0x8;
	s2 =	simm.s32 $0x7;
	[dreg:$0xe] =	wrdreg s28  }
.LBB2_1:
0x1b: {  	[dreg:$0x11] =	wrdreg s10  }
0x1c: {  	s6 =	rddreg [dreg:$0x2]  }
0x1d: {  	s7 =	rddreg [dreg:$0xd]  }
0x1e: {  	[spmem:s7], [sflag:s14] =	dma.local [hbm:s6], $0x2770  }
0x1f: {  	_ =	swait.ge [sflag:s15], $0x2770  }
0x20: {  	[sflag:s15] =	ssyncset.done $0x0  }
0x21: {  	s25 =	rddreg [dreg:$0x9];
	[sflag:s15] =	ssyncadd.s32 $0xFFFFD890  }
0x22: {  	[tilespmem:s4], [sflag:$0x1] =	stream.linear.gather [hbm4b:s25+s4], $0x100, $0x38;
	[tilespmem:$0x1FF80] =	vst v63  }
0x23: {  	s10 =	simm.s32 $0x100;
	s13 =	simm.s32 $0x1;
	s28 =	rddreg [dreg:$0xa]  }
0x24: {  	[tilespmem:s10], [sflag:$0x2] =	stream.linear.gather [hbm4b:s28+s4], $0x100, $0x38;
	[tilespmem:$0x1FF80] =	vst v63  }
0x25: {  	_ =	swait.ge [sflag:s13], $0x100  }
0x26: {  	p1 =	por $0x1, $0x1;
	[sflag:s13] =	ssyncset.done $0x0  }
0x27: {  	p1 =	por p1, p1;
	[sflag:s13] =	ssyncadd.s32 $0xFFFFFF00  }
0x28: {  	[tilespmem:s18], [sflag:$0x5] =	stream.indirect.gather [hbm4b:s1+s17], $0x80, s4, s17, $0xb8;
	[tilespmem:$0x1FF80] =	vst v63  }
0x29: {  	s6 =	simm.s32 @!p1 $0x9;
	[bflag:$0x0] =	sbarrier.arrive $0xFFFF  }
0x2a: {  	_ =	swait.ge @!p1 [sflag:s6], $0x4000  }
0x2b: {  	[sflag:s6] =	ssyncset.done @!p1 $0x0  }
0x2c: {  	[sflag:s6] =	ssyncadd.s32 @!p1 $0xFFFFC000  }
0x2d: {  	_ =	swait.ge [sflag:s19], $0x100  }
0x2e: {  	s31 =	sadd.s32 $0x0, s12;
	[sflag:s19] =	ssyncset.done $0x0  }
0x2f: {  	s20 =	simm.s32 $0x200;
	s16 =	sadd.s32 $0x800, s31;
	[sflag:s19] =	ssyncadd.s32 $0xFFFFFF00  }
0x30: {  	[tilespmem:s20], [sflag:$0x3] =	stream.linear.gather [hbm4b:s16+s4], $0x100, $0x38;
	[tilespmem:$0x1FF80] =	vst v63  }
0x31: {  	_ = 	snop  }
0x32: {  	[tilespmem:s21], [sflag:$0x6] =	stream.indirect.gather [hbm4b:s1+s17], $0x80, s10, s17, $0xb8;
	[tilespmem:$0x1FF80] =	vst v63  }
0x33: {  	_ =	swait.ge [sflag:s22], $0x4000  }
0x34: {  	[sflag:s22] =	ssyncset.done $0x0  }
0x35: {  	s7 =	simm.s32 @!p1 $0xA;
	[sflag:s22] =	ssyncadd.s32 $0xFFFFC000  }
0x36: {  	[spmem:s3] =	stream.indirect.scatter.add.f32 [tilespmem:s18], [sflag:$0x8], $0x80, s17, s17, $0xb8;
	[tilespmem:$0x1FF80] =	vst v63  }
0x37: {  	_ =	swait.ge @!p1 [sflag:s7], $0x4000  }
0x38: {  	[sflag:s7] =	ssyncset.done @!p1 $0x0  }
0x39: {  	[sflag:s7] =	ssyncadd.s32 @!p1 $0xFFFFC000  }
0x3a: {  	_ =	swait.ge [sflag:s26], $0x100  }
0x3b: {  	[sflag:s26] =	ssyncset.done $0x0  }
0x3c: {  	s24 =	simm.s32 $0x300;
	s23 =	sadd.s32 $0xC00, s31;
	[sflag:s26] =	ssyncadd.s32 $0xFFFFFF00  }
0x3d: {  	[tilespmem:s24], [sflag:$0x4] =	stream.linear.gather [hbm4b:s23+s4], $0x100, $0x38;
	[tilespmem:$0x1FF80] =	vst v63  }
0x3e: {  	_ = 	snop  }
0x3f: {  	[tilespmem:s29], [sflag:$0x7] =	stream.indirect.gather [hbm4b:s1+s17], $0x80, s20, s17, $0xb8;
	[tilespmem:$0x1FF80] =	vst v63  }
0x40: {  	_ =	swait.ge [sflag:s30], $0x4000  }
0x41: {  	[sflag:s30] =	ssyncset.done $0x0  }
0x42: {  	s16 =	simm.s32 $0x180;
	[sflag:s30] =	ssyncadd.s32 $0xFFFFC000  }
0x43: {  	[spmem:s3] =	stream.indirect.scatter.add.f32 [tilespmem:s21], [sflag:$0x9], $0x80, s16, s17, $0xb8;
	[tilespmem:$0x1FF80] =	vst v63  }
0x44: {  	_ =	swait.ge [sflag:s0], $0x4000  }
0x45: {  	[sflag:s0] =	ssyncset.done $0x0  }
0x46: {  	[sflag:s0] =	ssyncadd.s32 $0xFFFFC000  }
0x47: {  	_ =	swait.ge [sflag:s5], $0x100  }
0x48: {  	[sflag:s5] =	ssyncset.done $0x0  }
0x49: {  	s25 =	sadd.s32 $0x1000, s31;
	[sflag:s5] =	ssyncadd.s32 $0xFFFFFF00  }
0x4a: {  	[tilespmem:s4], [sflag:$0x1] =	stream.linear.gather [hbm4b:s25+s4], $0x100, $0x38;
	[tilespmem:$0x1FF80] =	vst v63  }
0x4b: {  	_ = 	snop  }
0x4c: {  	[tilespmem:s18], [sflag:$0x5] =	stream.indirect.gather [hbm4b:s1+s17], $0x80, s24, s17, $0xb8;
	[tilespmem:$0x1FF80] =	vst v63  }
0x4d: {  	_ =	swait.ge [sflag:s2], $0x4000  }
0x4e: {  	[sflag:s2] =	ssyncset.done $0x0  }
0x4f: {  	s28 =	rddreg [dreg:$0x6];
	[sflag:s2] =	ssyncadd.s32 $0xFFFFC000  }
0x50: {  	[spmem:s3] =	stream.indirect.scatter.add.f32 [tilespmem:s29], [sflag:$0xA], $0x80, s28, s17, $0xb8;
	[tilespmem:$0x1FF80] =	vst v63  }
0x51: {  	_ =	swait.ge [sflag:s8], $0x4000  }
0x52: {  	[sflag:s8] =	ssyncset.done $0x0  }
0x53: {  	[sflag:s8] =	ssyncadd.s32 $0xFFFFC000  }
0x54: {  	_ =	swait.ge [sflag:s13], $0x100  }
0x55: {  	[sflag:s13] =	ssyncset.done $0x0  }
0x56: {  	s6 =	sadd.s32 $0x1400, s31;
	[sflag:s13] =	ssyncadd.s32 $0xFFFFFF00  }
0x57: {  	[tilespmem:s10], [sflag:$0x2] =	stream.linear.gather [hbm4b:s6+s4], $0x100, $0x38;
	[tilespmem:$0x1FF80] =	vst v63  }
0x58: {  	_ = 	snop  }
0x59: {  	[tilespmem:s21], [sflag:$0x6] =	stream.indirect.gather [hbm4b:s1+s17], $0x80, s4, s17, $0xb8;
	[tilespmem:$0x1FF80] =	vst v63  }
0x5a: {  	_ =	swait.ge [sflag:s22], $0x4000  }
0x5b: {  	[sflag:s22] =	ssyncset.done $0x0  }
0x5c: {  	s31 =	rddreg [dreg:$0x7];
	[sflag:s22] =	ssyncadd.s32 $0xFFFFC000  }
0x5d: {  	[spmem:s3] =	stream.indirect.scatter.add.f32 [tilespmem:s18], [sflag:$0x8], $0x80, s31, s17, $0xb8;
	[tilespmem:$0x1FF80] =	vst v63  }
0x5e: {  	_ =	swait.ge [sflag:s11], $0x4000  }
0x5f: {  	[sflag:s11] =	ssyncset.done $0x0  }
0x60: {  	[sflag:s11] =	ssyncadd.s32 $0xFFFFC000  }
0x61: {  	p1 =	sle.u32 s9, $0x6;
	_ =	swait.ge [sflag:s19], $0x100  }
0x62: {  	s7 =	simm.s32 @p1 $0x100;
	s14 =	simm.s32 @p1 $0x6;
	[sflag:s19] =	ssyncset.done $0x0  }
0x63: {  	s6 =	simm.s32 @p1 $0x80;
	s10 =	simm.s32 @p1 $0x8400;
	[sflag:s19] =	ssyncadd.s32 $0xFFFFFF00  }
0x64: {  	[tilespmem:s10], [sflag:$0x7] =	stream.indirect.gather @p1 [hbm4b:s1+s6], $0x80, s7, s6, $0xb8;
	[tilespmem:$0x1FF80] =	vst v63  }
0x65: {  	_ =	swait.ge @p1 [sflag:s14], $0x4000  }
0x66: {  	s23 =	simm.s32 @!p1 $0x6;
	[sflag:s14] =	ssyncset.done @p1 $0x0  }
0x67: {  	s7 =	sadd.s32 @!p1 $0x0, s12;
	s10 =	simm.s32 @p1 $0x4400;
	[sflag:s14] =	ssyncadd.s32 @p1 $0xFFFFC000  }
0x68: {  	[spmem:s3] =	stream.indirect.scatter.add.f32 @p1 [tilespmem:s10], [sflag:$0x9], $0x80, s6, s6, $0xb8;
	[tilespmem:$0x1FF80] =	vst v63  }
0x69: {  	s7 =	sadd.s32 @!p1 $0x1800, s7;
	s6 =	simm.s32 @!p1 $0x0;
	s10 =	simm.s32 @!p1 $0x200  }
0x6a: {  	[tilespmem:s10], [sflag:$0x3] =	stream.linear.gather @!p1 [hbm4b:s7+s6], $0x100, $0x38;
	[tilespmem:$0x1FF80] =	vst v63  }
0x6b: {  	s14 =	simm.s32 @!p1 $0x80;
	s6 =	simm.s32 @!p1 $0x100;
	s7 =	simm.s32 @!p1 $0x8400  }
0x6c: {  	[tilespmem:s7], [sflag:$0x7] =	stream.indirect.gather @!p1 [hbm4b:s1+s14], $0x80, s6, s14, $0xb8;
	[tilespmem:$0x1FF80] =	vst v63  }
0x6d: {  	_ =	swait.ge @!p1 [sflag:s23], $0x4000  }
0x6e: {  	[sflag:s23] =	ssyncset.done @!p1 $0x0  }
0x6f: {  	s6 =	simm.s32 @!p1 $0x4400;
	s7 =	simm.s32 @!p1 $0x8;
	[sflag:s23] =	ssyncadd.s32 @!p1 $0xFFFFC000  }
0x70: {  	[spmem:s3] =	stream.indirect.scatter.add.f32 @!p1 [tilespmem:s6], [sflag:$0x9], $0x80, s14, s14, $0xb8;
	[tilespmem:$0x1FF80] =	vst v63  }
0x71: {  	_ =	swait.ge @!p1 [sflag:s7], $0x4000  }
0x72: {  	[sflag:s7] =	ssyncset.done @!p1 $0x0  }
0x73: {  	s6 =	simm.s32 @!p1 $0x3;
	[sflag:s7] =	ssyncadd.s32 @!p1 $0xFFFFC000  }
0x74: {  	p3 =	sle.u32 s9, $0x7;
	_ =	swait.ge @!p1 [sflag:s6], $0x100  }
0x75: {  	s24 =	simm.s32 @!p3 $0x0;
	s7 =	sadd.s32 @!p3 $0x0, s12;
	[sflag:s6] =	ssyncset.done @!p1 $0x0  }
0x76: {  	s23 =	simm.s32 @!p3 $0x300;
	s7 =	sadd.s32 @!p3 $0x1C00, s7;
	[sflag:s6] =	ssyncadd.s32 @!p1 $0xFFFFFF00  }
0x77: {  	[tilespmem:s23], [sflag:$0x4] =	stream.linear.gather @!p3 [hbm4b:s7+s24], $0x100, $0x38;
	[tilespmem:$0x1FF80] =	vst v63  }
0x78: {  	s6 =	simm.s32 @!p1 $0x400  }
0x79: {  	[tilespmem:s6], [sflag:$0x5] =	stream.indirect.gather @!p1 [hbm4b:s1+s14], $0x80, s10, s14, $0xb8;
	[tilespmem:$0x1FF80] =	vst v63  }
0x7a: {  	_ =	swait.ge [sflag:s2], $0x4000  }
0x7b: {  	[sflag:s2] =	ssyncset.done $0x0  }
0x7c: {  	s7 =	simm.s32 @!p3 $0x9;
	[sflag:s2] =	ssyncadd.s32 $0xFFFFC000  }
0x7d: {  	[spmem:s3] =	stream.indirect.scatter.add.f32 [tilespmem:s29], [sflag:$0xA], $0x80, s16, s17, $0xb8;
	[tilespmem:$0x1FF80] =	vst v63  }
0x7e: {  	_ =	swait.ge @!p3 [sflag:s7], $0x4000  }
0x7f: {  	[sflag:s7] =	ssyncset.done @!p3 $0x0  }
0x80: {  	s10 =	simm.s32 @!p3 $0x4;
	[sflag:s7] =	ssyncadd.s32 @!p3 $0xFFFFC000  }
0x81: {  	p2 =	sle.u32 s9, $0x8;
	_ =	swait.ge @!p3 [sflag:s10], $0x100  }
0x82: {  	s7 =	sadd.s32 @!p2 $0x0, s12;
	[sflag:s10] =	ssyncset.done @!p3 $0x0  }
0x83: {  	s24 =	simm.s32 @!p2 $0x0;
	s7 =	sadd.s32 @!p2 $0x2000, s7;
	[sflag:s10] =	ssyncadd.s32 @!p3 $0xFFFFFF00  }
0x84: {  	[tilespmem:s24], [sflag:$0x1] =	stream.linear.gather @!p2 [hbm4b:s7+s24], $0x100, $0x38;
	[tilespmem:$0x1FF80] =	vst v63  }
0x85: {  	s25 =	simm.s32 @!p1 $0x5;
	s10 =	simm.s32 @!p3 $0x4400;
	s7 =	simm.s32 @!p3 $0x80  }
0x86: {  	[tilespmem:s10], [sflag:$0x6] =	stream.indirect.gather @!p3 [hbm4b:s1+s7], $0x80, s23, s7, $0xb8;
	[tilespmem:$0x1FF80] =	vst v63  }
0x87: {  	_ =	swait.ge @!p1 [sflag:s25], $0x4000  }
0x88: {  	[sflag:s25] =	ssyncset.done @!p1 $0x0  }
0x89: {  	s23 =	simm.s32 @!p1 $0x280;
	[sflag:s25] =	ssyncadd.s32 @!p1 $0xFFFFC000;
	s25 =	simm.s32 @!p2 $0xA  }
0x8a: {  	[spmem:s3] =	stream.indirect.scatter.add.f32 @!p1 [tilespmem:s6], [sflag:$0x8], $0x80, s23, s14, $0xb8;
	[tilespmem:$0x1FF80] =	vst v63  }
0x8b: {  	_ =	swait.ge @!p2 [sflag:s25], $0x4000  }
0x8c: {  	[sflag:s25] =	ssyncset.done @!p2 $0x0  }
0x8d: {  	s6 =	simm.s32 @!p2 $0x1;
	[sflag:s25] =	ssyncadd.s32 @!p2 $0xFFFFC000  }
0x8e: {  	p1 =	sle.u32 s9, $0x9;
	_ =	swait.ge @!p2 [sflag:s6], $0x100  }
0x8f: {  	s14 =	sadd.s32 @!p1 $0x0, s12;
	s23 =	simm.s32 @!p1 $0x100;
	[sflag:s6] =	ssyncset.done @!p2 $0x0  }
0x90: {  	s14 =	sadd.s32 @!p1 $0x2400, s14;
	s25 =	simm.s32 @!p1 $0x0;
	[sflag:s6] =	ssyncadd.s32 @!p2 $0xFFFFFF00  }
0x91: {  	[tilespmem:s23], [sflag:$0x2] =	stream.linear.gather @!p1 [hbm4b:s14+s25], $0x100, $0x38;
	[tilespmem:$0x1FF80] =	vst v63  }
0x92: {  	s6 =	simm.s32 @!p2 $0x80;
	s14 =	simm.s32 @!p2 $0x8400;
	s25 =	simm.s32 @!p3 $0x6  }
0x93: {  	[tilespmem:s14], [sflag:$0x7] =	stream.indirect.gather @!p2 [hbm4b:s1+s6], $0x80, s24, s6, $0xb8;
	[tilespmem:$0x1FF80] =	vst v63  }
0x94: {  	_ =	swait.ge @!p3 [sflag:s25], $0x4000  }
0x95: {  	[sflag:s25] =	ssyncset.done @!p3 $0x0  }
0x96: {  	s24 =	simm.s32 @!p3 $0x380;
	[sflag:s25] =	ssyncadd.s32 @!p3 $0xFFFFC000;
	s25 =	simm.s32 @!p1 $0x8  }
0x97: {  	[spmem:s3] =	stream.indirect.scatter.add.f32 @!p3 [tilespmem:s10], [sflag:$0x9], $0x80, s24, s7, $0xb8;
	[tilespmem:$0x1FF80] =	vst v63  }
0x98: {  	_ =	swait.ge @!p1 [sflag:s25], $0x4000  }
0x99: {  	[sflag:s25] =	ssyncset.done @!p1 $0x0  }
0x9a: {  	s7 =	simm.s32 @!p1 $0x2;
	[sflag:s25] =	ssyncadd.s32 @!p1 $0xFFFFC000  }
0x9b: {  	p4 =	sle.u32 s9, $0xA;
	_ =	swait.ge @!p1 [sflag:s7], $0x100  }
0x9c: {  	s10 =	sadd.s32 @!p4 $0x0, s12;
	s24 =	simm.s32 @!p4 $0x200;
	[sflag:s7] =	ssyncset.done @!p1 $0x0  }
0x9d: {  	s10 =	sadd.s32 @!p4 $0x2800, s10;
	s25 =	simm.s32 @!p4 $0x0;
	[sflag:s7] =	ssyncadd.s32 @!p1 $0xFFFFFF00  }
0x9e: {  	[tilespmem:s24], [sflag:$0x3] =	stream.linear.gather @!p4 [hbm4b:s10+s25], $0x100, $0x38;
	[tilespmem:$0x1FF80] =	vst v63  }
0x9f: {  	s7 =	simm.s32 @!p1 $0x80;
	s10 =	simm.s32 @!p1 $0x400;
	s25 =	simm.s32 @!p2 $0x7  }
0xa0: {  	[tilespmem:s10], [sflag:$0x5] =	stream.indirect.gather @!p1 [hbm4b:s1+s7], $0x80, s23, s7, $0xb8;
	[tilespmem:$0x1FF80] =	vst v63  }
0xa1: {  	_ =	swait.ge @!p2 [sflag:s25], $0x4000  }
0xa2: {  	[sflag:s25] =	ssyncset.done @!p2 $0x0  }
0xa3: {  	s23 =	simm.s32 @!p4 $0x9;
	[sflag:s25] =	ssyncadd.s32 @!p2 $0xFFFFC000  }
0xa4: {  	[spmem:s3] =	stream.indirect.scatter.add.f32 @!p2 [tilespmem:s14], [sflag:$0xA], $0x80, s6, s6, $0xb8;
	[tilespmem:$0x1FF80] =	vst v63  }
0xa5: {  	_ =	swait.ge @!p4 [sflag:s23], $0x4000  }
0xa6: {  	[sflag:s23] =	ssyncset.done @!p4 $0x0  }
0xa7: {  	s6 =	simm.s32 @!p4 $0x3;
	[sflag:s23] =	ssyncadd.s32 @!p4 $0xFFFFC000  }
0xa8: {  	p3 =	sle.u32 s9, $0xB;
	_ =	swait.ge @!p4 [sflag:s6], $0x100  }
0xa9: {  	s25 =	simm.s32 @!p3 $0x0;
	s14 =	sadd.s32 @!p3 $0x0, s12;
	[sflag:s6] =	ssyncset.done @!p4 $0x0  }
0xaa: {  	s14 =	sadd.s32 @!p3 $0x2C00, s14;
	s23 =	simm.s32 @!p3 $0x300;
	[sflag:s6] =	ssyncadd.s32 @!p4 $0xFFFFFF00  }
0xab: {  	[tilespmem:s23], [sflag:$0x4] =	stream.linear.gather @!p3 [hbm4b:s14+s25], $0x100, $0x38;
	[tilespmem:$0x1FF80] =	vst v63  }
0xac: {  	s6 =	simm.s32 @!p1 $0x5;
	s14 =	simm.s32 @!p4 $0x80;
	s25 =	simm.s32 @!p4 $0x4400  }
0xad: {  	[tilespmem:s25], [sflag:$0x6] =	stream.indirect.gather @!p4 [hbm4b:s1+s14], $0x80, s24, s14, $0xb8;
	[tilespmem:$0x1FF80] =	vst v63  }
0xae: {  	_ =	swait.ge @!p1 [sflag:s6], $0x4000  }
0xaf: {  	[sflag:s6] =	ssyncset.done @!p1 $0x0  }
0xb0: {  	s24 =	simm.s32 @!p1 $0x180;
	[sflag:s6] =	ssyncadd.s32 @!p1 $0xFFFFC000;
	s6 =	simm.s32 @!p3 $0xA  }
0xb1: {  	[spmem:s3] =	stream.indirect.scatter.add.f32 @!p1 [tilespmem:s10], [sflag:$0x8], $0x80, s24, s7, $0xb8;
	[tilespmem:$0x1FF80] =	vst v63  }
0xb2: {  	_ =	swait.ge @!p3 [sflag:s6], $0x4000  }
0xb3: {  	[sflag:s6] =	ssyncset.done @!p3 $0x0  }
0xb4: {  	s7 =	simm.s32 @!p3 $0x4;
	[sflag:s6] =	ssyncadd.s32 @!p3 $0xFFFFC000  }
0xb5: {  	p1 =	sle.u32 s9, $0xC;
	_ =	swait.ge @!p3 [sflag:s7], $0x100  }
0xb6: {  	s6 =	sadd.s32 @!p1 $0x0, s12;
	[sflag:s7] =	ssyncset.done @!p3 $0x0  }
0xb7: {  	s24 =	simm.s32 @!p1 $0x0;
	s6 =	sadd.s32 @!p1 $0x3000, s6;
	[sflag:s7] =	ssyncadd.s32 @!p3 $0xFFFFFF00  }
0xb8: {  	[tilespmem:s24], [sflag:$0x1] =	stream.linear.gather @!p1 [hbm4b:s6+s24], $0x100, $0x38;
	[tilespmem:$0x1FF80] =	vst v63  }
0xb9: {  	s10 =	simm.s32 @!p3 $0x80;
	s7 =	simm.s32 @!p4 $0x6;
	s6 =	simm.s32 @!p3 $0x8400  }
0xba: {  	[tilespmem:s6], [sflag:$0x7] =	stream.indirect.gather @!p3 [hbm4b:s1+s10], $0x80, s23, s10, $0xb8;
	[tilespmem:$0x1FF80] =	vst v63  }
0xbb: {  	_ =	swait.ge @!p4 [sflag:s7], $0x4000  }
0xbc: {  	[sflag:s7] =	ssyncset.done @!p4 $0x0  }
0xbd: {  	s23 =	simm.s32 @!p4 $0x280;
	[sflag:s7] =	ssyncadd.s32 @!p4 $0xFFFFC000;
	s7 =	simm.s32 @!p1 $0x8  }
0xbe: {  	[spmem:s3] =	stream.indirect.scatter.add.f32 @!p4 [tilespmem:s25], [sflag:$0x9], $0x80, s23, s14, $0xb8;
	[tilespmem:$0x1FF80] =	vst v63  }
0xbf: {  	_ =	swait.ge @!p1 [sflag:s7], $0x4000  }
0xc0: {  	[sflag:s7] =	ssyncset.done @!p1 $0x0  }
0xc1: {  	p6 =	por $0x0, $0x0;
	s14 =	simm.s32 @!p1 $0x1;
	[sflag:s7] =	ssyncadd.s32 @!p1 $0xFFFFC000  }
0xc2: {  	s23 =	simm.s32 $0x3000;
	p4 =	sle.u32 s9, $0xD;
	_ =	swait.ge @!p1 [sflag:s14], $0x100  }
0xc3: {  	s25 =	simm.s32 @!p4 $0x100;
	s7 =	sadd.s32 @!p4 $0x0, s12;
	[sflag:s14] =	ssyncset.done @!p1 $0x0  }
0xc4: {  	s7 =	sadd.s32 @!p4 $0x3400, s7;
	[sflag:s14] =	ssyncadd.s32 @!p1 $0xFFFFFF00;
	s14 =	simm.s32 @!p4 $0x0  }
0xc5: {  	[tilespmem:s25], [sflag:$0x2] =	stream.linear.gather @!p4 [hbm4b:s7+s14], $0x100, $0x38;
	[tilespmem:$0x1FF80] =	vst v63  }
0xc6: {  	s7 =	simm.s32 @!p1 $0x80;
	s25 =	simm.s32 @!p1 $0x400;
	s14 =	simm.s32 @!p3 $0x7  }
0xc7: {  	[tilespmem:s25], [sflag:$0x5] =	stream.indirect.gather @!p1 [hbm4b:s1+s7], $0x80, s24, s7, $0xb8;
	[tilespmem:$0x1FF80] =	vst v63  }
0xc8: {  	s7 =	simm.s32 $0x6000;
	p1 =	por p6, p6;
	_ =	swait.ge @!p3 [sflag:s14], $0x4000  }
0xc9: {  	s25 =	simm.s32 @!p3 $0x380;
	s24 =	simm.s32 $0x19;
	[sflag:s14] =	ssyncset.done @!p3 $0x0  }
.LBB2_2:
0xca: {  	s13 =	simm.s32 @!p1 $0x9;
	[sflag:s14] =	ssyncadd.s32 @!p3 $0xFFFFC000  }
0xcb: {  	[spmem:s3] =	stream.indirect.scatter.add.f32 @!p3 [tilespmem:s6], [sflag:$0xA], $0x80, s25, s10, $0xb8;
	[tilespmem:$0x1FF80] =	vst v63  }
0xcc: {  	_ =	swait.ge @!p1 [sflag:s13], $0x4000  }
0xcd: {  	[sflag:s13] =	ssyncset.done @!p1 $0x0  }
0xce: {  	[sflag:s13] =	ssyncadd.s32 @!p1 $0xFFFFC000  }
0xcf: {  	_ =	swait.ge [sflag:s19], $0x100  }
0xd0: {  	s6 =	sadd.s32 s23, s12;
	[sflag:s19] =	ssyncset.done $0x0  }
0xd1: {  	s16 =	simm.s32 $0x200;
	s15 =	sadd.s32 $0x800, s6;
	[sflag:s19] =	ssyncadd.s32 $0xFFFFFF00  }
0xd2: {  	[tilespmem:s16], [sflag:$0x3] =	stream.linear.gather [hbm4b:s15+s4], $0x100, $0x38;
	[tilespmem:$0x1FF80] =	vst v63  }
0xd3: {  	s13 =	simm.s32 $0x100  }
0xd4: {  	[tilespmem:s21], [sflag:$0x6] =	stream.indirect.gather [hbm4b:s1+s17], $0x80, s13, s17, $0xb8;
	[tilespmem:$0x1FF80] =	vst v63  }
0xd5: {  	_ =	swait.ge [sflag:s22], $0x4000  }
0xd6: {  	[sflag:s22] =	ssyncset.done $0x0  }
0xd7: {  	s10 =	simm.s32 @!p1 $0xA;
	[sflag:s22] =	ssyncadd.s32 $0xFFFFC000  }
0xd8: {  	[spmem:s3] =	stream.indirect.scatter.add.f32 [tilespmem:s18], [sflag:$0x8], $0x80, s17, s17, $0xb8;
	[tilespmem:$0x1FF80] =	vst v63  }
0xd9: {  	_ =	swait.ge @!p1 [sflag:s10], $0x4000  }
0xda: {  	[sflag:s10] =	ssyncset.done @!p1 $0x0  }
0xdb: {  	[sflag:s10] =	ssyncadd.s32 @!p1 $0xFFFFC000  }
0xdc: {  	_ =	swait.ge [sflag:s26], $0x100  }
0xdd: {  	[sflag:s26] =	ssyncset.done $0x0  }
0xde: {  	s20 =	sadd.s32 $0xC00, s6;
	s15 =	simm.s32 $0x300;
	[sflag:s26] =	ssyncadd.s32 $0xFFFFFF00  }
0xdf: {  	[tilespmem:s15], [sflag:$0x4] =	stream.linear.gather [hbm4b:s20+s4], $0x100, $0x38;
	[tilespmem:$0x1FF80] =	vst v63  }
0xe0: {  	_ = 	snop  }
0xe1: {  	[tilespmem:s29], [sflag:$0x7] =	stream.indirect.gather [hbm4b:s1+s17], $0x80, s16, s17, $0xb8;
	[tilespmem:$0x1FF80] =	vst v63  }
0xe2: {  	_ =	swait.ge [sflag:s30], $0x4000  }
0xe3: {  	[sflag:s30] =	ssyncset.done $0x0  }
0xe4: {  	s16 =	simm.s32 $0x180;
	[sflag:s30] =	ssyncadd.s32 $0xFFFFC000  }
0xe5: {  	[spmem:s3] =	stream.indirect.scatter.add.f32 [tilespmem:s21], [sflag:$0x9], $0x80, s16, s17, $0xb8;
	[tilespmem:$0x1FF80] =	vst v63  }
0xe6: {  	_ =	swait.ge [sflag:s0], $0x4000  }
0xe7: {  	[sflag:s0] =	ssyncset.done $0x0  }
0xe8: {  	[sflag:s0] =	ssyncadd.s32 $0xFFFFC000  }
0xe9: {  	_ =	swait.ge [sflag:s5], $0x100  }
0xea: {  	[sflag:s5] =	ssyncset.done $0x0  }
0xeb: {  	s28 =	sadd.s32 $0x1000, s6;
	[sflag:s5] =	ssyncadd.s32 $0xFFFFFF00  }
0xec: {  	[tilespmem:s4], [sflag:$0x1] =	stream.linear.gather [hbm4b:s28+s4], $0x100, $0x38;
	[tilespmem:$0x1FF80] =	vst v63  }
0xed: {  	_ = 	snop  }
0xee: {  	[tilespmem:s18], [sflag:$0x5] =	stream.indirect.gather [hbm4b:s1+s17], $0x80, s15, s17, $0xb8;
	[tilespmem:$0x1FF80] =	vst v63  }
0xef: {  	_ =	swait.ge [sflag:s2], $0x4000  }
0xf0: {  	[sflag:s2] =	ssyncset.done $0x0  }
0xf1: {  	s31 =	rddreg [dreg:$0x6];
	[sflag:s2] =	ssyncadd.s32 $0xFFFFC000  }
0xf2: {  	[spmem:s3] =	stream.indirect.scatter.add.f32 [tilespmem:s29], [sflag:$0xA], $0x80, s31, s17, $0xb8;
	[tilespmem:$0x1FF80] =	vst v63  }
0xf3: {  	_ =	swait.ge [sflag:s8], $0x4000  }
0xf4: {  	[sflag:s8] =	ssyncset.done $0x0  }
0xf5: {  	s14 =	simm.s32 $0x1;
	[sflag:s8] =	ssyncadd.s32 $0xFFFFC000  }
0xf6: {  	_ =	swait.ge [sflag:s14], $0x100  }
0xf7: {  	[sflag:s14] =	ssyncset.done $0x0  }
0xf8: {  	s6 =	sadd.s32 $0x1400, s6;
	[sflag:s14] =	ssyncadd.s32 $0xFFFFFF00  }
0xf9: {  	[tilespmem:s13], [sflag:$0x2] =	stream.linear.gather [hbm4b:s6+s4], $0x100, $0x38;
	[tilespmem:$0x1FF80] =	vst v63  }
0xfa: {  	_ = 	snop  }
0xfb: {  	[tilespmem:s21], [sflag:$0x6] =	stream.indirect.gather [hbm4b:s1+s17], $0x80, s4, s17, $0xb8;
	[tilespmem:$0x1FF80] =	vst v63  }
0xfc: {  	_ =	swait.ge [sflag:s22], $0x4000  }
0xfd: {  	[sflag:s22] =	ssyncset.done $0x0  }
0xfe: {  	s15 =	rddreg [dreg:$0x7];
	[sflag:s22] =	ssyncadd.s32 $0xFFFFC000  }
0xff: {  	[spmem:s3] =	stream.indirect.scatter.add.f32 [tilespmem:s18], [sflag:$0x8], $0x80, s15, s17, $0xb8;
	[tilespmem:$0x1FF80] =	vst v63  }
0x100: {  	_ =	swait.ge [sflag:s11], $0x4000  }
0x101: {  	[sflag:s11] =	ssyncset.done $0x0  }
0x102: {  	s20 =	sadd.s32 $0xFFFFFFF9, s24;
	[sflag:s11] =	ssyncadd.s32 $0xFFFFC000  }
0x103: {  	p3 =	sge.u32 s20, s9;
	_ =	swait.ge [sflag:s19], $0x100  }
0x104: {  	s10 =	simm.s32 @p3 $0x100;
	s14 =	simm.s32 @p3 $0x6;
	[sflag:s19] =	ssyncset.done $0x0  }
0x105: {  	s6 =	simm.s32 @p3 $0x80;
	s13 =	simm.s32 @p3 $0x8400;
	[sflag:s19] =	ssyncadd.s32 $0xFFFFFF00  }
0x106: {  	[tilespmem:s13], [sflag:$0x7] =	stream.indirect.gather @p3 [hbm4b:s1+s6], $0x80, s10, s6, $0xb8;
	[tilespmem:$0x1FF80] =	vst v63  }
0x107: {  	_ =	swait.ge @p3 [sflag:s14], $0x4000  }
0x108: {  	s20 =	simm.s32 @!p3 $0x8400;
	[sflag:s14] =	ssyncset.done @p3 $0x0  }
0x109: {  	s15 =	sadd.s32 @!p3 s23, s12;
	s13 =	simm.s32 @p3 $0x4400;
	[sflag:s14] =	ssyncadd.s32 @p3 $0xFFFFC000  }
0x10a: {  	[spmem:s3] =	stream.indirect.scatter.add.f32 @p3 [tilespmem:s13], [sflag:$0x9], $0x80, s6, s6, $0xb8;
	[tilespmem:$0x1FF80] =	vst v63  }
0x10b: {  	s10 =	sadd.s32 @!p3 $0x1800, s15;
	s15 =	simm.s32 @!p3 $0x200;
	s14 =	simm.s32 @!p3 $0x0  }
0x10c: {  	[tilespmem:s15], [sflag:$0x3] =	stream.linear.gather @!p3 [hbm4b:s10+s14], $0x100, $0x38;
	[tilespmem:$0x1FF80] =	vst v63  }
0x10d: {  	s6 =	simm.s32 @!p3 $0x80;
	s13 =	simm.s32 @!p3 $0x100;
	s10 =	simm.s32 @!p3 $0x6  }
0x10e: {  	[tilespmem:s20], [sflag:$0x7] =	stream.indirect.gather @!p3 [hbm4b:s1+s6], $0x80, s13, s6, $0xb8;
	[tilespmem:$0x1FF80] =	vst v63  }
0x10f: {  	_ =	swait.ge @!p3 [sflag:s10], $0x4000  }
0x110: {  	[sflag:s10] =	ssyncset.done @!p3 $0x0  }
0x111: {  	s13 =	simm.s32 @!p3 $0x4400;
	[sflag:s10] =	ssyncadd.s32 @!p3 $0xFFFFC000;
	s10 =	simm.s32 @!p3 $0x8  }
0x112: {  	[spmem:s3] =	stream.indirect.scatter.add.f32 @!p3 [tilespmem:s13], [sflag:$0x9], $0x80, s6, s6, $0xb8;
	[tilespmem:$0x1FF80] =	vst v63  }
0x113: {  	_ =	swait.ge @!p3 [sflag:s10], $0x4000  }
0x114: {  	[sflag:s10] =	ssyncset.done @!p3 $0x0  }
0x115: {  	s28 =	sadd.s32 $0xFFFFFFFA, s24;
	s13 =	simm.s32 @!p3 $0x3;
	[sflag:s10] =	ssyncadd.s32 @!p3 $0xFFFFC000  }
0x116: {  	p6 =	sge.u32 s28, s9;
	_ =	swait.ge @!p3 [sflag:s13], $0x100  }
0x117: {  	s14 =	simm.s32 @!p6 $0x300;
	s10 =	sadd.s32 @!p6 s23, s12;
	[sflag:s13] =	ssyncset.done @!p3 $0x0  }
0x118: {  	s20 =	simm.s32 @!p6 $0x0;
	s10 =	sadd.s32 @!p6 $0x1C00, s10;
	[sflag:s13] =	ssyncadd.s32 @!p3 $0xFFFFFF00  }
0x119: {  	[tilespmem:s14], [sflag:$0x4] =	stream.linear.gather @!p6 [hbm4b:s10+s20], $0x100, $0x38;
	[tilespmem:$0x1FF80] =	vst v63  }
0x11a: {  	s13 =	simm.s32 @!p3 $0x400  }
0x11b: {  	[tilespmem:s13], [sflag:$0x5] =	stream.indirect.gather @!p3 [hbm4b:s1+s6], $0x80, s15, s6, $0xb8;
	[tilespmem:$0x1FF80] =	vst v63  }
0x11c: {  	_ =	swait.ge [sflag:s2], $0x4000  }
0x11d: {  	[sflag:s2] =	ssyncset.done $0x0  }
0x11e: {  	s10 =	simm.s32 @!p6 $0x9;
	[sflag:s2] =	ssyncadd.s32 $0xFFFFC000  }
0x11f: {  	[spmem:s3] =	stream.indirect.scatter.add.f32 [tilespmem:s29], [sflag:$0xA], $0x80, s16, s17, $0xb8;
	[tilespmem:$0x1FF80] =	vst v63  }
0x120: {  	_ =	swait.ge @!p6 [sflag:s10], $0x4000  }
0x121: {  	[sflag:s10] =	ssyncset.done @!p6 $0x0  }
0x122: {  	s31 =	sadd.s32 $0xFFFFFFFB, s24;
	s15 =	simm.s32 @!p6 $0x4;
	[sflag:s10] =	ssyncadd.s32 @!p6 $0xFFFFC000  }
0x123: {  	p5 =	sge.u32 s31, s9;
	_ =	swait.ge @!p6 [sflag:s15], $0x100  }
0x124: {  	s10 =	sadd.s32 @!p5 s23, s12;
	[sflag:s15] =	ssyncset.done @!p6 $0x0  }
0x125: {  	s20 =	simm.s32 @!p5 $0x0;
	s10 =	sadd.s32 @!p5 $0x2000, s10;
	[sflag:s15] =	ssyncadd.s32 @!p6 $0xFFFFFF00  }
0x126: {  	[tilespmem:s20], [sflag:$0x1] =	stream.linear.gather @!p5 [hbm4b:s10+s20], $0x100, $0x38;
	[tilespmem:$0x1FF80] =	vst v63  }
0x127: {  	s28 =	simm.s32 @!p6 $0x4400;
	s15 =	simm.s32 @!p6 $0x80;
	s10 =	simm.s32 @!p3 $0x5  }
0x128: {  	[tilespmem:s28], [sflag:$0x6] =	stream.indirect.gather @!p6 [hbm4b:s1+s15], $0x80, s14, s15, $0xb8;
	[tilespmem:$0x1FF80] =	vst v63  }
0x129: {  	_ =	swait.ge @!p3 [sflag:s10], $0x4000  }
0x12a: {  	[sflag:s10] =	ssyncset.done @!p3 $0x0  }
0x12b: {  	s14 =	simm.s32 @!p3 $0x280;
	[sflag:s10] =	ssyncadd.s32 @!p3 $0xFFFFC000;
	s10 =	simm.s32 @!p5 $0xA  }
0x12c: {  	[spmem:s3] =	stream.indirect.scatter.add.f32 @!p3 [tilespmem:s13], [sflag:$0x8], $0x80, s14, s6, $0xb8;
	[tilespmem:$0x1FF80] =	vst v63  }
0x12d: {  	_ =	swait.ge @!p5 [sflag:s10], $0x4000  }
0x12e: {  	p4 =	seq.s32 s7, $0x0;
	[sflag:s10] =	ssyncset.done @!p5 $0x0  }
0x12f: {  	s6 =	simm.s32 @!p5 $0x1;
	s14 =	sadd.s32 $0xFFFFFFFC, s24;
	[sflag:s10] =	ssyncadd.s32 @!p5 $0xFFFFC000  }
0x130: {  	p1 =	por p4, p4;
	p4 =	sge.u32 s14, s9;
	_ =	swait.ge @!p5 [sflag:s6], $0x100  }
0x131: {  	s13 =	simm.s32 @!p4 $0x100;
	s10 =	sadd.s32 @!p4 s23, s12;
	[sflag:s6] =	ssyncset.done @!p5 $0x0  }
0x132: {  	s14 =	simm.s32 @!p4 $0x0;
	s10 =	sadd.s32 @!p4 $0x2400, s10;
	[sflag:s6] =	ssyncadd.s32 @!p5 $0xFFFFFF00  }
0x133: {  	[tilespmem:s13], [sflag:$0x2] =	stream.linear.gather @!p4 [hbm4b:s10+s14], $0x100, $0x38;
	[tilespmem:$0x1FF80] =	vst v63  }
0x134: {  	s31 =	simm.s32 @!p5 $0x8400;
	s6 =	simm.s32 @!p5 $0x80;
	s10 =	simm.s32 @!p6 $0x6  }
0x135: {  	[tilespmem:s31], [sflag:$0x7] =	stream.indirect.gather @!p5 [hbm4b:s1+s6], $0x80, s20, s6, $0xb8;
	[tilespmem:$0x1FF80] =	vst v63  }
0x136: {  	_ =	swait.ge @!p6 [sflag:s10], $0x4000  }
0x137: {  	[sflag:s10] =	ssyncset.done @!p6 $0x0  }
0x138: {  	s14 =	simm.s32 @!p6 $0x380;
	[sflag:s10] =	ssyncadd.s32 @!p6 $0xFFFFC000;
	s10 =	simm.s32 @!p4 $0x8  }
0x139: {  	[spmem:s3] =	stream.indirect.scatter.add.f32 @!p6 [tilespmem:s28], [sflag:$0x9], $0x80, s14, s15, $0xb8;
	[tilespmem:$0x1FF80] =	vst v63  }
0x13a: {  	_ =	swait.ge @!p4 [sflag:s10], $0x4000  }
0x13b: {  	[sflag:s10] =	ssyncset.done @!p4 $0x0  }
0x13c: {  	s16 =	sadd.s32 $0xFFFFFFFD, s24;
	s14 =	simm.s32 @!p4 $0x2;
	[sflag:s10] =	ssyncadd.s32 @!p4 $0xFFFFC000  }
0x13d: {  	p6 =	sge.u32 s16, s9;
	_ =	swait.ge @!p4 [sflag:s14], $0x100  }
0x13e: {  	s15 =	simm.s32 @!p6 $0x200;
	s10 =	sadd.s32 @!p6 s23, s12;
	[sflag:s14] =	ssyncset.done @!p4 $0x0  }
0x13f: {  	s20 =	simm.s32 @!p6 $0x0;
	s10 =	sadd.s32 @!p6 $0x2800, s10;
	[sflag:s14] =	ssyncadd.s32 @!p4 $0xFFFFFF00  }
0x140: {  	[tilespmem:s15], [sflag:$0x3] =	stream.linear.gather @!p6 [hbm4b:s10+s20], $0x100, $0x38;
	[tilespmem:$0x1FF80] =	vst v63  }
0x141: {  	s28 =	simm.s32 @!p4 $0x400;
	s14 =	simm.s32 @!p4 $0x80;
	s10 =	simm.s32 @!p5 $0x7  }
0x142: {  	[tilespmem:s28], [sflag:$0x5] =	stream.indirect.gather @!p4 [hbm4b:s1+s14], $0x80, s13, s14, $0xb8;
	[tilespmem:$0x1FF80] =	vst v63  }
0x143: {  	_ =	swait.ge @!p5 [sflag:s10], $0x4000  }
0x144: {  	[sflag:s10] =	ssyncset.done @!p5 $0x0  }
0x145: {  	[sflag:s10] =	ssyncadd.s32 @!p5 $0xFFFFC000;
	s10 =	simm.s32 @!p6 $0x9  }
0x146: {  	[spmem:s3] =	stream.indirect.scatter.add.f32 @!p5 [tilespmem:s31], [sflag:$0xA], $0x80, s6, s6, $0xb8;
	[tilespmem:$0x1FF80] =	vst v63  }
0x147: {  	_ =	swait.ge @!p6 [sflag:s10], $0x4000  }
0x148: {  	[sflag:s10] =	ssyncset.done @!p6 $0x0  }
0x149: {  	s20 =	sadd.s32 $0xFFFFFFFE, s24;
	s6 =	simm.s32 @!p6 $0x3;
	[sflag:s10] =	ssyncadd.s32 @!p6 $0xFFFFC000  }
0x14a: {  	p3 =	sge.u32 s20, s9;
	_ =	swait.ge @!p6 [sflag:s6], $0x100  }
0x14b: {  	s13 =	simm.s32 @!p3 $0x300;
	s10 =	sadd.s32 @!p3 s23, s12;
	[sflag:s6] =	ssyncset.done @!p6 $0x0  }
0x14c: {  	s20 =	simm.s32 @!p3 $0x0;
	s10 =	sadd.s32 @!p3 $0x2C00, s10;
	[sflag:s6] =	ssyncadd.s32 @!p6 $0xFFFFFF00  }
0x14d: {  	[tilespmem:s13], [sflag:$0x4] =	stream.linear.gather @!p3 [hbm4b:s10+s20], $0x100, $0x38;
	[tilespmem:$0x1FF80] =	vst v63  }
0x14e: {  	s16 =	simm.s32 @!p6 $0x4400;
	s31 =	simm.s32 @!p6 $0x80;
	s6 =	simm.s32 @!p4 $0x5  }
0x14f: {  	[tilespmem:s16], [sflag:$0x6] =	stream.indirect.gather @!p6 [hbm4b:s1+s31], $0x80, s15, s31, $0xb8;
	[tilespmem:$0x1FF80] =	vst v63  }
0x150: {  	_ =	swait.ge @!p4 [sflag:s6], $0x4000  }
0x151: {  	[sflag:s6] =	ssyncset.done @!p4 $0x0  }
0x152: {  	s10 =	simm.s32 @!p4 $0x180;
	[sflag:s6] =	ssyncadd.s32 @!p4 $0xFFFFC000;
	s6 =	simm.s32 @!p3 $0xA  }
0x153: {  	[spmem:s3] =	stream.indirect.scatter.add.f32 @!p4 [tilespmem:s28], [sflag:$0x8], $0x80, s10, s14, $0xb8;
	[tilespmem:$0x1FF80] =	vst v63  }
0x154: {  	_ =	swait.ge @!p3 [sflag:s6], $0x4000  }
0x155: {  	[sflag:s6] =	ssyncset.done @!p3 $0x0  }
0x156: {  	s10 =	simm.s32 @!p3 $0x4;
	s28 =	sadd.s32 $0xFFFFFFFF, s24;
	[sflag:s6] =	ssyncadd.s32 @!p3 $0xFFFFC000  }
0x157: {  	p4 =	sge.u32 s28, s9;
	_ =	swait.ge @!p3 [sflag:s10], $0x100  }
0x158: {  	s6 =	sadd.s32 @!p4 s23, s12;
	[sflag:s10] =	ssyncset.done @!p3 $0x0  }
0x159: {  	s15 =	simm.s32 @!p4 $0x0;
	s14 =	sadd.s32 @!p4 $0x3000, s6;
	[sflag:s10] =	ssyncadd.s32 @!p3 $0xFFFFFF00  }
0x15a: {  	[tilespmem:s15], [sflag:$0x1] =	stream.linear.gather @!p4 [hbm4b:s14+s15], $0x100, $0x38;
	[tilespmem:$0x1FF80] =	vst v63  }
0x15b: {  	s6 =	simm.s32 @!p3 $0x8400;
	s10 =	simm.s32 @!p3 $0x80;
	s14 =	simm.s32 @!p6 $0x6  }
0x15c: {  	[tilespmem:s6], [sflag:$0x7] =	stream.indirect.gather @!p3 [hbm4b:s1+s10], $0x80, s13, s10, $0xb8;
	[tilespmem:$0x1FF80] =	vst v63  }
0x15d: {  	_ =	swait.ge @!p6 [sflag:s14], $0x4000  }
0x15e: {  	[sflag:s14] =	ssyncset.done @!p6 $0x0  }
0x15f: {  	s13 =	simm.s32 @!p6 $0x280;
	[sflag:s14] =	ssyncadd.s32 @!p6 $0xFFFFC000;
	s14 =	simm.s32 @!p4 $0x8  }
0x160: {  	[spmem:s3] =	stream.indirect.scatter.add.f32 @!p6 [tilespmem:s16], [sflag:$0x9], $0x80, s13, s31, $0xb8;
	[tilespmem:$0x1FF80] =	vst v63  }
0x161: {  	_ =	swait.ge @!p4 [sflag:s14], $0x4000  }
0x162: {  	s25 =	smov.u32 s7;
	[sflag:s14] =	ssyncset.done @!p4 $0x0  }
0x163: {  	s7 =	sadd.s32 $0x3000, s7;
	s13 =	simm.s32 @!p4 $0x1;
	[sflag:s14] =	ssyncadd.s32 @!p4 $0xFFFFC000  }
0x164: {  	p2 =	sne.s32 s7, $0x15000;
	p5 =	sge.u32 s24, s9;
	_ =	swait.ge @!p4 [sflag:s13], $0x100  }
0x165: {  	s20 =	simm.s32 @!p5 $0x0;
	s14 =	sadd.s32 @!p5 s23, s12;
	[sflag:s13] =	ssyncset.done @!p4 $0x0  }
0x166: {  	s16 =	simm.s32 @!p5 $0x100;
	s14 =	sadd.s32 @!p5 $0x3400, s14;
	[sflag:s13] =	ssyncadd.s32 @!p4 $0xFFFFFF00  }
0x167: {  	[tilespmem:s16], [sflag:$0x2] =	stream.linear.gather @!p5 [hbm4b:s14+s20], $0x100, $0x38;
	[tilespmem:$0x1FF80] =	vst v63  }
.Ltmp0:
0x168: {  	_ = 	snop;
	(pc) =	sbr.rel @p2 .LBB2_2-.Ltmp0, $4  }
0x169: {  	s28 =	simm.s32 @!p4 $0x400;
	s13 =	simm.s32 @!p4 $0x80;
	s14 =	simm.s32 @!p3 $0x7  }
0x16a: {  	[tilespmem:s28], [sflag:$0x5] =	stream.indirect.gather @!p4 [hbm4b:s1+s13], $0x80, s15, s13, $0xb8;
	[tilespmem:$0x1FF80] =	vst v63  }
0x16b: {  	s24 =	sadd.s32 $0xC, s24;
	_ =	swait.ge @!p3 [sflag:s14], $0x4000  }
0x16c: {  	s23 =	smov.u32 s25;
	s25 =	simm.s32 @!p3 $0x380;
	[sflag:s14] =	ssyncset.done @!p3 $0x0  }
0x16d: {  	s7 =	simm.s32 @!p1 $0x9;
	[sflag:s14] =	ssyncadd.s32 @!p3 $0xFFFFC000  }
0x16e: {  	[spmem:s3] =	stream.indirect.scatter.add.f32 @!p3 [tilespmem:s6], [sflag:$0xA], $0x80, s25, s10, $0xb8;
	[tilespmem:$0x1FF80] =	vst v63  }
0x16f: {  	_ =	swait.ge @!p1 [sflag:s7], $0x4000  }
0x170: {  	[sflag:s7] =	ssyncset.done @!p1 $0x0  }
0x171: {  	[sflag:s7] =	ssyncadd.s32 @!p1 $0xFFFFC000  }
0x172: {  	_ =	swait.ge [sflag:s19], $0x100  }
0x173: {  	s10 =	sadd.s32 s23, s12;
	[sflag:s19] =	ssyncset.done $0x0  }
0x174: {  	s13 =	simm.s32 $0x200;
	s14 =	sadd.s32 $0x800, s10;
	[sflag:s19] =	ssyncadd.s32 $0xFFFFFF00  }
0x175: {  	[tilespmem:s13], [sflag:$0x3] =	stream.linear.gather [hbm4b:s14+s4], $0x100, $0x38;
	[tilespmem:$0x1FF80] =	vst v63  }
0x176: {  	s15 =	simm.s32 $0x100  }
0x177: {  	[tilespmem:s21], [sflag:$0x6] =	stream.indirect.gather [hbm4b:s1+s17], $0x80, s15, s17, $0xb8;
	[tilespmem:$0x1FF80] =	vst v63  }
0x178: {  	_ =	swait.ge [sflag:s22], $0x4000  }
0x179: {  	[sflag:s22] =	ssyncset.done $0x0  }
0x17a: {  	s7 =	simm.s32 @!p1 $0xA;
	[sflag:s22] =	ssyncadd.s32 $0xFFFFC000  }
0x17b: {  	[spmem:s3] =	stream.indirect.scatter.add.f32 [tilespmem:s18], [sflag:$0x8], $0x80, s17, s17, $0xb8;
	[tilespmem:$0x1FF80] =	vst v63  }
0x17c: {  	_ =	swait.ge @!p1 [sflag:s7], $0x4000  }
0x17d: {  	[sflag:s7] =	ssyncset.done @!p1 $0x0  }
0x17e: {  	[sflag:s7] =	ssyncadd.s32 @!p1 $0xFFFFC000  }
0x17f: {  	_ =	swait.ge [sflag:s26], $0x100  }
0x180: {  	[sflag:s26] =	ssyncset.done $0x0  }
0x181: {  	s25 =	simm.s32 $0x300;
	s20 =	sadd.s32 $0xC00, s10;
	[sflag:s26] =	ssyncadd.s32 $0xFFFFFF00  }
0x182: {  	[tilespmem:s25], [sflag:$0x4] =	stream.linear.gather [hbm4b:s20+s4], $0x100, $0x38;
	[tilespmem:$0x1FF80] =	vst v63  }
0x183: {  	_ = 	snop  }
0x184: {  	[tilespmem:s29], [sflag:$0x7] =	stream.indirect.gather [hbm4b:s1+s17], $0x80, s13, s17, $0xb8;
	[tilespmem:$0x1FF80] =	vst v63  }
0x185: {  	_ =	swait.ge [sflag:s30], $0x4000  }
0x186: {  	[sflag:s30] =	ssyncset.done $0x0  }
0x187: {  	s16 =	simm.s32 $0x180;
	[sflag:s30] =	ssyncadd.s32 $0xFFFFC000  }
0x188: {  	[spmem:s3] =	stream.indirect.scatter.add.f32 [tilespmem:s21], [sflag:$0x9], $0x80, s16, s17, $0xb8;
	[tilespmem:$0x1FF80] =	vst v63  }
0x189: {  	_ =	swait.ge [sflag:s0], $0x4000  }
0x18a: {  	[sflag:s0] =	ssyncset.done $0x0  }
0x18b: {  	[sflag:s0] =	ssyncadd.s32 $0xFFFFC000  }
0x18c: {  	_ =	swait.ge [sflag:s5], $0x100  }
0x18d: {  	[sflag:s5] =	ssyncset.done $0x0  }
0x18e: {  	s28 =	sadd.s32 $0x1000, s10;
	[sflag:s5] =	ssyncadd.s32 $0xFFFFFF00  }
0x18f: {  	[tilespmem:s4], [sflag:$0x1] =	stream.linear.gather [hbm4b:s28+s4], $0x100, $0x38;
	[tilespmem:$0x1FF80] =	vst v63  }
0x190: {  	_ = 	snop  }
0x191: {  	[tilespmem:s18], [sflag:$0x5] =	stream.indirect.gather [hbm4b:s1+s17], $0x80, s25, s17, $0xb8;
	[tilespmem:$0x1FF80] =	vst v63  }
0x192: {  	_ =	swait.ge [sflag:s2], $0x4000  }
0x193: {  	[sflag:s2] =	ssyncset.done $0x0  }
0x194: {  	s31 =	rddreg [dreg:$0x6];
	[sflag:s2] =	ssyncadd.s32 $0xFFFFC000  }
0x195: {  	[spmem:s3] =	stream.indirect.scatter.add.f32 [tilespmem:s29], [sflag:$0xA], $0x80, s31, s17, $0xb8;
	[tilespmem:$0x1FF80] =	vst v63  }
0x196: {  	_ =	swait.ge [sflag:s8], $0x4000  }
0x197: {  	[sflag:s8] =	ssyncset.done $0x0  }
0x198: {  	s13 =	simm.s32 $0x1;
	[sflag:s8] =	ssyncadd.s32 $0xFFFFC000  }
0x199: {  	_ =	swait.ge [sflag:s13], $0x100  }
0x19a: {  	[sflag:s13] =	ssyncset.done $0x0  }
0x19b: {  	s6 =	sadd.s32 $0x1400, s10;
	[sflag:s13] =	ssyncadd.s32 $0xFFFFFF00  }
0x19c: {  	[tilespmem:s15], [sflag:$0x2] =	stream.linear.gather [hbm4b:s6+s4], $0x100, $0x38;
	[tilespmem:$0x1FF80] =	vst v63  }
0x19d: {  	_ = 	snop  }
0x19e: {  	[tilespmem:s21], [sflag:$0x6] =	stream.indirect.gather [hbm4b:s1+s17], $0x80, s4, s17, $0xb8;
	[tilespmem:$0x1FF80] =	vst v63  }
0x19f: {  	_ =	swait.ge [sflag:s22], $0x4000  }
0x1a0: {  	[sflag:s22] =	ssyncset.done $0x0  }
0x1a1: {  	s14 =	rddreg [dreg:$0x7];
	[sflag:s22] =	ssyncadd.s32 $0xFFFFC000  }
0x1a2: {  	[spmem:s3] =	stream.indirect.scatter.add.f32 [tilespmem:s18], [sflag:$0x8], $0x80, s14, s17, $0xb8;
	[tilespmem:$0x1FF80] =	vst v63  }
0x1a3: {  	_ =	swait.ge [sflag:s11], $0x4000  }
0x1a4: {  	[sflag:s11] =	ssyncset.done $0x0  }
0x1a5: {  	s15 =	sadd.s32 $0xFFFFFFF9, s24;
	[sflag:s11] =	ssyncadd.s32 $0xFFFFC000  }
0x1a6: {  	p1 =	sge.u32 s15, s9;
	_ =	swait.ge [sflag:s19], $0x100  }
0x1a7: {  	s6 =	simm.s32 @p1 $0x80;
	s7 =	simm.s32 @p1 $0x100;
	[sflag:s19] =	ssyncset.done $0x0  }
0x1a8: {  	s10 =	simm.s32 @p1 $0x8400;
	s13 =	simm.s32 @p1 $0x6;
	[sflag:s19] =	ssyncadd.s32 $0xFFFFFF00  }
0x1a9: {  	[tilespmem:s10], [sflag:$0x7] =	stream.indirect.gather @p1 [hbm4b:s1+s6], $0x80, s7, s6, $0xb8;
	[tilespmem:$0x1FF80] =	vst v63  }
0x1aa: {  	_ =	swait.ge @p1 [sflag:s13], $0x4000  }
0x1ab: {  	s14 =	simm.s32 @!p1 $0x6;
	[sflag:s13] =	ssyncset.done @p1 $0x0  }
0x1ac: {  	s7 =	sadd.s32 @!p1 s23, s12;
	s10 =	simm.s32 @p1 $0x4400;
	[sflag:s13] =	ssyncadd.s32 @p1 $0xFFFFC000  }
0x1ad: {  	[spmem:s3] =	stream.indirect.scatter.add.f32 @p1 [tilespmem:s10], [sflag:$0x9], $0x80, s6, s6, $0xb8;
	[tilespmem:$0x1FF80] =	vst v63  }
0x1ae: {  	s7 =	sadd.s32 @!p1 $0x1800, s7;
	s6 =	simm.s32 @!p1 $0x0;
	s10 =	simm.s32 @!p1 $0x200  }
0x1af: {  	[tilespmem:s10], [sflag:$0x3] =	stream.linear.gather @!p1 [hbm4b:s7+s6], $0x100, $0x38;
	[tilespmem:$0x1FF80] =	vst v63  }
0x1b0: {  	s13 =	simm.s32 @!p1 $0x80;
	s6 =	simm.s32 @!p1 $0x100;
	s7 =	simm.s32 @!p1 $0x8400  }
0x1b1: {  	[tilespmem:s7], [sflag:$0x7] =	stream.indirect.gather @!p1 [hbm4b:s1+s13], $0x80, s6, s13, $0xb8;
	[tilespmem:$0x1FF80] =	vst v63  }
0x1b2: {  	_ =	swait.ge @!p1 [sflag:s14], $0x4000  }
0x1b3: {  	[sflag:s14] =	ssyncset.done @!p1 $0x0  }
0x1b4: {  	s6 =	simm.s32 @!p1 $0x4400;
	s7 =	simm.s32 @!p1 $0x8;
	[sflag:s14] =	ssyncadd.s32 @!p1 $0xFFFFC000  }
0x1b5: {  	[spmem:s3] =	stream.indirect.scatter.add.f32 @!p1 [tilespmem:s6], [sflag:$0x9], $0x80, s13, s13, $0xb8;
	[tilespmem:$0x1FF80] =	vst v63  }
0x1b6: {  	_ =	swait.ge @!p1 [sflag:s7], $0x4000  }
0x1b7: {  	[sflag:s7] =	ssyncset.done @!p1 $0x0  }
0x1b8: {  	s20 =	sadd.s32 $0xFFFFFFFA, s24;
	s6 =	simm.s32 @!p1 $0x3;
	[sflag:s7] =	ssyncadd.s32 @!p1 $0xFFFFC000  }
0x1b9: {  	p3 =	sge.u32 s20, s9;
	_ =	swait.ge @!p1 [sflag:s6], $0x100  }
0x1ba: {  	s15 =	simm.s32 @!p3 $0x0;
	s7 =	sadd.s32 @!p3 s23, s12;
	[sflag:s6] =	ssyncset.done @!p1 $0x0  }
0x1bb: {  	s14 =	simm.s32 @!p3 $0x300;
	s7 =	sadd.s32 @!p3 $0x1C00, s7;
	[sflag:s6] =	ssyncadd.s32 @!p1 $0xFFFFFF00  }
0x1bc: {  	[tilespmem:s14], [sflag:$0x4] =	stream.linear.gather @!p3 [hbm4b:s7+s15], $0x100, $0x38;
	[tilespmem:$0x1FF80] =	vst v63  }
0x1bd: {  	s6 =	simm.s32 @!p1 $0x400  }
0x1be: {  	[tilespmem:s6], [sflag:$0x5] =	stream.indirect.gather @!p1 [hbm4b:s1+s13], $0x80, s10, s13, $0xb8;
	[tilespmem:$0x1FF80] =	vst v63  }
0x1bf: {  	_ =	swait.ge [sflag:s2], $0x4000  }
0x1c0: {  	[sflag:s2] =	ssyncset.done $0x0  }
0x1c1: {  	s7 =	simm.s32 @!p3 $0x9;
	[sflag:s2] =	ssyncadd.s32 $0xFFFFC000  }
0x1c2: {  	[spmem:s3] =	stream.indirect.scatter.add.f32 [tilespmem:s29], [sflag:$0xA], $0x80, s16, s17, $0xb8;
	[tilespmem:$0x1FF80] =	vst v63  }
0x1c3: {  	_ =	swait.ge @!p3 [sflag:s7], $0x4000  }
0x1c4: {  	[sflag:s7] =	ssyncset.done @!p3 $0x0  }
0x1c5: {  	s25 =	sadd.s32 $0xFFFFFFFB, s24;
	s10 =	simm.s32 @!p3 $0x4;
	[sflag:s7] =	ssyncadd.s32 @!p3 $0xFFFFC000  }
0x1c6: {  	p2 =	sge.u32 s25, s9;
	_ =	swait.ge @!p3 [sflag:s10], $0x100  }
0x1c7: {  	s7 =	sadd.s32 @!p2 s23, s12;
	[sflag:s10] =	ssyncset.done @!p3 $0x0  }
0x1c8: {  	s15 =	simm.s32 @!p2 $0x0;
	s7 =	sadd.s32 @!p2 $0x2000, s7;
	[sflag:s10] =	ssyncadd.s32 @!p3 $0xFFFFFF00  }
0x1c9: {  	[tilespmem:s15], [sflag:$0x1] =	stream.linear.gather @!p2 [hbm4b:s7+s15], $0x100, $0x38;
	[tilespmem:$0x1FF80] =	vst v63  }
0x1ca: {  	s10 =	simm.s32 @!p3 $0x4400;
	s7 =	simm.s32 @!p3 $0x80  }
0x1cb: {  	[tilespmem:s10], [sflag:$0x6] =	stream.indirect.gather @!p3 [hbm4b:s1+s7], $0x80, s14, s7, $0xb8;
	[tilespmem:$0x1FF80] =	vst v63  }
0x1cc: {  	s14 =	simm.s32 @!p1 $0x5  }
0x1cd: {  	_ =	swait.ge @!p1 [sflag:s14], $0x4000  }
0x1ce: {  	[sflag:s14] =	ssyncset.done @!p1 $0x0  }
0x1cf: {  	[sflag:s14] =	ssyncadd.s32 @!p1 $0xFFFFC000;
	s14 =	simm.s32 @!p1 $0x280  }
0x1d0: {  	[spmem:s3] =	stream.indirect.scatter.add.f32 @!p1 [tilespmem:s6], [sflag:$0x8], $0x80, s14, s13, $0xb8;
	[tilespmem:$0x1FF80] =	vst v63  }
0x1d1: {  	s6 =	simm.s32 @!p2 $0xA  }
0x1d2: {  	_ =	swait.ge @!p2 [sflag:s6], $0x4000  }
0x1d3: {  	[sflag:s6] =	ssyncset.done @!p2 $0x0  }
0x1d4: {  	s28 =	sadd.s32 $0xFFFFFFFC, s24;
	s13 =	simm.s32 @!p2 $0x1;
	[sflag:s6] =	ssyncadd.s32 @!p2 $0xFFFFC000  }
0x1d5: {  	p1 =	sge.u32 s28, s9;
	_ =	swait.ge @!p2 [sflag:s13], $0x100  }
0x1d6: {  	s14 =	simm.s32 @!p1 $0x100;
	s6 =	sadd.s32 @!p1 s23, s12;
	[sflag:s13] =	ssyncset.done @!p2 $0x0  }
0x1d7: {  	s6 =	sadd.s32 @!p1 $0x2400, s6;
	[sflag:s13] =	ssyncadd.s32 @!p2 $0xFFFFFF00;
	s13 =	simm.s32 @!p1 $0x0  }
0x1d8: {  	[tilespmem:s14], [sflag:$0x2] =	stream.linear.gather @!p1 [hbm4b:s6+s13], $0x100, $0x38;
	[tilespmem:$0x1FF80] =	vst v63  }
0x1d9: {  	s6 =	simm.s32 @!p2 $0x80;
	s13 =	simm.s32 @!p2 $0x8400  }
0x1da: {  	[tilespmem:s13], [sflag:$0x7] =	stream.indirect.gather @!p2 [hbm4b:s1+s6], $0x80, s15, s6, $0xb8;
	[tilespmem:$0x1FF80] =	vst v63  }
0x1db: {  	s15 =	simm.s32 @!p3 $0x6  }
0x1dc: {  	_ =	swait.ge @!p3 [sflag:s15], $0x4000  }
0x1dd: {  	[sflag:s15] =	ssyncset.done @!p3 $0x0  }
0x1de: {  	[sflag:s15] =	ssyncadd.s32 @!p3 $0xFFFFC000;
	s15 =	simm.s32 @!p3 $0x380  }
0x1df: {  	[spmem:s3] =	stream.indirect.scatter.add.f32 @!p3 [tilespmem:s10], [sflag:$0x9], $0x80, s15, s7, $0xb8;
	[tilespmem:$0x1FF80] =	vst v63  }
0x1e0: {  	s7 =	simm.s32 @!p1 $0x8  }
0x1e1: {  	_ =	swait.ge @!p1 [sflag:s7], $0x4000  }
0x1e2: {  	[sflag:s7] =	ssyncset.done @!p1 $0x0  }
0x1e3: {  	s31 =	sadd.s32 $0xFFFFFFFD, s24;
	s10 =	simm.s32 @!p1 $0x2;
	[sflag:s7] =	ssyncadd.s32 @!p1 $0xFFFFC000  }
0x1e4: {  	p3 =	sge.u32 s31, s9;
	_ =	swait.ge @!p1 [sflag:s10], $0x100  }
0x1e5: {  	s15 =	simm.s32 @!p3 $0x200;
	s7 =	sadd.s32 @!p3 s23, s12;
	[sflag:s10] =	ssyncset.done @!p1 $0x0  }
0x1e6: {  	s7 =	sadd.s32 @!p3 $0x2800, s7;
	[sflag:s10] =	ssyncadd.s32 @!p1 $0xFFFFFF00;
	s10 =	simm.s32 @!p3 $0x0  }
0x1e7: {  	[tilespmem:s15], [sflag:$0x3] =	stream.linear.gather @!p3 [hbm4b:s7+s10], $0x100, $0x38;
	[tilespmem:$0x1FF80] =	vst v63  }
0x1e8: {  	s7 =	simm.s32 @!p1 $0x80;
	s10 =	simm.s32 @!p1 $0x400  }
0x1e9: {  	[tilespmem:s10], [sflag:$0x5] =	stream.indirect.gather @!p1 [hbm4b:s1+s7], $0x80, s14, s7, $0xb8;
	[tilespmem:$0x1FF80] =	vst v63  }
0x1ea: {  	s14 =	simm.s32 @!p2 $0x7  }
0x1eb: {  	_ =	swait.ge @!p2 [sflag:s14], $0x4000  }
0x1ec: {  	[sflag:s14] =	ssyncset.done @!p2 $0x0  }
0x1ed: {  	[sflag:s14] =	ssyncadd.s32 @!p2 $0xFFFFC000;
	s14 =	simm.s32 @!p3 $0x9  }
0x1ee: {  	[spmem:s3] =	stream.indirect.scatter.add.f32 @!p2 [tilespmem:s13], [sflag:$0xA], $0x80, s6, s6, $0xb8;
	[tilespmem:$0x1FF80] =	vst v63  }
0x1ef: {  	_ =	swait.ge @!p3 [sflag:s14], $0x4000  }
0x1f0: {  	s16 =	sadd.s32 $0xFFFFFFFE, s24;
	[sflag:s14] =	ssyncset.done @!p3 $0x0  }
0x1f1: {  	s6 =	simm.s32 @!p3 $0x3;
	p2 =	sge.u32 s16, s9;
	[sflag:s14] =	ssyncadd.s32 @!p3 $0xFFFFC000  }
0x1f2: {  	s13 =	sadd.s32 @!p2 s23, s12;
	_ =	swait.ge @!p3 [sflag:s6], $0x100  }
0x1f3: {  	s13 =	sadd.s32 @!p2 $0x2C00, s13;
	[sflag:s6] =	ssyncset.done @!p3 $0x0  }
0x1f4: {  	s14 =	simm.s32 @!p2 $0x300;
	[sflag:s6] =	ssyncadd.s32 @!p3 $0xFFFFFF00;
	s6 =	simm.s32 @!p2 $0x0  }
0x1f5: {  	[tilespmem:s14], [sflag:$0x4] =	stream.linear.gather @!p2 [hbm4b:s13+s6], $0x100, $0x38;
	[tilespmem:$0x1FF80] =	vst v63  }
0x1f6: {  	s6 =	simm.s32 @!p3 $0x80;
	s13 =	simm.s32 @!p3 $0x4400  }
0x1f7: {  	[tilespmem:s13], [sflag:$0x6] =	stream.indirect.gather @!p3 [hbm4b:s1+s6], $0x80, s15, s6, $0xb8;
	[tilespmem:$0x1FF80] =	vst v63  }
0x1f8: {  	s15 =	simm.s32 @!p1 $0x5  }
0x1f9: {  	_ =	swait.ge @!p1 [sflag:s15], $0x4000  }
0x1fa: {  	[sflag:s15] =	ssyncset.done @!p1 $0x0  }
0x1fb: {  	[sflag:s15] =	ssyncadd.s32 @!p1 $0xFFFFC000;
	s15 =	simm.s32 @!p1 $0x180  }
0x1fc: {  	[spmem:s3] =	stream.indirect.scatter.add.f32 @!p1 [tilespmem:s10], [sflag:$0x8], $0x80, s15, s7, $0xb8;
	[tilespmem:$0x1FF80] =	vst v63  }
0x1fd: {  	s7 =	simm.s32 @!p2 $0xA  }
0x1fe: {  	_ =	swait.ge @!p2 [sflag:s7], $0x4000  }
0x1ff: {  	[sflag:s7] =	ssyncset.done @!p2 $0x0  }
0x200: {  	s20 =	sadd.s32 $0xFFFFFFFF, s24;
	s10 =	simm.s32 @!p2 $0x4;
	[sflag:s7] =	ssyncadd.s32 @!p2 $0xFFFFC000  }
0x201: {  	p1 =	sge.u32 s20, s9;
	_ =	swait.ge @!p2 [sflag:s10], $0x100  }
0x202: {  	s7 =	sadd.s32 @!p1 s23, s12;
	[sflag:s10] =	ssyncset.done @!p2 $0x0  }
0x203: {  	s15 =	simm.s32 @!p1 $0x0;
	s7 =	sadd.s32 @!p1 $0x3000, s7;
	[sflag:s10] =	ssyncadd.s32 @!p2 $0xFFFFFF00  }
0x204: {  	[tilespmem:s15], [sflag:$0x1] =	stream.linear.gather @!p1 [hbm4b:s7+s15], $0x100, $0x38;
	[tilespmem:$0x1FF80] =	vst v63  }
0x205: {  	s10 =	simm.s32 @!p2 $0x8400;
	s7 =	simm.s32 @!p2 $0x80  }
0x206: {  	[tilespmem:s10], [sflag:$0x7] =	stream.indirect.gather @!p2 [hbm4b:s1+s7], $0x80, s14, s7, $0xb8;
	[tilespmem:$0x1FF80] =	vst v63  }
0x207: {  	s14 =	simm.s32 @!p3 $0x6  }
0x208: {  	_ =	swait.ge @!p3 [sflag:s14], $0x4000  }
0x209: {  	[sflag:s14] =	ssyncset.done @!p3 $0x0  }
0x20a: {  	[sflag:s14] =	ssyncadd.s32 @!p3 $0xFFFFC000;
	s14 =	simm.s32 @!p3 $0x280  }
0x20b: {  	[spmem:s3] =	stream.indirect.scatter.add.f32 @!p3 [tilespmem:s13], [sflag:$0x9], $0x80, s14, s6, $0xb8;
	[tilespmem:$0x1FF80] =	vst v63  }
0x20c: {  	s6 =	simm.s32 @!p1 $0x8  }
0x20d: {  	_ =	swait.ge @!p1 [sflag:s6], $0x4000  }
0x20e: {  	[sflag:s6] =	ssyncset.done @!p1 $0x0  }
0x20f: {  	[sflag:s6] =	ssyncadd.s32 @!p1 $0xFFFFC000;
	s6 =	simm.s32 @!p1 $0x1  }
0x210: {  	p3 =	sge.u32 s24, s9;
	_ =	swait.ge @!p1 [sflag:s6], $0x100  }
0x211: {  	s13 =	sadd.s32 @!p3 s23, s12;
	s14 =	simm.s32 @!p3 $0x100;
	[sflag:s6] =	ssyncset.done @!p1 $0x0  }
0x212: {  	s13 =	sadd.s32 @!p3 $0x3400, s13;
	[sflag:s6] =	ssyncadd.s32 @!p1 $0xFFFFFF00;
	s6 =	simm.s32 @!p3 $0x0  }
0x213: {  	[tilespmem:s14], [sflag:$0x2] =	stream.linear.gather @!p3 [hbm4b:s13+s6], $0x100, $0x38;
	[tilespmem:$0x1FF80] =	vst v63  }
0x214: {  	s6 =	simm.s32 @!p1 $0x80;
	s13 =	simm.s32 @!p1 $0x400  }
0x215: {  	[tilespmem:s13], [sflag:$0x5] =	stream.indirect.gather @!p1 [hbm4b:s1+s6], $0x80, s15, s6, $0xb8;
	[tilespmem:$0x1FF80] =	vst v63  }
0x216: {  	s6 =	simm.s32 @!p2 $0x7  }
0x217: {  	_ =	swait.ge @!p2 [sflag:s6], $0x4000  }
0x218: {  	[sflag:s6] =	ssyncset.done @!p2 $0x0  }
0x219: {  	[sflag:s6] =	ssyncadd.s32 @!p2 $0xFFFFC000;
	s6 =	simm.s32 @!p2 $0x380  }
0x21a: {  	[spmem:s3] =	stream.indirect.scatter.add.f32 @!p2 [tilespmem:s10], [sflag:$0xA], $0x80, s6, s7, $0xb8;
	[tilespmem:$0x1FF80] =	vst v63  }
0x21b: {  	_ =	swait.ge [sflag:s0], $0x4000  }
0x21c: {  	[sflag:s0] =	ssyncset.done $0x0  }
0x21d: {  	[sflag:s0] =	ssyncadd.s32 $0xFFFFC000  }
0x21e: {  	_ =	swait.ge [sflag:s8], $0x4000  }
0x21f: {  	[sflag:s8] =	ssyncset.done $0x0  }
0x220: {  	[sflag:s8] =	ssyncadd.s32 $0xFFFFC000  }
0x221: {  	_ =	swait.ge [sflag:s11], $0x4000  }
0x222: {  	[sflag:s11] =	ssyncset.done $0x0  }
0x223: {  	[sflag:s11] =	ssyncadd.s32 $0xFFFFC000  }
0x224: {  	[bflag:$0x0] =	sbarrier.arrive $0xFFFF  }
0x225: {  	s14 =	rddreg [dreg:$0x8]  }
0x226: {  	s24 =	rddreg [dreg:$0xe]  }
0x227: {  	s15 =	simm.s32 $0xB;
	s25 =	rddreg [dreg:$0xf]  }
0x228: {  	[hbm:s24], [sflag:s14] =	dma.local [spmem:s25], $0x2700  }
0x229: {  	_ =	swait.ge [sflag:s15], $0x2700  }
0x22a: {  	[sflag:s15] =	ssyncset.done $0x0;
	s6 =	rddreg [dreg:$0xb]  }
0x22b: {  	s7 =	rddreg [dreg:$0x10];
	[sflag:s15] =	ssyncadd.s32 $0xFFFFD900;
	s6 =	sadd.s32 @!p0 $0x27000, s6  }
0x22c: {  	[hbm:s6], [sflag:s14] =	dma.local @!p0 [spmem:s7], $0x100  }
0x22d: {  	s6 =	simm.s32 @!p0 $0xB  }
0x22e: {  	_ =	swait.ge @!p0 [sflag:s6], $0x100  }
0x22f: {  	s28 =	rddreg [dreg:$0x11]  }
0x230: {  	s31 =	rddreg [dreg:$0xc];
	s10 =	sadd.s32 $0x1, s28  }
0x231: {  	p1 =	sne.s32 s10, s31  }
.Ltmp1:
0x232: {  	_ = 	snop;
	(pc) =	sbr.rel @p1 .LBB2_1-.Ltmp1, $3  }
0x233: {  	_ =	sdelay $0x1  }
0x234: {  	[sflag:s6] =	ssyncset.done @!p0 $0x0  }
0x235: {  	[sflag:s6] =	ssyncadd.s32 @!p0 $0xFFFFFF00  }
0x236: {  	_ =	sfence.sel $0x180000  }
0x237: {  	[bflag:$0x0] =	sbarrier.arrive $0xFFFF  }
0x238: {  	_ =	strace $0x90000047  }
0x239: {  	s0 =	stileid.u32;
	[bflag:$0x2] =	sbarrier.arrive $0xFFFF  }
0x23a: {  	p0 =	sne.s32 s0, $0x0;
	s0 =	rddreg [dreg:$0x5]  }
0x23b: {  	s0 =	sadd.s32 @!p0 $0x100000, s0  }
0x23c: {  	[sflag:s0] =	ssyncadd.tile.s32 @!p0 $0x1;
	_ =	shalt  }
.Lfunc_end2:
_tile_overlayer_lowered:
.L_overlay_start_2:
0x23d: {  	(tag) =	ssettag $0x2  }
0x23e: {  	s0 =	rddreg [dreg:$0x0];
	s2 =	stileid.u32  }
0x23f: {  	s1 =	rddreg [dreg:$0x1];
	p0 =	sne.s32 s2, $0x0  }
0x240: {  	s3 =	rddreg [dreg:$0x2];
	[bflag:$0x3] =	sbarrier.arrive $0xFFFF;
	s2 =	simm.s32 @!p0 $0x1C0B  }
0x241: {  	[timem:s3], [sflag:s2] =	dma.local @!p0 [hbm:s0], s1  }
0x242: {  	s0 =	simm.s32 @!p0 $0xB  }
0x243: {  	_ =	swait.ge @!p0 [sflag:s0], s1  }
0x244: {  	s1 =	ssub.s32 @!p0 $0x0, s1;
	[sflag:s0] =	ssyncset.done @!p0 $0x0  }
0x245: {  	[sflag:s0] =	ssyncadd.s32 @!p0 s1  }
0x246: {  	[bflag:$0x3] =	sbarrier.arrive $0xFFFF  }
0x247: {  	_ =	shalt  }

</sc_bundles>
